<compile_context>
chip_gen: v7x
topology: tpu7x:2x2x1
jax: 0.10.2.dev20260603
libtpu: 0.0.44.dev20260713+nightly
codegen_flags: <defaults>
</compile_context>

<pallas_src>
import functools

import jax
import jax.numpy as jnp
from jax import lax
from jax.experimental import pallas as pl
from jax.experimental.pallas import tpu as pltpu
from jax.experimental.pallas import tpu_sc as plsc

N, E = 32768, 64
TOP_K = 2
EPS2 = 0.02

L = 16
NC, NS = 2, 16
NW = NC * NS
TW = N // NW
C = 512
NCH = TW // C
G = C // L
B = 128
OR = 2 * C // B

_mesh = plsc.VectorSubcoreMesh(
    core_axis_name="c", subcore_axis_name="s", num_cores=NC, num_subcores=NS
)


@functools.partial(
    pl.kernel,
    out_type=(
        jax.ShapeDtypeStruct((N * TOP_K // B, B), jnp.int32),
        jax.ShapeDtypeStruct((N * TOP_K // B, B), jnp.float32),
    ),
    mesh=_mesh,
    scratch_types=[
        pltpu.VMEM((E, C), jnp.float32),
        pltpu.VMEM((OR, B), jnp.int32),
        pltpu.VMEM((OR, B), jnp.float32),
    ],
    compiler_params=pltpu.CompilerParams(needs_layout_passes=False),
)
def _router(logits_t_hbm, idx_hbm, scl_hbm, inbuf, oidx, oscl):
    wid = lax.axis_index("s") * NC + lax.axis_index("c")
    tok0 = wid * TW
    orow0 = wid * (TW * TOP_K // B)

    neg_inf = jnp.full((L,), -jnp.inf, jnp.float32)
    fzero = jnp.zeros((L,), jnp.float32)
    zeros_i = jnp.zeros((L,), jnp.int32)

    def chunk_body(c, _):
        pltpu.sync_copy(logits_t_hbm.at[:, pl.ds(tok0 + c * C, C)], inbuf)
        buf = inbuf

        def group_body(g, _, buf=buf):
            t0 = g * L

            tops = []
            for q in range(4):
                m1q, i1q = neg_inf, zeros_i
                m2q, i2q = neg_inf, zeros_i
                for j in range(L):
                    e = q * L + j
                    col = jnp.full((L,), e, jnp.int32)
                    x = buf[e, pl.ds(t0, L)]
                    gt1 = x > m1q
                    gt2 = x > m2q
                    m2q = jnp.where(gt1, m1q, jnp.where(gt2, x, m2q))
                    i2q = jnp.where(gt1, i1q, jnp.where(gt2, col, i2q))
                    m1q = jnp.where(gt1, x, m1q)
                    i1q = jnp.where(gt1, col, i1q)
                tops.append((m1q, i1q, m2q, i2q))

            def merge(A, Bq):
                mA1, iA1, mA2, iA2 = A
                mB1, iB1, mB2, iB2 = Bq
                gtB1 = mB1 > mA1
                gt2b = mB2 > mA1
                gt2a = mB1 > mA2
                m1 = jnp.where(gtB1, mB1, mA1)
                i1 = jnp.where(gtB1, iB1, iA1)
                c2v = jnp.where(gt2b, mB2, mA1)
                c2i = jnp.where(gt2b, iB2, iA1)
                d2v = jnp.where(gt2a, mB1, mA2)
                d2i = jnp.where(gt2a, iB1, iA2)
                m2 = jnp.where(gtB1, c2v, d2v)
                i2 = jnp.where(gtB1, c2i, d2i)
                return m1, i1, m2, i2

            m1, i1, m2, i2 = merge(merge(tops[0], tops[1]), merge(tops[2], tops[3]))

            dm = m1 - m2
            ek = jnp.exp(dm)
            s1s = [fzero, fzero, fzero, fzero]
            t2s = [fzero, fzero, fzero, fzero]
            for e in range(E):
                x = buf[e, pl.ds(t0, L)]
                d1 = x - m1
                e1 = jnp.exp(d1)
                a = jnp.abs(x)
                drop1 = d1 < -EPS2 * jnp.maximum(a, m1)
                s1s[e % 4] = s1s[e % 4] + jnp.where(drop1, fzero, e1)
                drop2 = (d1 + dm) < -EPS2 * jnp.maximum(a, m2)
                t2s[e % 4] = t2s[e % 4] + jnp.where(drop2, fzero, e1)
            s1 = (s1s[0] + s1s[1]) + (s1s[2] + s1s[3])
            t2 = (t2s[0] + t2s[1]) + (t2s[2] + t2s[3])

            brow = 2 * (g // (B // L))
            jcol = (g % (B // L)) * L
            oidx[brow, pl.ds(jcol, L)] = i1
            oidx[brow + 1, pl.ds(jcol, L)] = i2
            oscl[brow, pl.ds(jcol, L)] = 1.0 / s1
            oscl[brow + 1, pl.ds(jcol, L)] = 1.0 / (ek * (t2 - 1.0))
            return 0

        lax.fori_loop(0, G, group_body, 0)
        pltpu.sync_copy(oidx, idx_hbm.at[pl.ds(orow0 + c * OR, OR)])
        pltpu.sync_copy(oscl, scl_hbm.at[pl.ds(orow0 + c * OR, OR)])
        return 0

    lax.fori_loop(0, NCH, chunk_body, 0)


def kernel(router_logits):
    idx_p, scl_p = _router(router_logits.T)
    idx = idx_p.reshape(N // B, TOP_K, B).transpose(0, 2, 1).reshape(N, TOP_K)
    scl = scl_p.reshape(N // B, TOP_K, B).transpose(0, 2, 1).reshape(N, TOP_K)
    return idx, scl

# --- scband reference (transcript-rebuilt; emitter-appended) ---
"""Pipeline reference for scband-sparse-mixer-moe-routing-method-66340064854665 (READ-ONLY COPY).

The authoritative reference and input builder live on the scoring server;
editing this copy changes nothing except your own understanding.
"""

import jax, jax.numpy as jnp
import numpy as np

TOP_K = 2
EPS = 0.01


def setup_inputs(seed: int = 0) -> dict:
    key = jax.random.key(seed)
    router_logits = jax.random.normal(key, (32768, 64), dtype=jnp.float32)
    return {"router_logits": router_logits}


def reference(router_logits):
    # Faithful JAX translation of SparseMixerMoeRoutingMethod.apply
    logits = router_logits.astype(jnp.float32)
    n_tokens = logits.shape[0]
    rows = jnp.arange(n_tokens)
    topk_indices = []
    topk_values = []
    for i in range(TOP_K):
        if i > 0:
            # mask out previously selected expert (in torch: scatter_ -inf in-place)
            max_elem = jnp.argmax(logits, axis=-1)
            logits = logits.at[rows, max_elem].set(-jnp.inf)
        max_indices = jnp.argmax(logits, axis=-1, keepdims=True)  # (N, 1)
        max_values = jnp.take_along_axis(logits, max_indices, axis=-1)  # (N, 1)
        topk_indices.append(max_indices[:, 0].astype(jnp.int32))
        # sparse-mixer mask: keep experts close to the max
        mask = (max_values - logits) / jnp.maximum(jnp.abs(logits), max_values) > 2.0 * EPS
        masked_logits = jnp.where(mask, -jnp.inf, logits)
        softmax_masked_logits = jax.nn.softmax(masked_logits, axis=-1)
        selected_values = jnp.take_along_axis(softmax_masked_logits, max_indices, axis=-1)
        topk_values.append(selected_values[:, 0])
    token_selected_experts = jnp.stack(topk_indices, axis=1).astype(jnp.int32)
    token_final_scales = jnp.stack(topk_values, axis=1)
    return (token_selected_experts, token_final_scales)

if __name__ == "__main__":
    import jax
    _d = setup_inputs()
    print(jax.jit(kernel)(*tuple(_d.values())))

</pallas_src>

<mosaic_0001>
#map = affine_map<(d0, d1) -> (0, 0)>
module attributes {stable_mosaic.version = 14 : i64} {
  func.func @_router(%arg0: i32, %arg1: i32, %arg2: memref<64x32768xf32, #tpu.memory_space<hbm>>, %arg3: memref<512x128xi32, #tpu.memory_space<hbm>>, %arg4: memref<512x128xf32, #tpu.memory_space<hbm>>, %arg5: memref<64x512xf32, #tpu.memory_space<vmem>>, %arg6: memref<8x128xi32, #tpu.memory_space<vmem>>, %arg7: memref<8x128xf32, #tpu.memory_space<vmem>>) attributes {dimension_semantics = [#tpu.dimension_semantics<core_parallel>, #tpu.dimension_semantics<subcore_parallel>], iteration_bounds = array<i64: 2, 16>, scalar_prefetch = 0 : i64, scratch_operands = 3 : i64, tpu.core_type = #tpu.core_type<sc_vector_subcore>, window_params = [{transform_indices = #map}, {transform_indices = #map}, {transform_indices = #map}]} {
    %mul3A = arith.constant 2 : i32
    %mul3A_0 = arith.muli %arg1, %mul3A : i32
    %add3A = arith.addi %mul3A_0, %arg0 : i32
    %mul3A_1 = arith.constant 1024 : i32
    %mul3A_2 = arith.muli %add3A, %mul3A_1 : i32
    %mul3A_3 = arith.constant 16 : i32
    %mul3A_4 = arith.muli %add3A, %mul3A_3 : i32
    %broadcast_in_dim3A = arith.constant 0xFF800000 : f32
    %broadcast_in_dim3A_5 = vector.broadcast %broadcast_in_dim3A : f32 to vector<16xf32>
    %broadcast_in_dim3A_6 = arith.constant 0.000000e+00 : f32
    %broadcast_in_dim3A_7 = vector.broadcast %broadcast_in_dim3A_6 : f32 to vector<16xf32>
    %broadcast_in_dim3A_8 = arith.constant 0 : i32
    %broadcast_in_dim3A_9 = vector.broadcast %broadcast_in_dim3A_8 : i32 to vector<16xi32>
    %scan3A = arith.constant 0 : i32
    %scan3A_10 = arith.constant 0 : i32
    %scan3A_11 = arith.constant 2 : i32
    %scan3A_12 = arith.addi %scan3A_10, %scan3A_11 : i32
    %scan3A_13 = arith.constant 1 : i32
    %scan3A_14 = scf.for %scan3A_16 = %scan3A_10 to %scan3A_12 step %scan3A_13 iter_args(%scan3A_17 = %scan3A) -> (i32)  : i32 {
      %mul3A_18 = arith.constant 512 : i32
      %mul3A_19 = arith.muli %scan3A_16, %mul3A_18 : i32
      %add3A_20 = arith.addi %mul3A_2, %mul3A_19 : i32
      "tpu.region"() ({
        %run_scoped3A = tpu.sem_alloc : memref<!tpu.dma_semaphore, #tpu.memory_space<semaphore_mem>>
        %dma_start3A = arith.constant 0 : i32
        %dma_start3A_35 = tpu.memref_slice %arg2[%dma_start3A, %add3A_20] : memref<64x32768xf32, #tpu.memory_space<hbm>> -> memref<64x512xf32, #tpu.memory_space<hbm>>
        %dma_start3A_36 = arith.constant 0 : i32
        %dma_start3A_37 = tpu.memref_slice %arg2[%dma_start3A_36, %add3A_20] : memref<64x32768xf32, #tpu.memory_space<hbm>> -> memref<64x512xf32, #tpu.memory_space<hbm>>
        tpu.enqueue_dma source(%dma_start3A_37 : memref<64x512xf32, #tpu.memory_space<hbm>>) target(%arg5 : memref<64x512xf32, #tpu.memory_space<vmem>>) target_semaphore(%run_scoped3A : memref<!tpu.dma_semaphore, #tpu.memory_space<semaphore_mem>>)
        %dma_wait3A = arith.constant 0 : i32
        %dma_wait3A_38 = tpu.memref_slice %arg2[%dma_wait3A, %add3A_20] : memref<64x32768xf32, #tpu.memory_space<hbm>> -> memref<64x512xf32, #tpu.memory_space<hbm>>
        %dma_wait3A_39 = arith.constant 0 : i32
        %dma_wait3A_40 = tpu.memref_slice %arg2[%dma_wait3A_39, %add3A_20] : memref<64x32768xf32, #tpu.memory_space<hbm>> -> memref<64x512xf32, #tpu.memory_space<hbm>>
        tpu.wait_dma2 semaphore(%run_scoped3A : memref<!tpu.dma_semaphore, #tpu.memory_space<semaphore_mem>>) src(%dma_wait3A_40 : memref<64x512xf32, #tpu.memory_space<hbm>>) dst(%arg5 : memref<64x512xf32, #tpu.memory_space<vmem>>)
        tpu.yield
      }) : () -> ()
      %scan3A_21 = arith.constant 0 : i32
      %scan3A_22 = arith.constant 0 : i32
      %scan3A_23 = arith.constant 32 : i32
      %scan3A_24 = arith.addi %scan3A_22, %scan3A_23 : i32
      %scan3A_25 = arith.constant 1 : i32
      %scan3A_26 = scf.for %scan3A_35 = %scan3A_22 to %scan3A_24 step %scan3A_25 iter_args(%scan3A_36 = %scan3A_21) -> (i32)  : i32 {
        %mul3A_37 = arith.constant 16 : i32
        %mul3A_38 = arith.muli %scan3A_35, %mul3A_37 : i32
        %broadcast_in_dim3A_39 = arith.constant 0 : i32
        %broadcast_in_dim3A_40 = vector.broadcast %broadcast_in_dim3A_39 : i32 to vector<16xi32>
        %get3A = arith.constant 0 : i32
        %get3A_41 = arith.index_cast %get3A : i32 to index
        %get3A_42 = arith.index_cast %mul3A_38 : i32 to index
        %get3A_43 = tpu.vector_load %arg5[%get3A_41, %get3A_42] {strides = array<i32>} : memref<64x512xf32, #tpu.memory_space<vmem>>, vector<16xf32>,
        %gt3A = arith.cmpf ogt, %get3A_43, %broadcast_in_dim3A_5 : vector<16xf32>
        %gt3A_44 = arith.cmpf ogt, %get3A_43, %broadcast_in_dim3A_5 : vector<16xf32>
        %select_n3A = arith.select %gt3A_44, %get3A_43, %broadcast_in_dim3A_5 : vector<16xi1>, vector<16xf32>
        %select_n3A_45 = arith.select %gt3A, %broadcast_in_dim3A_5, %select_n3A : vector<16xi1>, vector<16xf32>
        %select_n3A_46 = arith.select %gt3A_44, %broadcast_in_dim3A_40, %broadcast_in_dim3A_9 : vector<16xi1>, vector<16xi32>
        %select_n3A_47 = arith.select %gt3A, %broadcast_in_dim3A_9, %select_n3A_46 : vector<16xi1>, vector<16xi32>
        %select_n3A_48 = arith.select %gt3A, %get3A_43, %broadcast_in_dim3A_5 : vector<16xi1>, vector<16xf32>
        %select_n3A_49 = arith.select %gt3A, %broadcast_in_dim3A_40, %broadcast_in_dim3A_9 : vector<16xi1>, vector<16xi32>
        %broadcast_in_dim3A_50 = arith.constant 1 : i32
        %broadcast_in_dim3A_51 = vector.broadcast %broadcast_in_dim3A_50 : i32 to vector<16xi32>
        %get3A_52 = arith.constant 1 : i32
        %get3A_53 = arith.index_cast %get3A_52 : i32 to index
        %get3A_54 = arith.index_cast %mul3A_38 : i32 to index
        %get3A_55 = tpu.vector_load %arg5[%get3A_53, %get3A_54] {strides = array<i32>} : memref<64x512xf32, #tpu.memory_space<vmem>>, vector<16xf32>,
        %gt3A_56 = arith.cmpf ogt, %get3A_55, %select_n3A_48 : vector<16xf32>
        %gt3A_57 = arith.cmpf ogt, %get3A_55, %select_n3A_45 : vector<16xf32>
        %select_n3A_58 = arith.select %gt3A_57, %get3A_55, %select_n3A_45 : vector<16xi1>, vector<16xf32>
        %select_n3A_59 = arith.select %gt3A_56, %select_n3A_48, %select_n3A_58 : vector<16xi1>, vector<16xf32>
        %select_n3A_60 = arith.select %gt3A_57, %broadcast_in_dim3A_51, %select_n3A_47 : vector<16xi1>, vector<16xi32>
        %select_n3A_61 = arith.select %gt3A_56, %select_n3A_49, %select_n3A_60 : vector<16xi1>, vector<16xi32>
        %select_n3A_62 = arith.select %gt3A_56, %get3A_55, %select_n3A_48 : vector<16xi1>, vector<16xf32>
        %select_n3A_63 = arith.select %gt3A_56, %broadcast_in_dim3A_51, %select_n3A_49 : vector<16xi1>, vector<16xi32>
        %broadcast_in_dim3A_64 = arith.constant 2 : i32
        %broadcast_in_dim3A_65 = vector.broadcast %broadcast_in_dim3A_64 : i32 to vector<16xi32>
        %get3A_66 = arith.constant 2 : i32
        %get3A_67 = arith.index_cast %get3A_66 : i32 to index
        %get3A_68 = arith.index_cast %mul3A_38 : i32 to index
        %get3A_69 = tpu.vector_load %arg5[%get3A_67, %get3A_68] {strides = array<i32>} : memref<64x512xf32, #tpu.memory_space<vmem>>, vector<16xf32>,
        %gt3A_70 = arith.cmpf ogt, %get3A_69, %select_n3A_62 : vector<16xf32>
        %gt3A_71 = arith.cmpf ogt, %get3A_69, %select_n3A_59 : vector<16xf32>
        %select_n3A_72 = arith.select %gt3A_71, %get3A_69, %select_n3A_59 : vector<16xi1>, vector<16xf32>
        %select_n3A_73 = arith.select %gt3A_70, %select_n3A_62, %select_n3A_72 : vector<16xi1>, vector<16xf32>
        %select_n3A_74 = arith.select %gt3A_71, %broadcast_in_dim3A_65, %select_n3A_61 : vector<16xi1>, vector<16xi32>
        %select_n3A_75 = arith.select %gt3A_70, %select_n3A_63, %select_n3A_74 : vector<16xi1>, vector<16xi32>
        %select_n3A_76 = arith.select %gt3A_70, %get3A_69, %select_n3A_62 : vector<16xi1>, vector<16xf32>
        %select_n3A_77 = arith.select %gt3A_70, %broadcast_in_dim3A_65, %select_n3A_63 : vector<16xi1>, vector<16xi32>
        %broadcast_in_dim3A_78 = arith.constant 3 : i32
        %broadcast_in_dim3A_79 = vector.broadcast %broadcast_in_dim3A_78 : i32 to vector<16xi32>
        %get3A_80 = arith.constant 3 : i32
        %get3A_81 = arith.index_cast %get3A_80 : i32 to index
        %get3A_82 = arith.index_cast %mul3A_38 : i32 to index
        %get3A_83 = tpu.vector_load %arg5[%get3A_81, %get3A_82] {strides = array<i32>} : memref<64x512xf32, #tpu.memory_space<vmem>>, vector<16xf32>,
        %gt3A_84 = arith.cmpf ogt, %get3A_83, %select_n3A_76 : vector<16xf32>
        %gt3A_85 = arith.cmpf ogt, %get3A_83, %select_n3A_73 : vector<16xf32>
        %select_n3A_86 = arith.select %gt3A_85, %get3A_83, %select_n3A_73 : vector<16xi1>, vector<16xf32>
        %select_n3A_87 = arith.select %gt3A_84, %select_n3A_76, %select_n3A_86 : vector<16xi1>, vector<16xf32>
        %select_n3A_88 = arith.select %gt3A_85, %broadcast_in_dim3A_79, %select_n3A_75 : vector<16xi1>, vector<16xi32>
        %select_n3A_89 = arith.select %gt3A_84, %select_n3A_77, %select_n3A_88 : vector<16xi1>, vector<16xi32>
        %select_n3A_90 = arith.select %gt3A_84, %get3A_83, %select_n3A_76 : vector<16xi1>, vector<16xf32>
        %select_n3A_91 = arith.select %gt3A_84, %broadcast_in_dim3A_79, %select_n3A_77 : vector<16xi1>, vector<16xi32>
        %broadcast_in_dim3A_92 = arith.constant 4 : i32
        %broadcast_in_dim3A_93 = vector.broadcast %broadcast_in_dim3A_92 : i32 to vector<16xi32>
        %get3A_94 = arith.constant 4 : i32
        %get3A_95 = arith.index_cast %get3A_94 : i32 to index
        %get3A_96 = arith.index_cast %mul3A_38 : i32 to index
        %get3A_97 = tpu.vector_load %arg5[%get3A_95, %get3A_96] {strides = array<i32>} : memref<64x512xf32, #tpu.memory_space<vmem>>, vector<16xf32>,
        %gt3A_98 = arith.cmpf ogt, %get3A_97, %select_n3A_90 : vector<16xf32>
        %gt3A_99 = arith.cmpf ogt, %get3A_97, %select_n3A_87 : vector<16xf32>
        %select_n3A_100 = arith.select %gt3A_99, %get3A_97, %select_n3A_87 : vector<16xi1>, vector<16xf32>
        %select_n3A_101 = arith.select %gt3A_98, %select_n3A_90, %select_n3A_100 : vector<16xi1>, vector<16xf32>
        %select_n3A_102 = arith.select %gt3A_99, %broadcast_in_dim3A_93, %select_n3A_89 : vector<16xi1>, vector<16xi32>
        %select_n3A_103 = arith.select %gt3A_98, %select_n3A_91, %select_n3A_102 : vector<16xi1>, vector<16xi32>
        %select_n3A_104 = arith.select %gt3A_98, %get3A_97, %select_n3A_90 : vector<16xi1>, vector<16xf32>
        %select_n3A_105 = arith.select %gt3A_98, %broadcast_in_dim3A_93, %select_n3A_91 : vector<16xi1>, vector<16xi32>
        %broadcast_in_dim3A_106 = arith.constant 5 : i32
        %broadcast_in_dim3A_107 = vector.broadcast %broadcast_in_dim3A_106 : i32 to vector<16xi32>
        %get3A_108 = arith.constant 5 : i32
        %get3A_109 = arith.index_cast %get3A_108 : i32 to index
        %get3A_110 = arith.index_cast %mul3A_38 : i32 to index
        %get3A_111 = tpu.vector_load %arg5[%get3A_109, %get3A_110] {strides = array<i32>} : memref<64x512xf32, #tpu.memory_space<vmem>>, vector<16xf32>,
        %gt3A_112 = arith.cmpf ogt, %get3A_111, %select_n3A_104 : vector<16xf32>
        %gt3A_113 = arith.cmpf ogt, %get3A_111, %select_n3A_101 : vector<16xf32>
        %select_n3A_114 = arith.select %gt3A_113, %get3A_111, %select_n3A_101 : vector<16xi1>, vector<16xf32>
        %select_n3A_115 = arith.select %gt3A_112, %select_n3A_104, %select_n3A_114 : vector<16xi1>, vector<16xf32>
        %select_n3A_116 = arith.select %gt3A_113, %broadcast_in_dim3A_107, %select_n3A_103 : vector<16xi1>, vector<16xi32>
        %select_n3A_117 = arith.select %gt3A_112, %select_n3A_105, %select_n3A_116 : vector<16xi1>, vector<16xi32>
        %select_n3A_118 = arith.select %gt3A_112, %get3A_111, %select_n3A_104 : vector<16xi1>, vector<16xf32>
        %select_n3A_119 = arith.select %gt3A_112, %broadcast_in_dim3A_107, %select_n3A_105 : vector<16xi1>, vector<16xi32>
        %broadcast_in_dim3A_120 = arith.constant 6 : i32
        %broadcast_in_dim3A_121 = vector.broadcast %broadcast_in_dim3A_120 : i32 to vector<16xi32>
        %get3A_122 = arith.constant 6 : i32
        %get3A_123 = arith.index_cast %get3A_122 : i32 to index
        %get3A_124 = arith.index_cast %mul3A_38 : i32 to index
        %get3A_125 = tpu.vector_load %arg5[%get3A_123, %get3A_124] {strides = array<i32>} : memref<64x512xf32, #tpu.memory_space<vmem>>, vector<16xf32>,
        %gt3A_126 = arith.cmpf ogt, %get3A_125, %select_n3A_118 : vector<16xf32>
        %gt3A_127 = arith.cmpf ogt, %get3A_125, %select_n3A_115 : vector<16xf32>
        %select_n3A_128 = arith.select %gt3A_127, %get3A_125, %select_n3A_115 : vector<16xi1>, vector<16xf32>
        %select_n3A_129 = arith.select %gt3A_126, %select_n3A_118, %select_n3A_128 : vector<16xi1>, vector<16xf32>
        %select_n3A_130 = arith.select %gt3A_127, %broadcast_in_dim3A_121, %select_n3A_117 : vector<16xi1>, vector<16xi32>
        %select_n3A_131 = arith.select %gt3A_126, %select_n3A_119, %select_n3A_130 : vector<16xi1>, vector<16xi32>
        %select_n3A_132 = arith.select %gt3A_126, %get3A_125, %select_n3A_118 : vector<16xi1>, vector<16xf32>
        %select_n3A_133 = arith.select %gt3A_126, %broadcast_in_dim3A_121, %select_n3A_119 : vector<16xi1>, vector<16xi32>
        %broadcast_in_dim3A_134 = arith.constant 7 : i32
        %broadcast_in_dim3A_135 = vector.broadcast %broadcast_in_dim3A_134 : i32 to vector<16xi32>
        %get3A_136 = arith.constant 7 : i32
        %get3A_137 = arith.index_cast %get3A_136 : i32 to index
        %get3A_138 = arith.index_cast %mul3A_38 : i32 to index
        %get3A_139 = tpu.vector_load %arg5[%get3A_137, %get3A_138] {strides = array<i32>} : memref<64x512xf32, #tpu.memory_space<vmem>>, vector<16xf32>,
        %gt3A_140 = arith.cmpf ogt, %get3A_139, %select_n3A_132 : vector<16xf32>
        %gt3A_141 = arith.cmpf ogt, %get3A_139, %select_n3A_129 : vector<16xf32>
        %select_n3A_142 = arith.select %gt3A_141, %get3A_139, %select_n3A_129 : vector<16xi1>, vector<16xf32>
        %select_n3A_143 = arith.select %gt3A_140, %select_n3A_132, %select_n3A_142 : vector<16xi1>, vector<16xf32>
        %select_n3A_144 = arith.select %gt3A_141, %broadcast_in_dim3A_135, %select_n3A_131 : vector<16xi1>, vector<16xi32>
        %select_n3A_145 = arith.select %gt3A_140, %select_n3A_133, %select_n3A_144 : vector<16xi1>, vector<16xi32>
        %select_n3A_146 = arith.select %gt3A_140, %get3A_139, %select_n3A_132 : vector<16xi1>, vector<16xf32>
        %select_n3A_147 = arith.select %gt3A_140, %broadcast_in_dim3A_135, %select_n3A_133 : vector<16xi1>, vector<16xi32>
        %broadcast_in_dim3A_148 = arith.constant 8 : i32
        %broadcast_in_dim3A_149 = vector.broadcast %broadcast_in_dim3A_148 : i32 to vector<16xi32>
        %get3A_150 = arith.constant 8 : i32
        %get3A_151 = arith.index_cast %get3A_150 : i32 to index
        %get3A_152 = arith.index_cast %mul3A_38 : i32 to index
        %get3A_153 = tpu.vector_load %arg5[%get3A_151, %get3A_152] {strides = array<i32>} : memref<64x512xf32, #tpu.memory_space<vmem>>, vector<16xf32>,
        %gt3A_154 = arith.cmpf ogt, %get3A_153, %select_n3A_146 : vector<16xf32>
        %gt3A_155 = arith.cmpf ogt, %get3A_153, %select_n3A_143 : vector<16xf32>
        %select_n3A_156 = arith.select %gt3A_155, %get3A_153, %select_n3A_143 : vector<16xi1>, vector<16xf32>
        %select_n3A_157 = arith.select %gt3A_154, %select_n3A_146, %select_n3A_156 : vector<16xi1>, vector<16xf32>
        %select_n3A_158 = arith.select %gt3A_155, %broadcast_in_dim3A_149, %select_n3A_145 : vector<16xi1>, vector<16xi32>
        %select_n3A_159 = arith.select %gt3A_154, %select_n3A_147, %select_n3A_158 : vector<16xi1>, vector<16xi32>
        %select_n3A_160 = arith.select %gt3A_154, %get3A_153, %select_n3A_146 : vector<16xi1>, vector<16xf32>
        %select_n3A_161 = arith.select %gt3A_154, %broadcast_in_dim3A_149, %select_n3A_147 : vector<16xi1>, vector<16xi32>
        %broadcast_in_dim3A_162 = arith.constant 9 : i32
        %broadcast_in_dim3A_163 = vector.broadcast %broadcast_in_dim3A_162 : i32 to vector<16xi32>
        %get3A_164 = arith.constant 9 : i32
        %get3A_165 = arith.index_cast %get3A_164 : i32 to index
        %get3A_166 = arith.index_cast %mul3A_38 : i32 to index
        %get3A_167 = tpu.vector_load %arg5[%get3A_165, %get3A_166] {strides = array<i32>} : memref<64x512xf32, #tpu.memory_space<vmem>>, vector<16xf32>,
        %gt3A_168 = arith.cmpf ogt, %get3A_167, %select_n3A_160 : vector<16xf32>
        %gt3A_169 = arith.cmpf ogt, %get3A_167, %select_n3A_157 : vector<16xf32>
        %select_n3A_170 = arith.select %gt3A_169, %get3A_167, %select_n3A_157 : vector<16xi1>, vector<16xf32>
        %select_n3A_171 = arith.select %gt3A_168, %select_n3A_160, %select_n3A_170 : vector<16xi1>, vector<16xf32>
        %select_n3A_172 = arith.select %gt3A_169, %broadcast_in_dim3A_163, %select_n3A_159 : vector<16xi1>, vector<16xi32>
        %select_n3A_173 = arith.select %gt3A_168, %select_n3A_161, %select_n3A_172 : vector<16xi1>, vector<16xi32>
        %select_n3A_174 = arith.select %gt3A_168, %get3A_167, %select_n3A_160 : vector<16xi1>, vector<16xf32>
        %select_n3A_175 = arith.select %gt3A_168, %broadcast_in_dim3A_163, %select_n3A_161 : vector<16xi1>, vector<16xi32>
        %broadcast_in_dim3A_176 = arith.constant 10 : i32
        %broadcast_in_dim3A_177 = vector.broadcast %broadcast_in_dim3A_176 : i32 to vector<16xi32>
        %get3A_178 = arith.constant 10 : i32
        %get3A_179 = arith.index_cast %get3A_178 : i32 to index
        %get3A_180 = arith.index_cast %mul3A_38 : i32 to index
        %get3A_181 = tpu.vector_load %arg5[%get3A_179, %get3A_180] {strides = array<i32>} : memref<64x512xf32, #tpu.memory_space<vmem>>, vector<16xf32>,
        %gt3A_182 = arith.cmpf ogt, %get3A_181, %select_n3A_174 : vector<16xf32>
        %gt3A_183 = arith.cmpf ogt, %get3A_181, %select_n3A_171 : vector<16xf32>
        %select_n3A_184 = arith.select %gt3A_183, %get3A_181, %select_n3A_171 : vector<16xi1>, vector<16xf32>
        %select_n3A_185 = arith.select %gt3A_182, %select_n3A_174, %select_n3A_184 : vector<16xi1>, vector<16xf32>
        %select_n3A_186 = arith.select %gt3A_183, %broadcast_in_dim3A_177, %select_n3A_173 : vector<16xi1>, vector<16xi32>
        %select_n3A_187 = arith.select %gt3A_182, %select_n3A_175, %select_n3A_186 : vector<16xi1>, vector<16xi32>
        %select_n3A_188 = arith.select %gt3A_182, %get3A_181, %select_n3A_174 : vector<16xi1>, vector<16xf32>
        %select_n3A_189 = arith.select %gt3A_182, %broadcast_in_dim3A_177, %select_n3A_175 : vector<16xi1>, vector<16xi32>
        %broadcast_in_dim3A_190 = arith.constant 11 : i32
        %broadcast_in_dim3A_191 = vector.broadcast %broadcast_in_dim3A_190 : i32 to vector<16xi32>
        %get3A_192 = arith.constant 11 : i32
        %get3A_193 = arith.index_cast %get3A_192 : i32 to index
        %get3A_194 = arith.index_cast %mul3A_38 : i32 to index
        %get3A_195 = tpu.vector_load %arg5[%get3A_193, %get3A_194] {strides = array<i32>} : memref<64x512xf32, #tpu.memory_space<vmem>>, vector<16xf32>,
        %gt3A_196 = arith.cmpf ogt, %get3A_195, %select_n3A_188 : vector<16xf32>
        %gt3A_197 = arith.cmpf ogt, %get3A_195, %select_n3A_185 : vector<16xf32>
        %select_n3A_198 = arith.select %gt3A_197, %get3A_195, %select_n3A_185 : vector<16xi1>, vector<16xf32>
        %select_n3A_199 = arith.select %gt3A_196, %select_n3A_188, %select_n3A_198 : vector<16xi1>, vector<16xf32>
        %select_n3A_200 = arith.select %gt3A_197, %broadcast_in_dim3A_191, %select_n3A_187 : vector<16xi1>, vector<16xi32>
        %select_n3A_201 = arith.select %gt3A_196, %select_n3A_189, %select_n3A_200 : vector<16xi1>, vector<16xi32>
        %select_n3A_202 = arith.select %gt3A_196, %get3A_195, %select_n3A_188 : vector<16xi1>, vector<16xf32>
        %select_n3A_203 = arith.select %gt3A_196, %broadcast_in_dim3A_191, %select_n3A_189 : vector<16xi1>, vector<16xi32>
        %broadcast_in_dim3A_204 = arith.constant 12 : i32
        %broadcast_in_dim3A_205 = vector.broadcast %broadcast_in_dim3A_204 : i32 to vector<16xi32>
        %get3A_206 = arith.constant 12 : i32
        %get3A_207 = arith.index_cast %get3A_206 : i32 to index
        %get3A_208 = arith.index_cast %mul3A_38 : i32 to index
        %get3A_209 = tpu.vector_load %arg5[%get3A_207, %get3A_208] {strides = array<i32>} : memref<64x512xf32, #tpu.memory_space<vmem>>, vector<16xf32>,
        %gt3A_210 = arith.cmpf ogt, %get3A_209, %select_n3A_202 : vector<16xf32>
        %gt3A_211 = arith.cmpf ogt, %get3A_209, %select_n3A_199 : vector<16xf32>
        %select_n3A_212 = arith.select %gt3A_211, %get3A_209, %select_n3A_199 : vector<16xi1>, vector<16xf32>
        %select_n3A_213 = arith.select %gt3A_210, %select_n3A_202, %select_n3A_212 : vector<16xi1>, vector<16xf32>
        %select_n3A_214 = arith.select %gt3A_211, %broadcast_in_dim3A_205, %select_n3A_201 : vector<16xi1>, vector<16xi32>
        %select_n3A_215 = arith.select %gt3A_210, %select_n3A_203, %select_n3A_214 : vector<16xi1>, vector<16xi32>
        %select_n3A_216 = arith.select %gt3A_210, %get3A_209, %select_n3A_202 : vector<16xi1>, vector<16xf32>
        %select_n3A_217 = arith.select %gt3A_210, %broadcast_in_dim3A_205, %select_n3A_203 : vector<16xi1>, vector<16xi32>
        %broadcast_in_dim3A_218 = arith.constant 13 : i32
        %broadcast_in_dim3A_219 = vector.broadcast %broadcast_in_dim3A_218 : i32 to vector<16xi32>
        %get3A_220 = arith.constant 13 : i32
        %get3A_221 = arith.index_cast %get3A_220 : i32 to index
        %get3A_222 = arith.index_cast %mul3A_38 : i32 to index
        %get3A_223 = tpu.vector_load %arg5[%get3A_221, %get3A_222] {strides = array<i32>} : memref<64x512xf32, #tpu.memory_space<vmem>>, vector<16xf32>,
        %gt3A_224 = arith.cmpf ogt, %get3A_223, %select_n3A_216 : vector<16xf32>
        %gt3A_225 = arith.cmpf ogt, %get3A_223, %select_n3A_213 : vector<16xf32>
        %select_n3A_226 = arith.select %gt3A_225, %get3A_223, %select_n3A_213 : vector<16xi1>, vector<16xf32>
        %select_n3A_227 = arith.select %gt3A_224, %select_n3A_216, %select_n3A_226 : vector<16xi1>, vector<16xf32>
        %select_n3A_228 = arith.select %gt3A_225, %broadcast_in_dim3A_219, %select_n3A_215 : vector<16xi1>, vector<16xi32>
        %select_n3A_229 = arith.select %gt3A_224, %select_n3A_217, %select_n3A_228 : vector<16xi1>, vector<16xi32>
        %select_n3A_230 = arith.select %gt3A_224, %get3A_223, %select_n3A_216 : vector<16xi1>, vector<16xf32>
        %select_n3A_231 = arith.select %gt3A_224, %broadcast_in_dim3A_219, %select_n3A_217 : vector<16xi1>, vector<16xi32>
        %broadcast_in_dim3A_232 = arith.constant 14 : i32
        %broadcast_in_dim3A_233 = vector.broadcast %broadcast_in_dim3A_232 : i32 to vector<16xi32>
        %get3A_234 = arith.constant 14 : i32
        %get3A_235 = arith.index_cast %get3A_234 : i32 to index
        %get3A_236 = arith.index_cast %mul3A_38 : i32 to index
        %get3A_237 = tpu.vector_load %arg5[%get3A_235, %get3A_236] {strides = array<i32>} : memref<64x512xf32, #tpu.memory_space<vmem>>, vector<16xf32>,
        %gt3A_238 = arith.cmpf ogt, %get3A_237, %select_n3A_230 : vector<16xf32>
        %gt3A_239 = arith.cmpf ogt, %get3A_237, %select_n3A_227 : vector<16xf32>
        %select_n3A_240 = arith.select %gt3A_239, %get3A_237, %select_n3A_227 : vector<16xi1>, vector<16xf32>
        %select_n3A_241 = arith.select %gt3A_238, %select_n3A_230, %select_n3A_240 : vector<16xi1>, vector<16xf32>
        %select_n3A_242 = arith.select %gt3A_239, %broadcast_in_dim3A_233, %select_n3A_229 : vector<16xi1>, vector<16xi32>
        %select_n3A_243 = arith.select %gt3A_238, %select_n3A_231, %select_n3A_242 : vector<16xi1>, vector<16xi32>
        %select_n3A_244 = arith.select %gt3A_238, %get3A_237, %select_n3A_230 : vector<16xi1>, vector<16xf32>
        %select_n3A_245 = arith.select %gt3A_238, %broadcast_in_dim3A_233, %select_n3A_231 : vector<16xi1>, vector<16xi32>
        %broadcast_in_dim3A_246 = arith.constant 15 : i32
        %broadcast_in_dim3A_247 = vector.broadcast %broadcast_in_dim3A_246 : i32 to vector<16xi32>
        %get3A_248 = arith.constant 15 : i32
        %get3A_249 = arith.index_cast %get3A_248 : i32 to index
        %get3A_250 = arith.index_cast %mul3A_38 : i32 to index
        %get3A_251 = tpu.vector_load %arg5[%get3A_249, %get3A_250] {strides = array<i32>} : memref<64x512xf32, #tpu.memory_space<vmem>>, vector<16xf32>,
        %gt3A_252 = arith.cmpf ogt, %get3A_251, %select_n3A_244 : vector<16xf32>
        %gt3A_253 = arith.cmpf ogt, %get3A_251, %select_n3A_241 : vector<16xf32>
        %select_n3A_254 = arith.select %gt3A_253, %get3A_251, %select_n3A_241 : vector<16xi1>, vector<16xf32>
        %select_n3A_255 = arith.select %gt3A_252, %select_n3A_244, %select_n3A_254 : vector<16xi1>, vector<16xf32>
        %select_n3A_256 = arith.select %gt3A_253, %broadcast_in_dim3A_247, %select_n3A_243 : vector<16xi1>, vector<16xi32>
        %select_n3A_257 = arith.select %gt3A_252, %select_n3A_245, %select_n3A_256 : vector<16xi1>, vector<16xi32>
        %select_n3A_258 = arith.select %gt3A_252, %get3A_251, %select_n3A_244 : vector<16xi1>, vector<16xf32>
        %select_n3A_259 = arith.select %gt3A_252, %broadcast_in_dim3A_247, %select_n3A_245 : vector<16xi1>, vector<16xi32>
        %broadcast_in_dim3A_260 = arith.constant 16 : i32
        %broadcast_in_dim3A_261 = vector.broadcast %broadcast_in_dim3A_260 : i32 to vector<16xi32>
        %get3A_262 = arith.constant 16 : i32
        %get3A_263 = arith.index_cast %get3A_262 : i32 to index
        %get3A_264 = arith.index_cast %mul3A_38 : i32 to index
        %get3A_265 = tpu.vector_load %arg5[%get3A_263, %get3A_264] {strides = array<i32>} : memref<64x512xf32, #tpu.memory_space<vmem>>, vector<16xf32>,
        %gt3A_266 = arith.cmpf ogt, %get3A_265, %broadcast_in_dim3A_5 : vector<16xf32>
        %gt3A_267 = arith.cmpf ogt, %get3A_265, %broadcast_in_dim3A_5 : vector<16xf32>
        %select_n3A_268 = arith.select %gt3A_267, %get3A_265, %broadcast_in_dim3A_5 : vector<16xi1>, vector<16xf32>
        %select_n3A_269 = arith.select %gt3A_266, %broadcast_in_dim3A_5, %select_n3A_268 : vector<16xi1>, vector<16xf32>
        %select_n3A_270 = arith.select %gt3A_267, %broadcast_in_dim3A_261, %broadcast_in_dim3A_9 : vector<16xi1>, vector<16xi32>
        %select_n3A_271 = arith.select %gt3A_266, %broadcast_in_dim3A_9, %select_n3A_270 : vector<16xi1>, vector<16xi32>
        %select_n3A_272 = arith.select %gt3A_266, %get3A_265, %broadcast_in_dim3A_5 : vector<16xi1>, vector<16xf32>
        %select_n3A_273 = arith.select %gt3A_266, %broadcast_in_dim3A_261, %broadcast_in_dim3A_9 : vector<16xi1>, vector<16xi32>
        %broadcast_in_dim3A_274 = arith.constant 17 : i32
        %broadcast_in_dim3A_275 = vector.broadcast %broadcast_in_dim3A_274 : i32 to vector<16xi32>
        %get3A_276 = arith.constant 17 : i32
        %get3A_277 = arith.index_cast %get3A_276 : i32 to index
        %get3A_278 = arith.index_cast %mul3A_38 : i32 to index
        %get3A_279 = tpu.vector_load %arg5[%get3A_277, %get3A_278] {strides = array<i32>} : memref<64x512xf32, #tpu.memory_space<vmem>>, vector<16xf32>,
        %gt3A_280 = arith.cmpf ogt, %get3A_279, %select_n3A_272 : vector<16xf32>
        %gt3A_281 = arith.cmpf ogt, %get3A_279, %select_n3A_269 : vector<16xf32>
        %select_n3A_282 = arith.select %gt3A_281, %get3A_279, %select_n3A_269 : vector<16xi1>, vector<16xf32>
        %select_n3A_283 = arith.select %gt3A_280, %select_n3A_272, %select_n3A_282 : vector<16xi1>, vector<16xf32>
        %select_n3A_284 = arith.select %gt3A_281, %broadcast_in_dim3A_275, %select_n3A_271 : vector<16xi1>, vector<16xi32>
        %select_n3A_285 = arith.select %gt3A_280, %select_n3A_273, %select_n3A_284 : vector<16xi1>, vector<16xi32>
        %select_n3A_286 = arith.select %gt3A_280, %get3A_279, %select_n3A_272 : vector<16xi1>, vector<16xf32>
        %select_n3A_287 = arith.select %gt3A_280, %broadcast_in_dim3A_275, %select_n3A_273 : vector<16xi1>, vector<16xi32>
        %broadcast_in_dim3A_288 = arith.constant 18 : i32
        %broadcast_in_dim3A_289 = vector.broadcast %broadcast_in_dim3A_288 : i32 to vector<16xi32>
        %get3A_290 = arith.constant 18 : i32
        %get3A_291 = arith.index_cast %get3A_290 : i32 to index
        %get3A_292 = arith.index_cast %mul3A_38 : i32 to index
        %get3A_293 = tpu.vector_load %arg5[%get3A_291, %get3A_292] {strides = array<i32>} : memref<64x512xf32, #tpu.memory_space<vmem>>, vector<16xf32>,
        %gt3A_294 = arith.cmpf ogt, %get3A_293, %select_n3A_286 : vector<16xf32>
        %gt3A_295 = arith.cmpf ogt, %get3A_293, %select_n3A_283 : vector<16xf32>
        %select_n3A_296 = arith.select %gt3A_295, %get3A_293, %select_n3A_283 : vector<16xi1>, vector<16xf32>
        %select_n3A_297 = arith.select %gt3A_294, %select_n3A_286, %select_n3A_296 : vector<16xi1>, vector<16xf32>
        %select_n3A_298 = arith.select %gt3A_295, %broadcast_in_dim3A_289, %select_n3A_285 : vector<16xi1>, vector<16xi32>
        %select_n3A_299 = arith.select %gt3A_294, %select_n3A_287, %select_n3A_298 : vector<16xi1>, vector<16xi32>
        %select_n3A_300 = arith.select %gt3A_294, %get3A_293, %select_n3A_286 : vector<16xi1>, vector<16xf32>
        %select_n3A_301 = arith.select %gt3A_294, %broadcast_in_dim3A_289, %select_n3A_287 : vector<16xi1>, vector<16xi32>
        %broadcast_in_dim3A_302 = arith.constant 19 : i32
        %broadcast_in_dim3A_303 = vector.broadcast %broadcast_in_dim3A_302 : i32 to vector<16xi32>
        %get3A_304 = arith.constant 19 : i32
        %get3A_305 = arith.index_cast %get3A_304 : i32 to index
        %get3A_306 = arith.index_cast %mul3A_38 : i32 to index
        %get3A_307 = tpu.vector_load %arg5[%get3A_305, %get3A_306] {strides = array<i32>} : memref<64x512xf32, #tpu.memory_space<vmem>>, vector<16xf32>,
        %gt3A_308 = arith.cmpf ogt, %get3A_307, %select_n3A_300 : vector<16xf32>
        %gt3A_309 = arith.cmpf ogt, %get3A_307, %select_n3A_297 : vector<16xf32>
        %select_n3A_310 = arith.select %gt3A_309, %get3A_307, %select_n3A_297 : vector<16xi1>, vector<16xf32>
        %select_n3A_311 = arith.select %gt3A_308, %select_n3A_300, %select_n3A_310 : vector<16xi1>, vector<16xf32>
        %select_n3A_312 = arith.select %gt3A_309, %broadcast_in_dim3A_303, %select_n3A_299 : vector<16xi1>, vector<16xi32>
        %select_n3A_313 = arith.select %gt3A_308, %select_n3A_301, %select_n3A_312 : vector<16xi1>, vector<16xi32>
        %select_n3A_314 = arith.select %gt3A_308, %get3A_307, %select_n3A_300 : vector<16xi1>, vector<16xf32>
        %select_n3A_315 = arith.select %gt3A_308, %broadcast_in_dim3A_303, %select_n3A_301 : vector<16xi1>, vector<16xi32>
        %broadcast_in_dim3A_316 = arith.constant 20 : i32
        %broadcast_in_dim3A_317 = vector.broadcast %broadcast_in_dim3A_316 : i32 to vector<16xi32>
        %get3A_318 = arith.constant 20 : i32
        %get3A_319 = arith.index_cast %get3A_318 : i32 to index
        %get3A_320 = arith.index_cast %mul3A_38 : i32 to index
        %get3A_321 = tpu.vector_load %arg5[%get3A_319, %get3A_320] {strides = array<i32>} : memref<64x512xf32, #tpu.memory_space<vmem>>, vector<16xf32>,
        %gt3A_322 = arith.cmpf ogt, %get3A_321, %select_n3A_314 : vector<16xf32>
        %gt3A_323 = arith.cmpf ogt, %get3A_321, %select_n3A_311 : vector<16xf32>
        %select_n3A_324 = arith.select %gt3A_323, %get3A_321, %select_n3A_311 : vector<16xi1>, vector<16xf32>
        %select_n3A_325 = arith.select %gt3A_322, %select_n3A_314, %select_n3A_324 : vector<16xi1>, vector<16xf32>
        %select_n3A_326 = arith.select %gt3A_323, %broadcast_in_dim3A_317, %select_n3A_313 : vector<16xi1>, vector<16xi32>
        %select_n3A_327 = arith.select %gt3A_322, %select_n3A_315, %select_n3A_326 : vector<16xi1>, vector<16xi32>
        %select_n3A_328 = arith.select %gt3A_322, %get3A_321, %select_n3A_314 : vector<16xi1>, vector<16xf32>
        %select_n3A_329 = arith.select %gt3A_322, %broadcast_in_dim3A_317, %select_n3A_315 : vector<16xi1>, vector<16xi32>
        %broadcast_in_dim3A_330 = arith.constant 21 : i32
        %broadcast_in_dim3A_331 = vector.broadcast %broadcast_in_dim3A_330 : i32 to vector<16xi32>
        %get3A_332 = arith.constant 21 : i32
        %get3A_333 = arith.index_cast %get3A_332 : i32 to index
        %get3A_334 = arith.index_cast %mul3A_38 : i32 to index
        %get3A_335 = tpu.vector_load %arg5[%get3A_333, %get3A_334] {strides = array<i32>} : memref<64x512xf32, #tpu.memory_space<vmem>>, vector<16xf32>,
        %gt3A_336 = arith.cmpf ogt, %get3A_335, %select_n3A_328 : vector<16xf32>
        %gt3A_337 = arith.cmpf ogt, %get3A_335, %select_n3A_325 : vector<16xf32>
        %select_n3A_338 = arith.select %gt3A_337, %get3A_335, %select_n3A_325 : vector<16xi1>, vector<16xf32>
        %select_n3A_339 = arith.select %gt3A_336, %select_n3A_328, %select_n3A_338 : vector<16xi1>, vector<16xf32>
        %select_n3A_340 = arith.select %gt3A_337, %broadcast_in_dim3A_331, %select_n3A_327 : vector<16xi1>, vector<16xi32>
        %select_n3A_341 = arith.select %gt3A_336, %select_n3A_329, %select_n3A_340 : vector<16xi1>, vector<16xi32>
        %select_n3A_342 = arith.select %gt3A_336, %get3A_335, %select_n3A_328 : vector<16xi1>, vector<16xf32>
        %select_n3A_343 = arith.select %gt3A_336, %broadcast_in_dim3A_331, %select_n3A_329 : vector<16xi1>, vector<16xi32>
        %broadcast_in_dim3A_344 = arith.constant 22 : i32
        %broadcast_in_dim3A_345 = vector.broadcast %broadcast_in_dim3A_344 : i32 to vector<16xi32>
        %get3A_346 = arith.constant 22 : i32
        %get3A_347 = arith.index_cast %get3A_346 : i32 to index
        %get3A_348 = arith.index_cast %mul3A_38 : i32 to index
        %get3A_349 = tpu.vector_load %arg5[%get3A_347, %get3A_348] {strides = array<i32>} : memref<64x512xf32, #tpu.memory_space<vmem>>, vector<16xf32>,
        %gt3A_350 = arith.cmpf ogt, %get3A_349, %select_n3A_342 : vector<16xf32>
        %gt3A_351 = arith.cmpf ogt, %get3A_349, %select_n3A_339 : vector<16xf32>
        %select_n3A_352 = arith.select %gt3A_351, %get3A_349, %select_n3A_339 : vector<16xi1>, vector<16xf32>
        %select_n3A_353 = arith.select %gt3A_350, %select_n3A_342, %select_n3A_352 : vector<16xi1>, vector<16xf32>
        %select_n3A_354 = arith.select %gt3A_351, %broadcast_in_dim3A_345, %select_n3A_341 : vector<16xi1>, vector<16xi32>
        %select_n3A_355 = arith.select %gt3A_350, %select_n3A_343, %select_n3A_354 : vector<16xi1>, vector<16xi32>
        %select_n3A_356 = arith.select %gt3A_350, %get3A_349, %select_n3A_342 : vector<16xi1>, vector<16xf32>
        %select_n3A_357 = arith.select %gt3A_350, %broadcast_in_dim3A_345, %select_n3A_343 : vector<16xi1>, vector<16xi32>
        %broadcast_in_dim3A_358 = arith.constant 23 : i32
        %broadcast_in_dim3A_359 = vector.broadcast %broadcast_in_dim3A_358 : i32 to vector<16xi32>
        %get3A_360 = arith.constant 23 : i32
        %get3A_361 = arith.index_cast %get3A_360 : i32 to index
        %get3A_362 = arith.index_cast %mul3A_38 : i32 to index
        %get3A_363 = tpu.vector_load %arg5[%get3A_361, %get3A_362] {strides = array<i32>} : memref<64x512xf32, #tpu.memory_space<vmem>>, vector<16xf32>,
        %gt3A_364 = arith.cmpf ogt, %get3A_363, %select_n3A_356 : vector<16xf32>
        %gt3A_365 = arith.cmpf ogt, %get3A_363, %select_n3A_353 : vector<16xf32>
        %select_n3A_366 = arith.select %gt3A_365, %get3A_363, %select_n3A_353 : vector<16xi1>, vector<16xf32>
        %select_n3A_367 = arith.select %gt3A_364, %select_n3A_356, %select_n3A_366 : vector<16xi1>, vector<16xf32>
        %select_n3A_368 = arith.select %gt3A_365, %broadcast_in_dim3A_359, %select_n3A_355 : vector<16xi1>, vector<16xi32>
        %select_n3A_369 = arith.select %gt3A_364, %select_n3A_357, %select_n3A_368 : vector<16xi1>, vector<16xi32>
        %select_n3A_370 = arith.select %gt3A_364, %get3A_363, %select_n3A_356 : vector<16xi1>, vector<16xf32>
        %select_n3A_371 = arith.select %gt3A_364, %broadcast_in_dim3A_359, %select_n3A_357 : vector<16xi1>, vector<16xi32>
        %broadcast_in_dim3A_372 = arith.constant 24 : i32
        %broadcast_in_dim3A_373 = vector.broadcast %broadcast_in_dim3A_372 : i32 to vector<16xi32>
        %get3A_374 = arith.constant 24 : i32
        %get3A_375 = arith.index_cast %get3A_374 : i32 to index
        %get3A_376 = arith.index_cast %mul3A_38 : i32 to index
        %get3A_377 = tpu.vector_load %arg5[%get3A_375, %get3A_376] {strides = array<i32>} : memref<64x512xf32, #tpu.memory_space<vmem>>, vector<16xf32>,
        %gt3A_378 = arith.cmpf ogt, %get3A_377, %select_n3A_370 : vector<16xf32>
        %gt3A_379 = arith.cmpf ogt, %get3A_377, %select_n3A_367 : vector<16xf32>
        %select_n3A_380 = arith.select %gt3A_379, %get3A_377, %select_n3A_367 : vector<16xi1>, vector<16xf32>
        %select_n3A_381 = arith.select %gt3A_378, %select_n3A_370, %select_n3A_380 : vector<16xi1>, vector<16xf32>
        %select_n3A_382 = arith.select %gt3A_379, %broadcast_in_dim3A_373, %select_n3A_369 : vector<16xi1>, vector<16xi32>
        %select_n3A_383 = arith.select %gt3A_378, %select_n3A_371, %select_n3A_382 : vector<16xi1>, vector<16xi32>
        %select_n3A_384 = arith.select %gt3A_378, %get3A_377, %select_n3A_370 : vector<16xi1>, vector<16xf32>
        %select_n3A_385 = arith.select %gt3A_378, %broadcast_in_dim3A_373, %select_n3A_371 : vector<16xi1>, vector<16xi32>
        %broadcast_in_dim3A_386 = arith.constant 25 : i32
        %broadcast_in_dim3A_387 = vector.broadcast %broadcast_in_dim3A_386 : i32 to vector<16xi32>
        %get3A_388 = arith.constant 25 : i32
        %get3A_389 = arith.index_cast %get3A_388 : i32 to index
        %get3A_390 = arith.index_cast %mul3A_38 : i32 to index
        %get3A_391 = tpu.vector_load %arg5[%get3A_389, %get3A_390] {strides = array<i32>} : memref<64x512xf32, #tpu.memory_space<vmem>>, vector<16xf32>,
        %gt3A_392 = arith.cmpf ogt, %get3A_391, %select_n3A_384 : vector<16xf32>
        %gt3A_393 = arith.cmpf ogt, %get3A_391, %select_n3A_381 : vector<16xf32>
        %select_n3A_394 = arith.select %gt3A_393, %get3A_391, %select_n3A_381 : vector<16xi1>, vector<16xf32>
        %select_n3A_395 = arith.select %gt3A_392, %select_n3A_384, %select_n3A_394 : vector<16xi1>, vector<16xf32>
        %select_n3A_396 = arith.select %gt3A_393, %broadcast_in_dim3A_387, %select_n3A_383 : vector<16xi1>, vector<16xi32>
        %select_n3A_397 = arith.select %gt3A_392, %select_n3A_385, %select_n3A_396 : vector<16xi1>, vector<16xi32>
        %select_n3A_398 = arith.select %gt3A_392, %get3A_391, %select_n3A_384 : vector<16xi1>, vector<16xf32>
        %select_n3A_399 = arith.select %gt3A_392, %broadcast_in_dim3A_387, %select_n3A_385 : vector<16xi1>, vector<16xi32>
        %broadcast_in_dim3A_400 = arith.constant 26 : i32
        %broadcast_in_dim3A_401 = vector.broadcast %broadcast_in_dim3A_400 : i32 to vector<16xi32>
        %get3A_402 = arith.constant 26 : i32
        %get3A_403 = arith.index_cast %get3A_402 : i32 to index
        %get3A_404 = arith.index_cast %mul3A_38 : i32 to index
        %get3A_405 = tpu.vector_load %arg5[%get3A_403, %get3A_404] {strides = array<i32>} : memref<64x512xf32, #tpu.memory_space<vmem>>, vector<16xf32>,
        %gt3A_406 = arith.cmpf ogt, %get3A_405, %select_n3A_398 : vector<16xf32>
        %gt3A_407 = arith.cmpf ogt, %get3A_405, %select_n3A_395 : vector<16xf32>
        %select_n3A_408 = arith.select %gt3A_407, %get3A_405, %select_n3A_395 : vector<16xi1>, vector<16xf32>
        %select_n3A_409 = arith.select %gt3A_406, %select_n3A_398, %select_n3A_408 : vector<16xi1>, vector<16xf32>
        %select_n3A_410 = arith.select %gt3A_407, %broadcast_in_dim3A_401, %select_n3A_397 : vector<16xi1>, vector<16xi32>
        %select_n3A_411 = arith.select %gt3A_406, %select_n3A_399, %select_n3A_410 : vector<16xi1>, vector<16xi32>
        %select_n3A_412 = arith.select %gt3A_406, %get3A_405, %select_n3A_398 : vector<16xi1>, vector<16xf32>
        %select_n3A_413 = arith.select %gt3A_406, %broadcast_in_dim3A_401, %select_n3A_399 : vector<16xi1>, vector<16xi32>
        %broadcast_in_dim3A_414 = arith.constant 27 : i32
        %broadcast_in_dim3A_415 = vector.broadcast %broadcast_in_dim3A_414 : i32 to vector<16xi32>
        %get3A_416 = arith.constant 27 : i32
        %get3A_417 = arith.index_cast %get3A_416 : i32 to index
        %get3A_418 = arith.index_cast %mul3A_38 : i32 to index
        %get3A_419 = tpu.vector_load %arg5[%get3A_417, %get3A_418] {strides = array<i32>} : memref<64x512xf32, #tpu.memory_space<vmem>>, vector<16xf32>,
        %gt3A_420 = arith.cmpf ogt, %get3A_419, %select_n3A_412 : vector<16xf32>
        %gt3A_421 = arith.cmpf ogt, %get3A_419, %select_n3A_409 : vector<16xf32>
        %select_n3A_422 = arith.select %gt3A_421, %get3A_419, %select_n3A_409 : vector<16xi1>, vector<16xf32>
        %select_n3A_423 = arith.select %gt3A_420, %select_n3A_412, %select_n3A_422 : vector<16xi1>, vector<16xf32>
        %select_n3A_424 = arith.select %gt3A_421, %broadcast_in_dim3A_415, %select_n3A_411 : vector<16xi1>, vector<16xi32>
        %select_n3A_425 = arith.select %gt3A_420, %select_n3A_413, %select_n3A_424 : vector<16xi1>, vector<16xi32>
        %select_n3A_426 = arith.select %gt3A_420, %get3A_419, %select_n3A_412 : vector<16xi1>, vector<16xf32>
        %select_n3A_427 = arith.select %gt3A_420, %broadcast_in_dim3A_415, %select_n3A_413 : vector<16xi1>, vector<16xi32>
        %broadcast_in_dim3A_428 = arith.constant 28 : i32
        %broadcast_in_dim3A_429 = vector.broadcast %broadcast_in_dim3A_428 : i32 to vector<16xi32>
        %get3A_430 = arith.constant 28 : i32
        %get3A_431 = arith.index_cast %get3A_430 : i32 to index
        %get3A_432 = arith.index_cast %mul3A_38 : i32 to index
        %get3A_433 = tpu.vector_load %arg5[%get3A_431, %get3A_432] {strides = array<i32>} : memref<64x512xf32, #tpu.memory_space<vmem>>, vector<16xf32>,
        %gt3A_434 = arith.cmpf ogt, %get3A_433, %select_n3A_426 : vector<16xf32>
        %gt3A_435 = arith.cmpf ogt, %get3A_433, %select_n3A_423 : vector<16xf32>
        %select_n3A_436 = arith.select %gt3A_435, %get3A_433, %select_n3A_423 : vector<16xi1>, vector<16xf32>
        %select_n3A_437 = arith.select %gt3A_434, %select_n3A_426, %select_n3A_436 : vector<16xi1>, vector<16xf32>
        %select_n3A_438 = arith.select %gt3A_435, %broadcast_in_dim3A_429, %select_n3A_425 : vector<16xi1>, vector<16xi32>
        %select_n3A_439 = arith.select %gt3A_434, %select_n3A_427, %select_n3A_438 : vector<16xi1>, vector<16xi32>
        %select_n3A_440 = arith.select %gt3A_434, %get3A_433, %select_n3A_426 : vector<16xi1>, vector<16xf32>
        %select_n3A_441 = arith.select %gt3A_434, %broadcast_in_dim3A_429, %select_n3A_427 : vector<16xi1>, vector<16xi32>
        %broadcast_in_dim3A_442 = arith.constant 29 : i32
        %broadcast_in_dim3A_443 = vector.broadcast %broadcast_in_dim3A_442 : i32 to vector<16xi32>
        %get3A_444 = arith.constant 29 : i32
        %get3A_445 = arith.index_cast %get3A_444 : i32 to index
        %get3A_446 = arith.index_cast %mul3A_38 : i32 to index
        %get3A_447 = tpu.vector_load %arg5[%get3A_445, %get3A_446] {strides = array<i32>} : memref<64x512xf32, #tpu.memory_space<vmem>>, vector<16xf32>,
        %gt3A_448 = arith.cmpf ogt, %get3A_447, %select_n3A_440 : vector<16xf32>
        %gt3A_449 = arith.cmpf ogt, %get3A_447, %select_n3A_437 : vector<16xf32>
        %select_n3A_450 = arith.select %gt3A_449, %get3A_447, %select_n3A_437 : vector<16xi1>, vector<16xf32>
        %select_n3A_451 = arith.select %gt3A_448, %select_n3A_440, %select_n3A_450 : vector<16xi1>, vector<16xf32>
        %select_n3A_452 = arith.select %gt3A_449, %broadcast_in_dim3A_443, %select_n3A_439 : vector<16xi1>, vector<16xi32>
        %select_n3A_453 = arith.select %gt3A_448, %select_n3A_441, %select_n3A_452 : vector<16xi1>, vector<16xi32>
        %select_n3A_454 = arith.select %gt3A_448, %get3A_447, %select_n3A_440 : vector<16xi1>, vector<16xf32>
        %select_n3A_455 = arith.select %gt3A_448, %broadcast_in_dim3A_443, %select_n3A_441 : vector<16xi1>, vector<16xi32>
        %broadcast_in_dim3A_456 = arith.constant 30 : i32
        %broadcast_in_dim3A_457 = vector.broadcast %broadcast_in_dim3A_456 : i32 to vector<16xi32>
        %get3A_458 = arith.constant 30 : i32
        %get3A_459 = arith.index_cast %get3A_458 : i32 to index
        %get3A_460 = arith.index_cast %mul3A_38 : i32 to index
        %get3A_461 = tpu.vector_load %arg5[%get3A_459, %get3A_460] {strides = array<i32>} : memref<64x512xf32, #tpu.memory_space<vmem>>, vector<16xf32>,
        %gt3A_462 = arith.cmpf ogt, %get3A_461, %select_n3A_454 : vector<16xf32>
        %gt3A_463 = arith.cmpf ogt, %get3A_461, %select_n3A_451 : vector<16xf32>
        %select_n3A_464 = arith.select %gt3A_463, %get3A_461, %select_n3A_451 : vector<16xi1>, vector<16xf32>
        %select_n3A_465 = arith.select %gt3A_462, %select_n3A_454, %select_n3A_464 : vector<16xi1>, vector<16xf32>
        %select_n3A_466 = arith.select %gt3A_463, %broadcast_in_dim3A_457, %select_n3A_453 : vector<16xi1>, vector<16xi32>
        %select_n3A_467 = arith.select %gt3A_462, %select_n3A_455, %select_n3A_466 : vector<16xi1>, vector<16xi32>
        %select_n3A_468 = arith.select %gt3A_462, %get3A_461, %select_n3A_454 : vector<16xi1>, vector<16xf32>
        %select_n3A_469 = arith.select %gt3A_462, %broadcast_in_dim3A_457, %select_n3A_455 : vector<16xi1>, vector<16xi32>
        %broadcast_in_dim3A_470 = arith.constant 31 : i32
        %broadcast_in_dim3A_471 = vector.broadcast %broadcast_in_dim3A_470 : i32 to vector<16xi32>
        %get3A_472 = arith.constant 31 : i32
        %get3A_473 = arith.index_cast %get3A_472 : i32 to index
        %get3A_474 = arith.index_cast %mul3A_38 : i32 to index
        %get3A_475 = tpu.vector_load %arg5[%get3A_473, %get3A_474] {strides = array<i32>} : memref<64x512xf32, #tpu.memory_space<vmem>>, vector<16xf32>,
        %gt3A_476 = arith.cmpf ogt, %get3A_475, %select_n3A_468 : vector<16xf32>
        %gt3A_477 = arith.cmpf ogt, %get3A_475, %select_n3A_465 : vector<16xf32>
        %select_n3A_478 = arith.select %gt3A_477, %get3A_475, %select_n3A_465 : vector<16xi1>, vector<16xf32>
        %select_n3A_479 = arith.select %gt3A_476, %select_n3A_468, %select_n3A_478 : vector<16xi1>, vector<16xf32>
        %select_n3A_480 = arith.select %gt3A_477, %broadcast_in_dim3A_471, %select_n3A_467 : vector<16xi1>, vector<16xi32>
        %select_n3A_481 = arith.select %gt3A_476, %select_n3A_469, %select_n3A_480 : vector<16xi1>, vector<16xi32>
        %select_n3A_482 = arith.select %gt3A_476, %get3A_475, %select_n3A_468 : vector<16xi1>, vector<16xf32>
        %select_n3A_483 = arith.select %gt3A_476, %broadcast_in_dim3A_471, %select_n3A_469 : vector<16xi1>, vector<16xi32>
        %broadcast_in_dim3A_484 = arith.constant 32 : i32
        %broadcast_in_dim3A_485 = vector.broadcast %broadcast_in_dim3A_484 : i32 to vector<16xi32>
        %get3A_486 = arith.constant 32 : i32
        %get3A_487 = arith.index_cast %get3A_486 : i32 to index
        %get3A_488 = arith.index_cast %mul3A_38 : i32 to index
        %get3A_489 = tpu.vector_load %arg5[%get3A_487, %get3A_488] {strides = array<i32>} : memref<64x512xf32, #tpu.memory_space<vmem>>, vector<16xf32>,
        %gt3A_490 = arith.cmpf ogt, %get3A_489, %broadcast_in_dim3A_5 : vector<16xf32>
        %gt3A_491 = arith.cmpf ogt, %get3A_489, %broadcast_in_dim3A_5 : vector<16xf32>
        %select_n3A_492 = arith.select %gt3A_491, %get3A_489, %broadcast_in_dim3A_5 : vector<16xi1>, vector<16xf32>
        %select_n3A_493 = arith.select %gt3A_490, %broadcast_in_dim3A_5, %select_n3A_492 : vector<16xi1>, vector<16xf32>
        %select_n3A_494 = arith.select %gt3A_491, %broadcast_in_dim3A_485, %broadcast_in_dim3A_9 : vector<16xi1>, vector<16xi32>
        %select_n3A_495 = arith.select %gt3A_490, %broadcast_in_dim3A_9, %select_n3A_494 : vector<16xi1>, vector<16xi32>
        %select_n3A_496 = arith.select %gt3A_490, %get3A_489, %broadcast_in_dim3A_5 : vector<16xi1>, vector<16xf32>
        %select_n3A_497 = arith.select %gt3A_490, %broadcast_in_dim3A_485, %broadcast_in_dim3A_9 : vector<16xi1>, vector<16xi32>
        %broadcast_in_dim3A_498 = arith.constant 33 : i32
        %broadcast_in_dim3A_499 = vector.broadcast %broadcast_in_dim3A_498 : i32 to vector<16xi32>
        %get3A_500 = arith.constant 33 : i32
        %get3A_501 = arith.index_cast %get3A_500 : i32 to index
        %get3A_502 = arith.index_cast %mul3A_38 : i32 to index
        %get3A_503 = tpu.vector_load %arg5[%get3A_501, %get3A_502] {strides = array<i32>} : memref<64x512xf32, #tpu.memory_space<vmem>>, vector<16xf32>,
        %gt3A_504 = arith.cmpf ogt, %get3A_503, %select_n3A_496 : vector<16xf32>
        %gt3A_505 = arith.cmpf ogt, %get3A_503, %select_n3A_493 : vector<16xf32>
        %select_n3A_506 = arith.select %gt3A_505, %get3A_503, %select_n3A_493 : vector<16xi1>, vector<16xf32>
        %select_n3A_507 = arith.select %gt3A_504, %select_n3A_496, %select_n3A_506 : vector<16xi1>, vector<16xf32>
        %select_n3A_508 = arith.select %gt3A_505, %broadcast_in_dim3A_499, %select_n3A_495 : vector<16xi1>, vector<16xi32>
        %select_n3A_509 = arith.select %gt3A_504, %select_n3A_497, %select_n3A_508 : vector<16xi1>, vector<16xi32>
        %select_n3A_510 = arith.select %gt3A_504, %get3A_503, %select_n3A_496 : vector<16xi1>, vector<16xf32>
        %select_n3A_511 = arith.select %gt3A_504, %broadcast_in_dim3A_499, %select_n3A_497 : vector<16xi1>, vector<16xi32>
        %broadcast_in_dim3A_512 = arith.constant 34 : i32
        %broadcast_in_dim3A_513 = vector.broadcast %broadcast_in_dim3A_512 : i32 to vector<16xi32>
        %get3A_514 = arith.constant 34 : i32
        %get3A_515 = arith.index_cast %get3A_514 : i32 to index
        %get3A_516 = arith.index_cast %mul3A_38 : i32 to index
        %get3A_517 = tpu.vector_load %arg5[%get3A_515, %get3A_516] {strides = array<i32>} : memref<64x512xf32, #tpu.memory_space<vmem>>, vector<16xf32>,
        %gt3A_518 = arith.cmpf ogt, %get3A_517, %select_n3A_510 : vector<16xf32>
        %gt3A_519 = arith.cmpf ogt, %get3A_517, %select_n3A_507 : vector<16xf32>
        %select_n3A_520 = arith.select %gt3A_519, %get3A_517, %select_n3A_507 : vector<16xi1>, vector<16xf32>
        %select_n3A_521 = arith.select %gt3A_518, %select_n3A_510, %select_n3A_520 : vector<16xi1>, vector<16xf32>
        %select_n3A_522 = arith.select %gt3A_519, %broadcast_in_dim3A_513, %select_n3A_509 : vector<16xi1>, vector<16xi32>
        %select_n3A_523 = arith.select %gt3A_518, %select_n3A_511, %select_n3A_522 : vector<16xi1>, vector<16xi32>
        %select_n3A_524 = arith.select %gt3A_518, %get3A_517, %select_n3A_510 : vector<16xi1>, vector<16xf32>
        %select_n3A_525 = arith.select %gt3A_518, %broadcast_in_dim3A_513, %select_n3A_511 : vector<16xi1>, vector<16xi32>
        %broadcast_in_dim3A_526 = arith.constant 35 : i32
        %broadcast_in_dim3A_527 = vector.broadcast %broadcast_in_dim3A_526 : i32 to vector<16xi32>
        %get3A_528 = arith.constant 35 : i32
        %get3A_529 = arith.index_cast %get3A_528 : i32 to index
        %get3A_530 = arith.index_cast %mul3A_38 : i32 to index
        %get3A_531 = tpu.vector_load %arg5[%get3A_529, %get3A_530] {strides = array<i32>} : memref<64x512xf32, #tpu.memory_space<vmem>>, vector<16xf32>,
        %gt3A_532 = arith.cmpf ogt, %get3A_531, %select_n3A_524 : vector<16xf32>
        %gt3A_533 = arith.cmpf ogt, %get3A_531, %select_n3A_521 : vector<16xf32>
        %select_n3A_534 = arith.select %gt3A_533, %get3A_531, %select_n3A_521 : vector<16xi1>, vector<16xf32>
        %select_n3A_535 = arith.select %gt3A_532, %select_n3A_524, %select_n3A_534 : vector<16xi1>, vector<16xf32>
        %select_n3A_536 = arith.select %gt3A_533, %broadcast_in_dim3A_527, %select_n3A_523 : vector<16xi1>, vector<16xi32>
        %select_n3A_537 = arith.select %gt3A_532, %select_n3A_525, %select_n3A_536 : vector<16xi1>, vector<16xi32>
        %select_n3A_538 = arith.select %gt3A_532, %get3A_531, %select_n3A_524 : vector<16xi1>, vector<16xf32>
        %select_n3A_539 = arith.select %gt3A_532, %broadcast_in_dim3A_527, %select_n3A_525 : vector<16xi1>, vector<16xi32>
        %broadcast_in_dim3A_540 = arith.constant 36 : i32
        %broadcast_in_dim3A_541 = vector.broadcast %broadcast_in_dim3A_540 : i32 to vector<16xi32>
        %get3A_542 = arith.constant 36 : i32
        %get3A_543 = arith.index_cast %get3A_542 : i32 to index
        %get3A_544 = arith.index_cast %mul3A_38 : i32 to index
        %get3A_545 = tpu.vector_load %arg5[%get3A_543, %get3A_544] {strides = array<i32>} : memref<64x512xf32, #tpu.memory_space<vmem>>, vector<16xf32>,
        %gt3A_546 = arith.cmpf ogt, %get3A_545, %select_n3A_538 : vector<16xf32>
        %gt3A_547 = arith.cmpf ogt, %get3A_545, %select_n3A_535 : vector<16xf32>
        %select_n3A_548 = arith.select %gt3A_547, %get3A_545, %select_n3A_535 : vector<16xi1>, vector<16xf32>
        %select_n3A_549 = arith.select %gt3A_546, %select_n3A_538, %select_n3A_548 : vector<16xi1>, vector<16xf32>
        %select_n3A_550 = arith.select %gt3A_547, %broadcast_in_dim3A_541, %select_n3A_537 : vector<16xi1>, vector<16xi32>
        %select_n3A_551 = arith.select %gt3A_546, %select_n3A_539, %select_n3A_550 : vector<16xi1>, vector<16xi32>
        %select_n3A_552 = arith.select %gt3A_546, %get3A_545, %select_n3A_538 : vector<16xi1>, vector<16xf32>
        %select_n3A_553 = arith.select %gt3A_546, %broadcast_in_dim3A_541, %select_n3A_539 : vector<16xi1>, vector<16xi32>
        %broadcast_in_dim3A_554 = arith.constant 37 : i32
        %broadcast_in_dim3A_555 = vector.broadcast %broadcast_in_dim3A_554 : i32 to vector<16xi32>
        %get3A_556 = arith.constant 37 : i32
        %get3A_557 = arith.index_cast %get3A_556 : i32 to index
        %get3A_558 = arith.index_cast %mul3A_38 : i32 to index
        %get3A_559 = tpu.vector_load %arg5[%get3A_557, %get3A_558] {strides = array<i32>} : memref<64x512xf32, #tpu.memory_space<vmem>>, vector<16xf32>,
        %gt3A_560 = arith.cmpf ogt, %get3A_559, %select_n3A_552 : vector<16xf32>
        %gt3A_561 = arith.cmpf ogt, %get3A_559, %select_n3A_549 : vector<16xf32>
        %select_n3A_562 = arith.select %gt3A_561, %get3A_559, %select_n3A_549 : vector<16xi1>, vector<16xf32>
        %select_n3A_563 = arith.select %gt3A_560, %select_n3A_552, %select_n3A_562 : vector<16xi1>, vector<16xf32>
        %select_n3A_564 = arith.select %gt3A_561, %broadcast_in_dim3A_555, %select_n3A_551 : vector<16xi1>, vector<16xi32>
        %select_n3A_565 = arith.select %gt3A_560, %select_n3A_553, %select_n3A_564 : vector<16xi1>, vector<16xi32>
        %select_n3A_566 = arith.select %gt3A_560, %get3A_559, %select_n3A_552 : vector<16xi1>, vector<16xf32>
        %select_n3A_567 = arith.select %gt3A_560, %broadcast_in_dim3A_555, %select_n3A_553 : vector<16xi1>, vector<16xi32>
        %broadcast_in_dim3A_568 = arith.constant 38 : i32
        %broadcast_in_dim3A_569 = vector.broadcast %broadcast_in_dim3A_568 : i32 to vector<16xi32>
        %get3A_570 = arith.constant 38 : i32
        %get3A_571 = arith.index_cast %get3A_570 : i32 to index
        %get3A_572 = arith.index_cast %mul3A_38 : i32 to index
        %get3A_573 = tpu.vector_load %arg5[%get3A_571, %get3A_572] {strides = array<i32>} : memref<64x512xf32, #tpu.memory_space<vmem>>, vector<16xf32>,
        %gt3A_574 = arith.cmpf ogt, %get3A_573, %select_n3A_566 : vector<16xf32>
        %gt3A_575 = arith.cmpf ogt, %get3A_573, %select_n3A_563 : vector<16xf32>
        %select_n3A_576 = arith.select %gt3A_575, %get3A_573, %select_n3A_563 : vector<16xi1>, vector<16xf32>
        %select_n3A_577 = arith.select %gt3A_574, %select_n3A_566, %select_n3A_576 : vector<16xi1>, vector<16xf32>
        %select_n3A_578 = arith.select %gt3A_575, %broadcast_in_dim3A_569, %select_n3A_565 : vector<16xi1>, vector<16xi32>
        %select_n3A_579 = arith.select %gt3A_574, %select_n3A_567, %select_n3A_578 : vector<16xi1>, vector<16xi32>
        %select_n3A_580 = arith.select %gt3A_574, %get3A_573, %select_n3A_566 : vector<16xi1>, vector<16xf32>
        %select_n3A_581 = arith.select %gt3A_574, %broadcast_in_dim3A_569, %select_n3A_567 : vector<16xi1>, vector<16xi32>
        %broadcast_in_dim3A_582 = arith.constant 39 : i32
        %broadcast_in_dim3A_583 = vector.broadcast %broadcast_in_dim3A_582 : i32 to vector<16xi32>
        %get3A_584 = arith.constant 39 : i32
        %get3A_585 = arith.index_cast %get3A_584 : i32 to index
        %get3A_586 = arith.index_cast %mul3A_38 : i32 to index
        %get3A_587 = tpu.vector_load %arg5[%get3A_585, %get3A_586] {strides = array<i32>} : memref<64x512xf32, #tpu.memory_space<vmem>>, vector<16xf32>,
        %gt3A_588 = arith.cmpf ogt, %get3A_587, %select_n3A_580 : vector<16xf32>
        %gt3A_589 = arith.cmpf ogt, %get3A_587, %select_n3A_577 : vector<16xf32>
        %select_n3A_590 = arith.select %gt3A_589, %get3A_587, %select_n3A_577 : vector<16xi1>, vector<16xf32>
        %select_n3A_591 = arith.select %gt3A_588, %select_n3A_580, %select_n3A_590 : vector<16xi1>, vector<16xf32>
        %select_n3A_592 = arith.select %gt3A_589, %broadcast_in_dim3A_583, %select_n3A_579 : vector<16xi1>, vector<16xi32>
        %select_n3A_593 = arith.select %gt3A_588, %select_n3A_581, %select_n3A_592 : vector<16xi1>, vector<16xi32>
        %select_n3A_594 = arith.select %gt3A_588, %get3A_587, %select_n3A_580 : vector<16xi1>, vector<16xf32>
        %select_n3A_595 = arith.select %gt3A_588, %broadcast_in_dim3A_583, %select_n3A_581 : vector<16xi1>, vector<16xi32>
        %broadcast_in_dim3A_596 = arith.constant 40 : i32
        %broadcast_in_dim3A_597 = vector.broadcast %broadcast_in_dim3A_596 : i32 to vector<16xi32>
        %get3A_598 = arith.constant 40 : i32
        %get3A_599 = arith.index_cast %get3A_598 : i32 to index
        %get3A_600 = arith.index_cast %mul3A_38 : i32 to index
        %get3A_601 = tpu.vector_load %arg5[%get3A_599, %get3A_600] {strides = array<i32>} : memref<64x512xf32, #tpu.memory_space<vmem>>, vector<16xf32>,
        %gt3A_602 = arith.cmpf ogt, %get3A_601, %select_n3A_594 : vector<16xf32>
        %gt3A_603 = arith.cmpf ogt, %get3A_601, %select_n3A_591 : vector<16xf32>
        %select_n3A_604 = arith.select %gt3A_603, %get3A_601, %select_n3A_591 : vector<16xi1>, vector<16xf32>
        %select_n3A_605 = arith.select %gt3A_602, %select_n3A_594, %select_n3A_604 : vector<16xi1>, vector<16xf32>
        %select_n3A_606 = arith.select %gt3A_603, %broadcast_in_dim3A_597, %select_n3A_593 : vector<16xi1>, vector<16xi32>
        %select_n3A_607 = arith.select %gt3A_602, %select_n3A_595, %select_n3A_606 : vector<16xi1>, vector<16xi32>
        %select_n3A_608 = arith.select %gt3A_602, %get3A_601, %select_n3A_594 : vector<16xi1>, vector<16xf32>
        %select_n3A_609 = arith.select %gt3A_602, %broadcast_in_dim3A_597, %select_n3A_595 : vector<16xi1>, vector<16xi32>
        %broadcast_in_dim3A_610 = arith.constant 41 : i32
        %broadcast_in_dim3A_611 = vector.broadcast %broadcast_in_dim3A_610 : i32 to vector<16xi32>
        %get3A_612 = arith.constant 41 : i32
        %get3A_613 = arith.index_cast %get3A_612 : i32 to index
        %get3A_614 = arith.index_cast %mul3A_38 : i32 to index
        %get3A_615 = tpu.vector_load %arg5[%get3A_613, %get3A_614] {strides = array<i32>} : memref<64x512xf32, #tpu.memory_space<vmem>>, vector<16xf32>,
        %gt3A_616 = arith.cmpf ogt, %get3A_615, %select_n3A_608 : vector<16xf32>
        %gt3A_617 = arith.cmpf ogt, %get3A_615, %select_n3A_605 : vector<16xf32>
        %select_n3A_618 = arith.select %gt3A_617, %get3A_615, %select_n3A_605 : vector<16xi1>, vector<16xf32>
        %select_n3A_619 = arith.select %gt3A_616, %select_n3A_608, %select_n3A_618 : vector<16xi1>, vector<16xf32>
        %select_n3A_620 = arith.select %gt3A_617, %broadcast_in_dim3A_611, %select_n3A_607 : vector<16xi1>, vector<16xi32>
        %select_n3A_621 = arith.select %gt3A_616, %select_n3A_609, %select_n3A_620 : vector<16xi1>, vector<16xi32>
        %select_n3A_622 = arith.select %gt3A_616, %get3A_615, %select_n3A_608 : vector<16xi1>, vector<16xf32>
        %select_n3A_623 = arith.select %gt3A_616, %broadcast_in_dim3A_611, %select_n3A_609 : vector<16xi1>, vector<16xi32>
        %broadcast_in_dim3A_624 = arith.constant 42 : i32
        %broadcast_in_dim3A_625 = vector.broadcast %broadcast_in_dim3A_624 : i32 to vector<16xi32>
        %get3A_626 = arith.constant 42 : i32
        %get3A_627 = arith.index_cast %get3A_626 : i32 to index
        %get3A_628 = arith.index_cast %mul3A_38 : i32 to index
        %get3A_629 = tpu.vector_load %arg5[%get3A_627, %get3A_628] {strides = array<i32>} : memref<64x512xf32, #tpu.memory_space<vmem>>, vector<16xf32>,
        %gt3A_630 = arith.cmpf ogt, %get3A_629, %select_n3A_622 : vector<16xf32>
        %gt3A_631 = arith.cmpf ogt, %get3A_629, %select_n3A_619 : vector<16xf32>
        %select_n3A_632 = arith.select %gt3A_631, %get3A_629, %select_n3A_619 : vector<16xi1>, vector<16xf32>
        %select_n3A_633 = arith.select %gt3A_630, %select_n3A_622, %select_n3A_632 : vector<16xi1>, vector<16xf32>
        %select_n3A_634 = arith.select %gt3A_631, %broadcast_in_dim3A_625, %select_n3A_621 : vector<16xi1>, vector<16xi32>
        %select_n3A_635 = arith.select %gt3A_630, %select_n3A_623, %select_n3A_634 : vector<16xi1>, vector<16xi32>
        %select_n3A_636 = arith.select %gt3A_630, %get3A_629, %select_n3A_622 : vector<16xi1>, vector<16xf32>
        %select_n3A_637 = arith.select %gt3A_630, %broadcast_in_dim3A_625, %select_n3A_623 : vector<16xi1>, vector<16xi32>
        %broadcast_in_dim3A_638 = arith.constant 43 : i32
        %broadcast_in_dim3A_639 = vector.broadcast %broadcast_in_dim3A_638 : i32 to vector<16xi32>
        %get3A_640 = arith.constant 43 : i32
        %get3A_641 = arith.index_cast %get3A_640 : i32 to index
        %get3A_642 = arith.index_cast %mul3A_38 : i32 to index
        %get3A_643 = tpu.vector_load %arg5[%get3A_641, %get3A_642] {strides = array<i32>} : memref<64x512xf32, #tpu.memory_space<vmem>>, vector<16xf32>,
        %gt3A_644 = arith.cmpf ogt, %get3A_643, %select_n3A_636 : vector<16xf32>
        %gt3A_645 = arith.cmpf ogt, %get3A_643, %select_n3A_633 : vector<16xf32>
        %select_n3A_646 = arith.select %gt3A_645, %get3A_643, %select_n3A_633 : vector<16xi1>, vector<16xf32>
        %select_n3A_647 = arith.select %gt3A_644, %select_n3A_636, %select_n3A_646 : vector<16xi1>, vector<16xf32>
        %select_n3A_648 = arith.select %gt3A_645, %broadcast_in_dim3A_639, %select_n3A_635 : vector<16xi1>, vector<16xi32>
        %select_n3A_649 = arith.select %gt3A_644, %select_n3A_637, %select_n3A_648 : vector<16xi1>, vector<16xi32>
        %select_n3A_650 = arith.select %gt3A_644, %get3A_643, %select_n3A_636 : vector<16xi1>, vector<16xf32>
        %select_n3A_651 = arith.select %gt3A_644, %broadcast_in_dim3A_639, %select_n3A_637 : vector<16xi1>, vector<16xi32>
        %broadcast_in_dim3A_652 = arith.constant 44 : i32
        %broadcast_in_dim3A_653 = vector.broadcast %broadcast_in_dim3A_652 : i32 to vector<16xi32>
        %get3A_654 = arith.constant 44 : i32
        %get3A_655 = arith.index_cast %get3A_654 : i32 to index
        %get3A_656 = arith.index_cast %mul3A_38 : i32 to index
        %get3A_657 = tpu.vector_load %arg5[%get3A_655, %get3A_656] {strides = array<i32>} : memref<64x512xf32, #tpu.memory_space<vmem>>, vector<16xf32>,
        %gt3A_658 = arith.cmpf ogt, %get3A_657, %select_n3A_650 : vector<16xf32>
        %gt3A_659 = arith.cmpf ogt, %get3A_657, %select_n3A_647 : vector<16xf32>
        %select_n3A_660 = arith.select %gt3A_659, %get3A_657, %select_n3A_647 : vector<16xi1>, vector<16xf32>
        %select_n3A_661 = arith.select %gt3A_658, %select_n3A_650, %select_n3A_660 : vector<16xi1>, vector<16xf32>
        %select_n3A_662 = arith.select %gt3A_659, %broadcast_in_dim3A_653, %select_n3A_649 : vector<16xi1>, vector<16xi32>
        %select_n3A_663 = arith.select %gt3A_658, %select_n3A_651, %select_n3A_662 : vector<16xi1>, vector<16xi32>
        %select_n3A_664 = arith.select %gt3A_658, %get3A_657, %select_n3A_650 : vector<16xi1>, vector<16xf32>
        %select_n3A_665 = arith.select %gt3A_658, %broadcast_in_dim3A_653, %select_n3A_651 : vector<16xi1>, vector<16xi32>
        %broadcast_in_dim3A_666 = arith.constant 45 : i32
        %broadcast_in_dim3A_667 = vector.broadcast %broadcast_in_dim3A_666 : i32 to vector<16xi32>
        %get3A_668 = arith.constant 45 : i32
        %get3A_669 = arith.index_cast %get3A_668 : i32 to index
        %get3A_670 = arith.index_cast %mul3A_38 : i32 to index
        %get3A_671 = tpu.vector_load %arg5[%get3A_669, %get3A_670] {strides = array<i32>} : memref<64x512xf32, #tpu.memory_space<vmem>>, vector<16xf32>,
        %gt3A_672 = arith.cmpf ogt, %get3A_671, %select_n3A_664 : vector<16xf32>
        %gt3A_673 = arith.cmpf ogt, %get3A_671, %select_n3A_661 : vector<16xf32>
        %select_n3A_674 = arith.select %gt3A_673, %get3A_671, %select_n3A_661 : vector<16xi1>, vector<16xf32>
        %select_n3A_675 = arith.select %gt3A_672, %select_n3A_664, %select_n3A_674 : vector<16xi1>, vector<16xf32>
        %select_n3A_676 = arith.select %gt3A_673, %broadcast_in_dim3A_667, %select_n3A_663 : vector<16xi1>, vector<16xi32>
        %select_n3A_677 = arith.select %gt3A_672, %select_n3A_665, %select_n3A_676 : vector<16xi1>, vector<16xi32>
        %select_n3A_678 = arith.select %gt3A_672, %get3A_671, %select_n3A_664 : vector<16xi1>, vector<16xf32>
        %select_n3A_679 = arith.select %gt3A_672, %broadcast_in_dim3A_667, %select_n3A_665 : vector<16xi1>, vector<16xi32>
        %broadcast_in_dim3A_680 = arith.constant 46 : i32
        %broadcast_in_dim3A_681 = vector.broadcast %broadcast_in_dim3A_680 : i32 to vector<16xi32>
        %get3A_682 = arith.constant 46 : i32
        %get3A_683 = arith.index_cast %get3A_682 : i32 to index
        %get3A_684 = arith.index_cast %mul3A_38 : i32 to index
        %get3A_685 = tpu.vector_load %arg5[%get3A_683, %get3A_684] {strides = array<i32>} : memref<64x512xf32, #tpu.memory_space<vmem>>, vector<16xf32>,
        %gt3A_686 = arith.cmpf ogt, %get3A_685, %select_n3A_678 : vector<16xf32>
        %gt3A_687 = arith.cmpf ogt, %get3A_685, %select_n3A_675 : vector<16xf32>
        %select_n3A_688 = arith.select %gt3A_687, %get3A_685, %select_n3A_675 : vector<16xi1>, vector<16xf32>
        %select_n3A_689 = arith.select %gt3A_686, %select_n3A_678, %select_n3A_688 : vector<16xi1>, vector<16xf32>
        %select_n3A_690 = arith.select %gt3A_687, %broadcast_in_dim3A_681, %select_n3A_677 : vector<16xi1>, vector<16xi32>
        %select_n3A_691 = arith.select %gt3A_686, %select_n3A_679, %select_n3A_690 : vector<16xi1>, vector<16xi32>
        %select_n3A_692 = arith.select %gt3A_686, %get3A_685, %select_n3A_678 : vector<16xi1>, vector<16xf32>
        %select_n3A_693 = arith.select %gt3A_686, %broadcast_in_dim3A_681, %select_n3A_679 : vector<16xi1>, vector<16xi32>
        %broadcast_in_dim3A_694 = arith.constant 47 : i32
        %broadcast_in_dim3A_695 = vector.broadcast %broadcast_in_dim3A_694 : i32 to vector<16xi32>
        %get3A_696 = arith.constant 47 : i32
        %get3A_697 = arith.index_cast %get3A_696 : i32 to index
        %get3A_698 = arith.index_cast %mul3A_38 : i32 to index
        %get3A_699 = tpu.vector_load %arg5[%get3A_697, %get3A_698] {strides = array<i32>} : memref<64x512xf32, #tpu.memory_space<vmem>>, vector<16xf32>,
        %gt3A_700 = arith.cmpf ogt, %get3A_699, %select_n3A_692 : vector<16xf32>
        %gt3A_701 = arith.cmpf ogt, %get3A_699, %select_n3A_689 : vector<16xf32>
        %select_n3A_702 = arith.select %gt3A_701, %get3A_699, %select_n3A_689 : vector<16xi1>, vector<16xf32>
        %select_n3A_703 = arith.select %gt3A_700, %select_n3A_692, %select_n3A_702 : vector<16xi1>, vector<16xf32>
        %select_n3A_704 = arith.select %gt3A_701, %broadcast_in_dim3A_695, %select_n3A_691 : vector<16xi1>, vector<16xi32>
        %select_n3A_705 = arith.select %gt3A_700, %select_n3A_693, %select_n3A_704 : vector<16xi1>, vector<16xi32>
        %select_n3A_706 = arith.select %gt3A_700, %get3A_699, %select_n3A_692 : vector<16xi1>, vector<16xf32>
        %select_n3A_707 = arith.select %gt3A_700, %broadcast_in_dim3A_695, %select_n3A_693 : vector<16xi1>, vector<16xi32>
        %broadcast_in_dim3A_708 = arith.constant 48 : i32
        %broadcast_in_dim3A_709 = vector.broadcast %broadcast_in_dim3A_708 : i32 to vector<16xi32>
        %get3A_710 = arith.constant 48 : i32
        %get3A_711 = arith.index_cast %get3A_710 : i32 to index
        %get3A_712 = arith.index_cast %mul3A_38 : i32 to index
        %get3A_713 = tpu.vector_load %arg5[%get3A_711, %get3A_712] {strides = array<i32>} : memref<64x512xf32, #tpu.memory_space<vmem>>, vector<16xf32>,
        %gt3A_714 = arith.cmpf ogt, %get3A_713, %broadcast_in_dim3A_5 : vector<16xf32>
        %gt3A_715 = arith.cmpf ogt, %get3A_713, %broadcast_in_dim3A_5 : vector<16xf32>
        %select_n3A_716 = arith.select %gt3A_715, %get3A_713, %broadcast_in_dim3A_5 : vector<16xi1>, vector<16xf32>
        %select_n3A_717 = arith.select %gt3A_714, %broadcast_in_dim3A_5, %select_n3A_716 : vector<16xi1>, vector<16xf32>
        %select_n3A_718 = arith.select %gt3A_715, %broadcast_in_dim3A_709, %broadcast_in_dim3A_9 : vector<16xi1>, vector<16xi32>
        %select_n3A_719 = arith.select %gt3A_714, %broadcast_in_dim3A_9, %select_n3A_718 : vector<16xi1>, vector<16xi32>
        %select_n3A_720 = arith.select %gt3A_714, %get3A_713, %broadcast_in_dim3A_5 : vector<16xi1>, vector<16xf32>
        %select_n3A_721 = arith.select %gt3A_714, %broadcast_in_dim3A_709, %broadcast_in_dim3A_9 : vector<16xi1>, vector<16xi32>
        %broadcast_in_dim3A_722 = arith.constant 49 : i32
        %broadcast_in_dim3A_723 = vector.broadcast %broadcast_in_dim3A_722 : i32 to vector<16xi32>
        %get3A_724 = arith.constant 49 : i32
        %get3A_725 = arith.index_cast %get3A_724 : i32 to index
        %get3A_726 = arith.index_cast %mul3A_38 : i32 to index
        %get3A_727 = tpu.vector_load %arg5[%get3A_725, %get3A_726] {strides = array<i32>} : memref<64x512xf32, #tpu.memory_space<vmem>>, vector<16xf32>,
        %gt3A_728 = arith.cmpf ogt, %get3A_727, %select_n3A_720 : vector<16xf32>
        %gt3A_729 = arith.cmpf ogt, %get3A_727, %select_n3A_717 : vector<16xf32>
        %select_n3A_730 = arith.select %gt3A_729, %get3A_727, %select_n3A_717 : vector<16xi1>, vector<16xf32>
        %select_n3A_731 = arith.select %gt3A_728, %select_n3A_720, %select_n3A_730 : vector<16xi1>, vector<16xf32>
        %select_n3A_732 = arith.select %gt3A_729, %broadcast_in_dim3A_723, %select_n3A_719 : vector<16xi1>, vector<16xi32>
        %select_n3A_733 = arith.select %gt3A_728, %select_n3A_721, %select_n3A_732 : vector<16xi1>, vector<16xi32>
        %select_n3A_734 = arith.select %gt3A_728, %get3A_727, %select_n3A_720 : vector<16xi1>, vector<16xf32>
        %select_n3A_735 = arith.select %gt3A_728, %broadcast_in_dim3A_723, %select_n3A_721 : vector<16xi1>, vector<16xi32>
        %broadcast_in_dim3A_736 = arith.constant 50 : i32
        %broadcast_in_dim3A_737 = vector.broadcast %broadcast_in_dim3A_736 : i32 to vector<16xi32>
        %get3A_738 = arith.constant 50 : i32
        %get3A_739 = arith.index_cast %get3A_738 : i32 to index
        %get3A_740 = arith.index_cast %mul3A_38 : i32 to index
        %get3A_741 = tpu.vector_load %arg5[%get3A_739, %get3A_740] {strides = array<i32>} : memref<64x512xf32, #tpu.memory_space<vmem>>, vector<16xf32>,
        %gt3A_742 = arith.cmpf ogt, %get3A_741, %select_n3A_734 : vector<16xf32>
        %gt3A_743 = arith.cmpf ogt, %get3A_741, %select_n3A_731 : vector<16xf32>
        %select_n3A_744 = arith.select %gt3A_743, %get3A_741, %select_n3A_731 : vector<16xi1>, vector<16xf32>
        %select_n3A_745 = arith.select %gt3A_742, %select_n3A_734, %select_n3A_744 : vector<16xi1>, vector<16xf32>
        %select_n3A_746 = arith.select %gt3A_743, %broadcast_in_dim3A_737, %select_n3A_733 : vector<16xi1>, vector<16xi32>
        %select_n3A_747 = arith.select %gt3A_742, %select_n3A_735, %select_n3A_746 : vector<16xi1>, vector<16xi32>
        %select_n3A_748 = arith.select %gt3A_742, %get3A_741, %select_n3A_734 : vector<16xi1>, vector<16xf32>
        %select_n3A_749 = arith.select %gt3A_742, %broadcast_in_dim3A_737, %select_n3A_735 : vector<16xi1>, vector<16xi32>
        %broadcast_in_dim3A_750 = arith.constant 51 : i32
        %broadcast_in_dim3A_751 = vector.broadcast %broadcast_in_dim3A_750 : i32 to vector<16xi32>
        %get3A_752 = arith.constant 51 : i32
        %get3A_753 = arith.index_cast %get3A_752 : i32 to index
        %get3A_754 = arith.index_cast %mul3A_38 : i32 to index
        %get3A_755 = tpu.vector_load %arg5[%get3A_753, %get3A_754] {strides = array<i32>} : memref<64x512xf32, #tpu.memory_space<vmem>>, vector<16xf32>,
        %gt3A_756 = arith.cmpf ogt, %get3A_755, %select_n3A_748 : vector<16xf32>
        %gt3A_757 = arith.cmpf ogt, %get3A_755, %select_n3A_745 : vector<16xf32>
        %select_n3A_758 = arith.select %gt3A_757, %get3A_755, %select_n3A_745 : vector<16xi1>, vector<16xf32>
        %select_n3A_759 = arith.select %gt3A_756, %select_n3A_748, %select_n3A_758 : vector<16xi1>, vector<16xf32>
        %select_n3A_760 = arith.select %gt3A_757, %broadcast_in_dim3A_751, %select_n3A_747 : vector<16xi1>, vector<16xi32>
        %select_n3A_761 = arith.select %gt3A_756, %select_n3A_749, %select_n3A_760 : vector<16xi1>, vector<16xi32>
        %select_n3A_762 = arith.select %gt3A_756, %get3A_755, %select_n3A_748 : vector<16xi1>, vector<16xf32>
        %select_n3A_763 = arith.select %gt3A_756, %broadcast_in_dim3A_751, %select_n3A_749 : vector<16xi1>, vector<16xi32>
        %broadcast_in_dim3A_764 = arith.constant 52 : i32
        %broadcast_in_dim3A_765 = vector.broadcast %broadcast_in_dim3A_764 : i32 to vector<16xi32>
        %get3A_766 = arith.constant 52 : i32
        %get3A_767 = arith.index_cast %get3A_766 : i32 to index
        %get3A_768 = arith.index_cast %mul3A_38 : i32 to index
        %get3A_769 = tpu.vector_load %arg5[%get3A_767, %get3A_768] {strides = array<i32>} : memref<64x512xf32, #tpu.memory_space<vmem>>, vector<16xf32>,
        %gt3A_770 = arith.cmpf ogt, %get3A_769, %select_n3A_762 : vector<16xf32>
        %gt3A_771 = arith.cmpf ogt, %get3A_769, %select_n3A_759 : vector<16xf32>
        %select_n3A_772 = arith.select %gt3A_771, %get3A_769, %select_n3A_759 : vector<16xi1>, vector<16xf32>
        %select_n3A_773 = arith.select %gt3A_770, %select_n3A_762, %select_n3A_772 : vector<16xi1>, vector<16xf32>
        %select_n3A_774 = arith.select %gt3A_771, %broadcast_in_dim3A_765, %select_n3A_761 : vector<16xi1>, vector<16xi32>
        %select_n3A_775 = arith.select %gt3A_770, %select_n3A_763, %select_n3A_774 : vector<16xi1>, vector<16xi32>
        %select_n3A_776 = arith.select %gt3A_770, %get3A_769, %select_n3A_762 : vector<16xi1>, vector<16xf32>
        %select_n3A_777 = arith.select %gt3A_770, %broadcast_in_dim3A_765, %select_n3A_763 : vector<16xi1>, vector<16xi32>
        %broadcast_in_dim3A_778 = arith.constant 53 : i32
        %broadcast_in_dim3A_779 = vector.broadcast %broadcast_in_dim3A_778 : i32 to vector<16xi32>
        %get3A_780 = arith.constant 53 : i32
        %get3A_781 = arith.index_cast %get3A_780 : i32 to index
        %get3A_782 = arith.index_cast %mul3A_38 : i32 to index
        %get3A_783 = tpu.vector_load %arg5[%get3A_781, %get3A_782] {strides = array<i32>} : memref<64x512xf32, #tpu.memory_space<vmem>>, vector<16xf32>,
        %gt3A_784 = arith.cmpf ogt, %get3A_783, %select_n3A_776 : vector<16xf32>
        %gt3A_785 = arith.cmpf ogt, %get3A_783, %select_n3A_773 : vector<16xf32>
        %select_n3A_786 = arith.select %gt3A_785, %get3A_783, %select_n3A_773 : vector<16xi1>, vector<16xf32>
        %select_n3A_787 = arith.select %gt3A_784, %select_n3A_776, %select_n3A_786 : vector<16xi1>, vector<16xf32>
        %select_n3A_788 = arith.select %gt3A_785, %broadcast_in_dim3A_779, %select_n3A_775 : vector<16xi1>, vector<16xi32>
        %select_n3A_789 = arith.select %gt3A_784, %select_n3A_777, %select_n3A_788 : vector<16xi1>, vector<16xi32>
        %select_n3A_790 = arith.select %gt3A_784, %get3A_783, %select_n3A_776 : vector<16xi1>, vector<16xf32>
        %select_n3A_791 = arith.select %gt3A_784, %broadcast_in_dim3A_779, %select_n3A_777 : vector<16xi1>, vector<16xi32>
        %broadcast_in_dim3A_792 = arith.constant 54 : i32
        %broadcast_in_dim3A_793 = vector.broadcast %broadcast_in_dim3A_792 : i32 to vector<16xi32>
        %get3A_794 = arith.constant 54 : i32
        %get3A_795 = arith.index_cast %get3A_794 : i32 to index
        %get3A_796 = arith.index_cast %mul3A_38 : i32 to index
        %get3A_797 = tpu.vector_load %arg5[%get3A_795, %get3A_796] {strides = array<i32>} : memref<64x512xf32, #tpu.memory_space<vmem>>, vector<16xf32>,
        %gt3A_798 = arith.cmpf ogt, %get3A_797, %select_n3A_790 : vector<16xf32>
        %gt3A_799 = arith.cmpf ogt, %get3A_797, %select_n3A_787 : vector<16xf32>
        %select_n3A_800 = arith.select %gt3A_799, %get3A_797, %select_n3A_787 : vector<16xi1>, vector<16xf32>
        %select_n3A_801 = arith.select %gt3A_798, %select_n3A_790, %select_n3A_800 : vector<16xi1>, vector<16xf32>
        %select_n3A_802 = arith.select %gt3A_799, %broadcast_in_dim3A_793, %select_n3A_789 : vector<16xi1>, vector<16xi32>
        %select_n3A_803 = arith.select %gt3A_798, %select_n3A_791, %select_n3A_802 : vector<16xi1>, vector<16xi32>
        %select_n3A_804 = arith.select %gt3A_798, %get3A_797, %select_n3A_790 : vector<16xi1>, vector<16xf32>
        %select_n3A_805 = arith.select %gt3A_798, %broadcast_in_dim3A_793, %select_n3A_791 : vector<16xi1>, vector<16xi32>
        %broadcast_in_dim3A_806 = arith.constant 55 : i32
        %broadcast_in_dim3A_807 = vector.broadcast %broadcast_in_dim3A_806 : i32 to vector<16xi32>
        %get3A_808 = arith.constant 55 : i32
        %get3A_809 = arith.index_cast %get3A_808 : i32 to index
        %get3A_810 = arith.index_cast %mul3A_38 : i32 to index
        %get3A_811 = tpu.vector_load %arg5[%get3A_809, %get3A_810] {strides = array<i32>} : memref<64x512xf32, #tpu.memory_space<vmem>>, vector<16xf32>,
        %gt3A_812 = arith.cmpf ogt, %get3A_811, %select_n3A_804 : vector<16xf32>
        %gt3A_813 = arith.cmpf ogt, %get3A_811, %select_n3A_801 : vector<16xf32>
        %select_n3A_814 = arith.select %gt3A_813, %get3A_811, %select_n3A_801 : vector<16xi1>, vector<16xf32>
        %select_n3A_815 = arith.select %gt3A_812, %select_n3A_804, %select_n3A_814 : vector<16xi1>, vector<16xf32>
        %select_n3A_816 = arith.select %gt3A_813, %broadcast_in_dim3A_807, %select_n3A_803 : vector<16xi1>, vector<16xi32>
        %select_n3A_817 = arith.select %gt3A_812, %select_n3A_805, %select_n3A_816 : vector<16xi1>, vector<16xi32>
        %select_n3A_818 = arith.select %gt3A_812, %get3A_811, %select_n3A_804 : vector<16xi1>, vector<16xf32>
        %select_n3A_819 = arith.select %gt3A_812, %broadcast_in_dim3A_807, %select_n3A_805 : vector<16xi1>, vector<16xi32>
        %broadcast_in_dim3A_820 = arith.constant 56 : i32
        %broadcast_in_dim3A_821 = vector.broadcast %broadcast_in_dim3A_820 : i32 to vector<16xi32>
        %get3A_822 = arith.constant 56 : i32
        %get3A_823 = arith.index_cast %get3A_822 : i32 to index
        %get3A_824 = arith.index_cast %mul3A_38 : i32 to index
        %get3A_825 = tpu.vector_load %arg5[%get3A_823, %get3A_824] {strides = array<i32>} : memref<64x512xf32, #tpu.memory_space<vmem>>, vector<16xf32>,
        %gt3A_826 = arith.cmpf ogt, %get3A_825, %select_n3A_818 : vector<16xf32>
        %gt3A_827 = arith.cmpf ogt, %get3A_825, %select_n3A_815 : vector<16xf32>
        %select_n3A_828 = arith.select %gt3A_827, %get3A_825, %select_n3A_815 : vector<16xi1>, vector<16xf32>
        %select_n3A_829 = arith.select %gt3A_826, %select_n3A_818, %select_n3A_828 : vector<16xi1>, vector<16xf32>
        %select_n3A_830 = arith.select %gt3A_827, %broadcast_in_dim3A_821, %select_n3A_817 : vector<16xi1>, vector<16xi32>
        %select_n3A_831 = arith.select %gt3A_826, %select_n3A_819, %select_n3A_830 : vector<16xi1>, vector<16xi32>
        %select_n3A_832 = arith.select %gt3A_826, %get3A_825, %select_n3A_818 : vector<16xi1>, vector<16xf32>
        %select_n3A_833 = arith.select %gt3A_826, %broadcast_in_dim3A_821, %select_n3A_819 : vector<16xi1>, vector<16xi32>
        %broadcast_in_dim3A_834 = arith.constant 57 : i32
        %broadcast_in_dim3A_835 = vector.broadcast %broadcast_in_dim3A_834 : i32 to vector<16xi32>
        %get3A_836 = arith.constant 57 : i32
        %get3A_837 = arith.index_cast %get3A_836 : i32 to index
        %get3A_838 = arith.index_cast %mul3A_38 : i32 to index
        %get3A_839 = tpu.vector_load %arg5[%get3A_837, %get3A_838] {strides = array<i32>} : memref<64x512xf32, #tpu.memory_space<vmem>>, vector<16xf32>,
        %gt3A_840 = arith.cmpf ogt, %get3A_839, %select_n3A_832 : vector<16xf32>
        %gt3A_841 = arith.cmpf ogt, %get3A_839, %select_n3A_829 : vector<16xf32>
        %select_n3A_842 = arith.select %gt3A_841, %get3A_839, %select_n3A_829 : vector<16xi1>, vector<16xf32>
        %select_n3A_843 = arith.select %gt3A_840, %select_n3A_832, %select_n3A_842 : vector<16xi1>, vector<16xf32>
        %select_n3A_844 = arith.select %gt3A_841, %broadcast_in_dim3A_835, %select_n3A_831 : vector<16xi1>, vector<16xi32>
        %select_n3A_845 = arith.select %gt3A_840, %select_n3A_833, %select_n3A_844 : vector<16xi1>, vector<16xi32>
        %select_n3A_846 = arith.select %gt3A_840, %get3A_839, %select_n3A_832 : vector<16xi1>, vector<16xf32>
        %select_n3A_847 = arith.select %gt3A_840, %broadcast_in_dim3A_835, %select_n3A_833 : vector<16xi1>, vector<16xi32>
        %broadcast_in_dim3A_848 = arith.constant 58 : i32
        %broadcast_in_dim3A_849 = vector.broadcast %broadcast_in_dim3A_848 : i32 to vector<16xi32>
        %get3A_850 = arith.constant 58 : i32
        %get3A_851 = arith.index_cast %get3A_850 : i32 to index
        %get3A_852 = arith.index_cast %mul3A_38 : i32 to index
        %get3A_853 = tpu.vector_load %arg5[%get3A_851, %get3A_852] {strides = array<i32>} : memref<64x512xf32, #tpu.memory_space<vmem>>, vector<16xf32>,
        %gt3A_854 = arith.cmpf ogt, %get3A_853, %select_n3A_846 : vector<16xf32>
        %gt3A_855 = arith.cmpf ogt, %get3A_853, %select_n3A_843 : vector<16xf32>
        %select_n3A_856 = arith.select %gt3A_855, %get3A_853, %select_n3A_843 : vector<16xi1>, vector<16xf32>
        %select_n3A_857 = arith.select %gt3A_854, %select_n3A_846, %select_n3A_856 : vector<16xi1>, vector<16xf32>
        %select_n3A_858 = arith.select %gt3A_855, %broadcast_in_dim3A_849, %select_n3A_845 : vector<16xi1>, vector<16xi32>
        %select_n3A_859 = arith.select %gt3A_854, %select_n3A_847, %select_n3A_858 : vector<16xi1>, vector<16xi32>
        %select_n3A_860 = arith.select %gt3A_854, %get3A_853, %select_n3A_846 : vector<16xi1>, vector<16xf32>
        %select_n3A_861 = arith.select %gt3A_854, %broadcast_in_dim3A_849, %select_n3A_847 : vector<16xi1>, vector<16xi32>
        %broadcast_in_dim3A_862 = arith.constant 59 : i32
        %broadcast_in_dim3A_863 = vector.broadcast %broadcast_in_dim3A_862 : i32 to vector<16xi32>
        %get3A_864 = arith.constant 59 : i32
        %get3A_865 = arith.index_cast %get3A_864 : i32 to index
        %get3A_866 = arith.index_cast %mul3A_38 : i32 to index
        %get3A_867 = tpu.vector_load %arg5[%get3A_865, %get3A_866] {strides = array<i32>} : memref<64x512xf32, #tpu.memory_space<vmem>>, vector<16xf32>,
        %gt3A_868 = arith.cmpf ogt, %get3A_867, %select_n3A_860 : vector<16xf32>
        %gt3A_869 = arith.cmpf ogt, %get3A_867, %select_n3A_857 : vector<16xf32>
        %select_n3A_870 = arith.select %gt3A_869, %get3A_867, %select_n3A_857 : vector<16xi1>, vector<16xf32>
        %select_n3A_871 = arith.select %gt3A_868, %select_n3A_860, %select_n3A_870 : vector<16xi1>, vector<16xf32>
        %select_n3A_872 = arith.select %gt3A_869, %broadcast_in_dim3A_863, %select_n3A_859 : vector<16xi1>, vector<16xi32>
        %select_n3A_873 = arith.select %gt3A_868, %select_n3A_861, %select_n3A_872 : vector<16xi1>, vector<16xi32>
        %select_n3A_874 = arith.select %gt3A_868, %get3A_867, %select_n3A_860 : vector<16xi1>, vector<16xf32>
        %select_n3A_875 = arith.select %gt3A_868, %broadcast_in_dim3A_863, %select_n3A_861 : vector<16xi1>, vector<16xi32>
        %broadcast_in_dim3A_876 = arith.constant 60 : i32
        %broadcast_in_dim3A_877 = vector.broadcast %broadcast_in_dim3A_876 : i32 to vector<16xi32>
        %get3A_878 = arith.constant 60 : i32
        %get3A_879 = arith.index_cast %get3A_878 : i32 to index
        %get3A_880 = arith.index_cast %mul3A_38 : i32 to index
        %get3A_881 = tpu.vector_load %arg5[%get3A_879, %get3A_880] {strides = array<i32>} : memref<64x512xf32, #tpu.memory_space<vmem>>, vector<16xf32>,
        %gt3A_882 = arith.cmpf ogt, %get3A_881, %select_n3A_874 : vector<16xf32>
        %gt3A_883 = arith.cmpf ogt, %get3A_881, %select_n3A_871 : vector<16xf32>
        %select_n3A_884 = arith.select %gt3A_883, %get3A_881, %select_n3A_871 : vector<16xi1>, vector<16xf32>
        %select_n3A_885 = arith.select %gt3A_882, %select_n3A_874, %select_n3A_884 : vector<16xi1>, vector<16xf32>
        %select_n3A_886 = arith.select %gt3A_883, %broadcast_in_dim3A_877, %select_n3A_873 : vector<16xi1>, vector<16xi32>
        %select_n3A_887 = arith.select %gt3A_882, %select_n3A_875, %select_n3A_886 : vector<16xi1>, vector<16xi32>
        %select_n3A_888 = arith.select %gt3A_882, %get3A_881, %select_n3A_874 : vector<16xi1>, vector<16xf32>
        %select_n3A_889 = arith.select %gt3A_882, %broadcast_in_dim3A_877, %select_n3A_875 : vector<16xi1>, vector<16xi32>
        %broadcast_in_dim3A_890 = arith.constant 61 : i32
        %broadcast_in_dim3A_891 = vector.broadcast %broadcast_in_dim3A_890 : i32 to vector<16xi32>
        %get3A_892 = arith.constant 61 : i32
        %get3A_893 = arith.index_cast %get3A_892 : i32 to index
        %get3A_894 = arith.index_cast %mul3A_38 : i32 to index
        %get3A_895 = tpu.vector_load %arg5[%get3A_893, %get3A_894] {strides = array<i32>} : memref<64x512xf32, #tpu.memory_space<vmem>>, vector<16xf32>,
        %gt3A_896 = arith.cmpf ogt, %get3A_895, %select_n3A_888 : vector<16xf32>
        %gt3A_897 = arith.cmpf ogt, %get3A_895, %select_n3A_885 : vector<16xf32>
        %select_n3A_898 = arith.select %gt3A_897, %get3A_895, %select_n3A_885 : vector<16xi1>, vector<16xf32>
        %select_n3A_899 = arith.select %gt3A_896, %select_n3A_888, %select_n3A_898 : vector<16xi1>, vector<16xf32>
        %select_n3A_900 = arith.select %gt3A_897, %broadcast_in_dim3A_891, %select_n3A_887 : vector<16xi1>, vector<16xi32>
        %select_n3A_901 = arith.select %gt3A_896, %select_n3A_889, %select_n3A_900 : vector<16xi1>, vector<16xi32>
        %select_n3A_902 = arith.select %gt3A_896, %get3A_895, %select_n3A_888 : vector<16xi1>, vector<16xf32>
        %select_n3A_903 = arith.select %gt3A_896, %broadcast_in_dim3A_891, %select_n3A_889 : vector<16xi1>, vector<16xi32>
        %broadcast_in_dim3A_904 = arith.constant 62 : i32
        %broadcast_in_dim3A_905 = vector.broadcast %broadcast_in_dim3A_904 : i32 to vector<16xi32>
        %get3A_906 = arith.constant 62 : i32
        %get3A_907 = arith.index_cast %get3A_906 : i32 to index
        %get3A_908 = arith.index_cast %mul3A_38 : i32 to index
        %get3A_909 = tpu.vector_load %arg5[%get3A_907, %get3A_908] {strides = array<i32>} : memref<64x512xf32, #tpu.memory_space<vmem>>, vector<16xf32>,
        %gt3A_910 = arith.cmpf ogt, %get3A_909, %select_n3A_902 : vector<16xf32>
        %gt3A_911 = arith.cmpf ogt, %get3A_909, %select_n3A_899 : vector<16xf32>
        %select_n3A_912 = arith.select %gt3A_911, %get3A_909, %select_n3A_899 : vector<16xi1>, vector<16xf32>
        %select_n3A_913 = arith.select %gt3A_910, %select_n3A_902, %select_n3A_912 : vector<16xi1>, vector<16xf32>
        %select_n3A_914 = arith.select %gt3A_911, %broadcast_in_dim3A_905, %select_n3A_901 : vector<16xi1>, vector<16xi32>
        %select_n3A_915 = arith.select %gt3A_910, %select_n3A_903, %select_n3A_914 : vector<16xi1>, vector<16xi32>
        %select_n3A_916 = arith.select %gt3A_910, %get3A_909, %select_n3A_902 : vector<16xi1>, vector<16xf32>
        %select_n3A_917 = arith.select %gt3A_910, %broadcast_in_dim3A_905, %select_n3A_903 : vector<16xi1>, vector<16xi32>
        %broadcast_in_dim3A_918 = arith.constant 63 : i32
        %broadcast_in_dim3A_919 = vector.broadcast %broadcast_in_dim3A_918 : i32 to vector<16xi32>
        %get3A_920 = arith.constant 63 : i32
        %get3A_921 = arith.index_cast %get3A_920 : i32 to index
        %get3A_922 = arith.index_cast %mul3A_38 : i32 to index
        %get3A_923 = tpu.vector_load %arg5[%get3A_921, %get3A_922] {strides = array<i32>} : memref<64x512xf32, #tpu.memory_space<vmem>>, vector<16xf32>,
        %gt3A_924 = arith.cmpf ogt, %get3A_923, %select_n3A_916 : vector<16xf32>
        %gt3A_925 = arith.cmpf ogt, %get3A_923, %select_n3A_913 : vector<16xf32>
        %select_n3A_926 = arith.select %gt3A_925, %get3A_923, %select_n3A_913 : vector<16xi1>, vector<16xf32>
        %select_n3A_927 = arith.select %gt3A_924, %select_n3A_916, %select_n3A_926 : vector<16xi1>, vector<16xf32>
        %select_n3A_928 = arith.select %gt3A_925, %broadcast_in_dim3A_919, %select_n3A_915 : vector<16xi1>, vector<16xi32>
        %select_n3A_929 = arith.select %gt3A_924, %select_n3A_917, %select_n3A_928 : vector<16xi1>, vector<16xi32>
        %select_n3A_930 = arith.select %gt3A_924, %get3A_923, %select_n3A_916 : vector<16xi1>, vector<16xf32>
        %select_n3A_931 = arith.select %gt3A_924, %broadcast_in_dim3A_919, %select_n3A_917 : vector<16xi1>, vector<16xi32>
        %gt3A_932 = arith.cmpf ogt, %select_n3A_482, %select_n3A_258 : vector<16xf32>
        %gt3A_933 = arith.cmpf ogt, %select_n3A_479, %select_n3A_258 : vector<16xf32>
        %gt3A_934 = arith.cmpf ogt, %select_n3A_482, %select_n3A_255 : vector<16xf32>
        %select_n3A_935 = arith.select %gt3A_932, %select_n3A_482, %select_n3A_258 : vector<16xi1>, vector<16xf32>
        %select_n3A_936 = arith.select %gt3A_932, %select_n3A_483, %select_n3A_259 : vector<16xi1>, vector<16xi32>
        %select_n3A_937 = arith.select %gt3A_933, %select_n3A_479, %select_n3A_258 : vector<16xi1>, vector<16xf32>
        %select_n3A_938 = arith.select %gt3A_933, %select_n3A_481, %select_n3A_259 : vector<16xi1>, vector<16xi32>
        %select_n3A_939 = arith.select %gt3A_934, %select_n3A_482, %select_n3A_255 : vector<16xi1>, vector<16xf32>
        %select_n3A_940 = arith.select %gt3A_934, %select_n3A_483, %select_n3A_257 : vector<16xi1>, vector<16xi32>
        %select_n3A_941 = arith.select %gt3A_932, %select_n3A_937, %select_n3A_939 : vector<16xi1>, vector<16xf32>
        %select_n3A_942 = arith.select %gt3A_932, %select_n3A_938, %select_n3A_940 : vector<16xi1>, vector<16xi32>
        %gt3A_943 = arith.cmpf ogt, %select_n3A_930, %select_n3A_706 : vector<16xf32>
        %gt3A_944 = arith.cmpf ogt, %select_n3A_927, %select_n3A_706 : vector<16xf32>
        %gt3A_945 = arith.cmpf ogt, %select_n3A_930, %select_n3A_703 : vector<16xf32>
        %select_n3A_946 = arith.select %gt3A_943, %select_n3A_930, %select_n3A_706 : vector<16xi1>, vector<16xf32>
        %select_n3A_947 = arith.select %gt3A_943, %select_n3A_931, %select_n3A_707 : vector<16xi1>, vector<16xi32>
        %select_n3A_948 = arith.select %gt3A_944, %select_n3A_927, %select_n3A_706 : vector<16xi1>, vector<16xf32>
        %select_n3A_949 = arith.select %gt3A_944, %select_n3A_929, %select_n3A_707 : vector<16xi1>, vector<16xi32>
        %select_n3A_950 = arith.select %gt3A_945, %select_n3A_930, %select_n3A_703 : vector<16xi1>, vector<16xf32>
        %select_n3A_951 = arith.select %gt3A_945, %select_n3A_931, %select_n3A_705 : vector<16xi1>, vector<16xi32>
        %select_n3A_952 = arith.select %gt3A_943, %select_n3A_948, %select_n3A_950 : vector<16xi1>, vector<16xf32>
        %select_n3A_953 = arith.select %gt3A_943, %select_n3A_949, %select_n3A_951 : vector<16xi1>, vector<16xi32>
        %gt3A_954 = arith.cmpf ogt, %select_n3A_946, %select_n3A_935 : vector<16xf32>
        %gt3A_955 = arith.cmpf ogt, %select_n3A_952, %select_n3A_935 : vector<16xf32>
        %gt3A_956 = arith.cmpf ogt, %select_n3A_946, %select_n3A_941 : vector<16xf32>
        %select_n3A_957 = arith.select %gt3A_954, %select_n3A_946, %select_n3A_935 : vector<16xi1>, vector<16xf32>
        %select_n3A_958 = arith.select %gt3A_954, %select_n3A_947, %select_n3A_936 : vector<16xi1>, vector<16xi32>
        %select_n3A_959 = arith.select %gt3A_955, %select_n3A_952, %select_n3A_935 : vector<16xi1>, vector<16xf32>
        %select_n3A_960 = arith.select %gt3A_955, %select_n3A_953, %select_n3A_936 : vector<16xi1>, vector<16xi32>
        %select_n3A_961 = arith.select %gt3A_956, %select_n3A_946, %select_n3A_941 : vector<16xi1>, vector<16xf32>
        %select_n3A_962 = arith.select %gt3A_956, %select_n3A_947, %select_n3A_942 : vector<16xi1>, vector<16xi32>
        %select_n3A_963 = arith.select %gt3A_954, %select_n3A_959, %select_n3A_961 : vector<16xi1>, vector<16xf32>
        %select_n3A_964 = arith.select %gt3A_954, %select_n3A_960, %select_n3A_962 : vector<16xi1>, vector<16xi32>
        %sub3A = arith.subf %select_n3A_957, %select_n3A_963 : vector<16xf32>
        %exp3A = math.exp %sub3A : vector<16xf32>
        %get3A_965 = arith.constant 0 : i32
        %get3A_966 = arith.index_cast %get3A_965 : i32 to index
        %get3A_967 = arith.index_cast %mul3A_38 : i32 to index
        %get3A_968 = tpu.vector_load %arg5[%get3A_966, %get3A_967] {strides = array<i32>} : memref<64x512xf32, #tpu.memory_space<vmem>>, vector<16xf32>,
        %sub3A_969 = arith.subf %get3A_968, %select_n3A_957 : vector<16xf32>
        %exp3A_970 = math.exp %sub3A_969 : vector<16xf32>
        %abs3A = math.absf %get3A_968 : vector<16xf32>
        %max3A = arith.maximumf %abs3A, %select_n3A_957 : vector<16xf32>
        %mul3A_971 = arith.constant -2.000000e-02 : f32
        %mul3A_972 = vector.broadcast %mul3A_971 : f32 to vector<16xf32>
        %mul3A_973 = arith.mulf %mul3A_972, %max3A : vector<16xf32>
        %lt3A = arith.cmpf olt, %sub3A_969, %mul3A_973 : vector<16xf32>
        %select_n3A_974 = arith.select %lt3A, %broadcast_in_dim3A_7, %exp3A_970 : vector<16xi1>, vector<16xf32>
        %add3A_975 = arith.addf %broadcast_in_dim3A_7, %select_n3A_974 : vector<16xf32>
        %add3A_976 = arith.addf %sub3A_969, %sub3A : vector<16xf32>
        %max3A_977 = arith.maximumf %abs3A, %select_n3A_963 : vector<16xf32>
        %mul3A_978 = arith.constant -2.000000e-02 : f32
        %mul3A_979 = vector.broadcast %mul3A_978 : f32 to vector<16xf32>
        %mul3A_980 = arith.mulf %mul3A_979, %max3A_977 : vector<16xf32>
        %lt3A_981 = arith.cmpf olt, %add3A_976, %mul3A_980 : vector<16xf32>
        %select_n3A_982 = arith.select %lt3A_981, %broadcast_in_dim3A_7, %exp3A_970 : vector<16xi1>, vector<16xf32>
        %add3A_983 = arith.addf %broadcast_in_dim3A_7, %select_n3A_982 : vector<16xf32>
        %get3A_984 = arith.constant 1 : i32
        %get3A_985 = arith.index_cast %get3A_984 : i32 to index
        %get3A_986 = arith.index_cast %mul3A_38 : i32 to index
        %get3A_987 = tpu.vector_load %arg5[%get3A_985, %get3A_986] {strides = array<i32>} : memref<64x512xf32, #tpu.memory_space<vmem>>, vector<16xf32>,
        %sub3A_988 = arith.subf %get3A_987, %select_n3A_957 : vector<16xf32>
        %exp3A_989 = math.exp %sub3A_988 : vector<16xf32>
        %abs3A_990 = math.absf %get3A_987 : vector<16xf32>
        %max3A_991 = arith.maximumf %abs3A_990, %select_n3A_957 : vector<16xf32>
        %mul3A_992 = arith.constant -2.000000e-02 : f32
        %mul3A_993 = vector.broadcast %mul3A_992 : f32 to vector<16xf32>
        %mul3A_994 = arith.mulf %mul3A_993, %max3A_991 : vector<16xf32>
        %lt3A_995 = arith.cmpf olt, %sub3A_988, %mul3A_994 : vector<16xf32>
        %select_n3A_996 = arith.select %lt3A_995, %broadcast_in_dim3A_7, %exp3A_989 : vector<16xi1>, vector<16xf32>
        %add3A_997 = arith.addf %broadcast_in_dim3A_7, %select_n3A_996 : vector<16xf32>
        %add3A_998 = arith.addf %sub3A_988, %sub3A : vector<16xf32>
        %max3A_999 = arith.maximumf %abs3A_990, %select_n3A_963 : vector<16xf32>
        %mul3A_1000 = arith.constant -2.000000e-02 : f32
        %mul3A_1001 = vector.broadcast %mul3A_1000 : f32 to vector<16xf32>
        %mul3A_1002 = arith.mulf %mul3A_1001, %max3A_999 : vector<16xf32>
        %lt3A_1003 = arith.cmpf olt, %add3A_998, %mul3A_1002 : vector<16xf32>
        %select_n3A_1004 = arith.select %lt3A_1003, %broadcast_in_dim3A_7, %exp3A_989 : vector<16xi1>, vector<16xf32>
        %add3A_1005 = arith.addf %broadcast_in_dim3A_7, %select_n3A_1004 : vector<16xf32>
        %get3A_1006 = arith.constant 2 : i32
        %get3A_1007 = arith.index_cast %get3A_1006 : i32 to index
        %get3A_1008 = arith.index_cast %mul3A_38 : i32 to index
        %get3A_1009 = tpu.vector_load %arg5[%get3A_1007, %get3A_1008] {strides = array<i32>} : memref<64x512xf32, #tpu.memory_space<vmem>>, vector<16xf32>,
        %sub3A_1010 = arith.subf %get3A_1009, %select_n3A_957 : vector<16xf32>
        %exp3A_1011 = math.exp %sub3A_1010 : vector<16xf32>
        %abs3A_1012 = math.absf %get3A_1009 : vector<16xf32>
        %max3A_1013 = arith.maximumf %abs3A_1012, %select_n3A_957 : vector<16xf32>
        %mul3A_1014 = arith.constant -2.000000e-02 : f32
        %mul3A_1015 = vector.broadcast %mul3A_1014 : f32 to vector<16xf32>
        %mul3A_1016 = arith.mulf %mul3A_1015, %max3A_1013 : vector<16xf32>
        %lt3A_1017 = arith.cmpf olt, %sub3A_1010, %mul3A_1016 : vector<16xf32>
        %select_n3A_1018 = arith.select %lt3A_1017, %broadcast_in_dim3A_7, %exp3A_1011 : vector<16xi1>, vector<16xf32>
        %add3A_1019 = arith.addf %broadcast_in_dim3A_7, %select_n3A_1018 : vector<16xf32>
        %add3A_1020 = arith.addf %sub3A_1010, %sub3A : vector<16xf32>
        %max3A_1021 = arith.maximumf %abs3A_1012, %select_n3A_963 : vector<16xf32>
        %mul3A_1022 = arith.constant -2.000000e-02 : f32
        %mul3A_1023 = vector.broadcast %mul3A_1022 : f32 to vector<16xf32>
        %mul3A_1024 = arith.mulf %mul3A_1023, %max3A_1021 : vector<16xf32>
        %lt3A_1025 = arith.cmpf olt, %add3A_1020, %mul3A_1024 : vector<16xf32>
        %select_n3A_1026 = arith.select %lt3A_1025, %broadcast_in_dim3A_7, %exp3A_1011 : vector<16xi1>, vector<16xf32>
        %add3A_1027 = arith.addf %broadcast_in_dim3A_7, %select_n3A_1026 : vector<16xf32>
        %get3A_1028 = arith.constant 3 : i32
        %get3A_1029 = arith.index_cast %get3A_1028 : i32 to index
        %get3A_1030 = arith.index_cast %mul3A_38 : i32 to index
        %get3A_1031 = tpu.vector_load %arg5[%get3A_1029, %get3A_1030] {strides = array<i32>} : memref<64x512xf32, #tpu.memory_space<vmem>>, vector<16xf32>,
        %sub3A_1032 = arith.subf %get3A_1031, %select_n3A_957 : vector<16xf32>
        %exp3A_1033 = math.exp %sub3A_1032 : vector<16xf32>
        %abs3A_1034 = math.absf %get3A_1031 : vector<16xf32>
        %max3A_1035 = arith.maximumf %abs3A_1034, %select_n3A_957 : vector<16xf32>
        %mul3A_1036 = arith.constant -2.000000e-02 : f32
        %mul3A_1037 = vector.broadcast %mul3A_1036 : f32 to vector<16xf32>
        %mul3A_1038 = arith.mulf %mul3A_1037, %max3A_1035 : vector<16xf32>
        %lt3A_1039 = arith.cmpf olt, %sub3A_1032, %mul3A_1038 : vector<16xf32>
        %select_n3A_1040 = arith.select %lt3A_1039, %broadcast_in_dim3A_7, %exp3A_1033 : vector<16xi1>, vector<16xf32>
        %add3A_1041 = arith.addf %broadcast_in_dim3A_7, %select_n3A_1040 : vector<16xf32>
        %add3A_1042 = arith.addf %sub3A_1032, %sub3A : vector<16xf32>
        %max3A_1043 = arith.maximumf %abs3A_1034, %select_n3A_963 : vector<16xf32>
        %mul3A_1044 = arith.constant -2.000000e-02 : f32
        %mul3A_1045 = vector.broadcast %mul3A_1044 : f32 to vector<16xf32>
        %mul3A_1046 = arith.mulf %mul3A_1045, %max3A_1043 : vector<16xf32>
        %lt3A_1047 = arith.cmpf olt, %add3A_1042, %mul3A_1046 : vector<16xf32>
        %select_n3A_1048 = arith.select %lt3A_1047, %broadcast_in_dim3A_7, %exp3A_1033 : vector<16xi1>, vector<16xf32>
        %add3A_1049 = arith.addf %broadcast_in_dim3A_7, %select_n3A_1048 : vector<16xf32>
        %get3A_1050 = arith.constant 4 : i32
        %get3A_1051 = arith.index_cast %get3A_1050 : i32 to index
        %get3A_1052 = arith.index_cast %mul3A_38 : i32 to index
        %get3A_1053 = tpu.vector_load %arg5[%get3A_1051, %get3A_1052] {strides = array<i32>} : memref<64x512xf32, #tpu.memory_space<vmem>>, vector<16xf32>,
        %sub3A_1054 = arith.subf %get3A_1053, %select_n3A_957 : vector<16xf32>
        %exp3A_1055 = math.exp %sub3A_1054 : vector<16xf32>
        %abs3A_1056 = math.absf %get3A_1053 : vector<16xf32>
        %max3A_1057 = arith.maximumf %abs3A_1056, %select_n3A_957 : vector<16xf32>
        %mul3A_1058 = arith.constant -2.000000e-02 : f32
        %mul3A_1059 = vector.broadcast %mul3A_1058 : f32 to vector<16xf32>
        %mul3A_1060 = arith.mulf %mul3A_1059, %max3A_1057 : vector<16xf32>
        %lt3A_1061 = arith.cmpf olt, %sub3A_1054, %mul3A_1060 : vector<16xf32>
        %select_n3A_1062 = arith.select %lt3A_1061, %broadcast_in_dim3A_7, %exp3A_1055 : vector<16xi1>, vector<16xf32>
        %add3A_1063 = arith.addf %add3A_975, %select_n3A_1062 : vector<16xf32>
        %add3A_1064 = arith.addf %sub3A_1054, %sub3A : vector<16xf32>
        %max3A_1065 = arith.maximumf %abs3A_1056, %select_n3A_963 : vector<16xf32>
        %mul3A_1066 = arith.constant -2.000000e-02 : f32
        %mul3A_1067 = vector.broadcast %mul3A_1066 : f32 to vector<16xf32>
        %mul3A_1068 = arith.mulf %mul3A_1067, %max3A_1065 : vector<16xf32>
        %lt3A_1069 = arith.cmpf olt, %add3A_1064, %mul3A_1068 : vector<16xf32>
        %select_n3A_1070 = arith.select %lt3A_1069, %broadcast_in_dim3A_7, %exp3A_1055 : vector<16xi1>, vector<16xf32>
        %add3A_1071 = arith.addf %add3A_983, %select_n3A_1070 : vector<16xf32>
        %get3A_1072 = arith.constant 5 : i32
        %get3A_1073 = arith.index_cast %get3A_1072 : i32 to index
        %get3A_1074 = arith.index_cast %mul3A_38 : i32 to index
        %get3A_1075 = tpu.vector_load %arg5[%get3A_1073, %get3A_1074] {strides = array<i32>} : memref<64x512xf32, #tpu.memory_space<vmem>>, vector<16xf32>,
        %sub3A_1076 = arith.subf %get3A_1075, %select_n3A_957 : vector<16xf32>
        %exp3A_1077 = math.exp %sub3A_1076 : vector<16xf32>
        %abs3A_1078 = math.absf %get3A_1075 : vector<16xf32>
        %max3A_1079 = arith.maximumf %abs3A_1078, %select_n3A_957 : vector<16xf32>
        %mul3A_1080 = arith.constant -2.000000e-02 : f32
        %mul3A_1081 = vector.broadcast %mul3A_1080 : f32 to vector<16xf32>
        %mul3A_1082 = arith.mulf %mul3A_1081, %max3A_1079 : vector<16xf32>
        %lt3A_1083 = arith.cmpf olt, %sub3A_1076, %mul3A_1082 : vector<16xf32>
        %select_n3A_1084 = arith.select %lt3A_1083, %broadcast_in_dim3A_7, %exp3A_1077 : vector<16xi1>, vector<16xf32>
        %add3A_1085 = arith.addf %add3A_997, %select_n3A_1084 : vector<16xf32>
        %add3A_1086 = arith.addf %sub3A_1076, %sub3A : vector<16xf32>
        %max3A_1087 = arith.maximumf %abs3A_1078, %select_n3A_963 : vector<16xf32>
        %mul3A_1088 = arith.constant -2.000000e-02 : f32
        %mul3A_1089 = vector.broadcast %mul3A_1088 : f32 to vector<16xf32>
        %mul3A_1090 = arith.mulf %mul3A_1089, %max3A_1087 : vector<16xf32>
        %lt3A_1091 = arith.cmpf olt, %add3A_1086, %mul3A_1090 : vector<16xf32>
        %select_n3A_1092 = arith.select %lt3A_1091, %broadcast_in_dim3A_7, %exp3A_1077 : vector<16xi1>, vector<16xf32>
        %add3A_1093 = arith.addf %add3A_1005, %select_n3A_1092 : vector<16xf32>
        %get3A_1094 = arith.constant 6 : i32
        %get3A_1095 = arith.index_cast %get3A_1094 : i32 to index
        %get3A_1096 = arith.index_cast %mul3A_38 : i32 to index
        %get3A_1097 = tpu.vector_load %arg5[%get3A_1095, %get3A_1096] {strides = array<i32>} : memref<64x512xf32, #tpu.memory_space<vmem>>, vector<16xf32>,
        %sub3A_1098 = arith.subf %get3A_1097, %select_n3A_957 : vector<16xf32>
        %exp3A_1099 = math.exp %sub3A_1098 : vector<16xf32>
        %abs3A_1100 = math.absf %get3A_1097 : vector<16xf32>
        %max3A_1101 = arith.maximumf %abs3A_1100, %select_n3A_957 : vector<16xf32>
        %mul3A_1102 = arith.constant -2.000000e-02 : f32
        %mul3A_1103 = vector.broadcast %mul3A_1102 : f32 to vector<16xf32>
        %mul3A_1104 = arith.mulf %mul3A_1103, %max3A_1101 : vector<16xf32>
        %lt3A_1105 = arith.cmpf olt, %sub3A_1098, %mul3A_1104 : vector<16xf32>
        %select_n3A_1106 = arith.select %lt3A_1105, %broadcast_in_dim3A_7, %exp3A_1099 : vector<16xi1>, vector<16xf32>
        %add3A_1107 = arith.addf %add3A_1019, %select_n3A_1106 : vector<16xf32>
        %add3A_1108 = arith.addf %sub3A_1098, %sub3A : vector<16xf32>
        %max3A_1109 = arith.maximumf %abs3A_1100, %select_n3A_963 : vector<16xf32>
        %mul3A_1110 = arith.constant -2.000000e-02 : f32
        %mul3A_1111 = vector.broadcast %mul3A_1110 : f32 to vector<16xf32>
        %mul3A_1112 = arith.mulf %mul3A_1111, %max3A_1109 : vector<16xf32>
        %lt3A_1113 = arith.cmpf olt, %add3A_1108, %mul3A_1112 : vector<16xf32>
        %select_n3A_1114 = arith.select %lt3A_1113, %broadcast_in_dim3A_7, %exp3A_1099 : vector<16xi1>, vector<16xf32>
        %add3A_1115 = arith.addf %add3A_1027, %select_n3A_1114 : vector<16xf32>
        %get3A_1116 = arith.constant 7 : i32
        %get3A_1117 = arith.index_cast %get3A_1116 : i32 to index
        %get3A_1118 = arith.index_cast %mul3A_38 : i32 to index
        %get3A_1119 = tpu.vector_load %arg5[%get3A_1117, %get3A_1118] {strides = array<i32>} : memref<64x512xf32, #tpu.memory_space<vmem>>, vector<16xf32>,
        %sub3A_1120 = arith.subf %get3A_1119, %select_n3A_957 : vector<16xf32>
        %exp3A_1121 = math.exp %sub3A_1120 : vector<16xf32>
        %abs3A_1122 = math.absf %get3A_1119 : vector<16xf32>
        %max3A_1123 = arith.maximumf %abs3A_1122, %select_n3A_957 : vector<16xf32>
        %mul3A_1124 = arith.constant -2.000000e-02 : f32
        %mul3A_1125 = vector.broadcast %mul3A_1124 : f32 to vector<16xf32>
        %mul3A_1126 = arith.mulf %mul3A_1125, %max3A_1123 : vector<16xf32>
        %lt3A_1127 = arith.cmpf olt, %sub3A_1120, %mul3A_1126 : vector<16xf32>
        %select_n3A_1128 = arith.select %lt3A_1127, %broadcast_in_dim3A_7, %exp3A_1121 : vector<16xi1>, vector<16xf32>
        %add3A_1129 = arith.addf %add3A_1041, %select_n3A_1128 : vector<16xf32>
        %add3A_1130 = arith.addf %sub3A_1120, %sub3A : vector<16xf32>
        %max3A_1131 = arith.maximumf %abs3A_1122, %select_n3A_963 : vector<16xf32>
        %mul3A_1132 = arith.constant -2.000000e-02 : f32
        %mul3A_1133 = vector.broadcast %mul3A_1132 : f32 to vector<16xf32>
        %mul3A_1134 = arith.mulf %mul3A_1133, %max3A_1131 : vector<16xf32>
        %lt3A_1135 = arith.cmpf olt, %add3A_1130, %mul3A_1134 : vector<16xf32>
        %select_n3A_1136 = arith.select %lt3A_1135, %broadcast_in_dim3A_7, %exp3A_1121 : vector<16xi1>, vector<16xf32>
        %add3A_1137 = arith.addf %add3A_1049, %select_n3A_1136 : vector<16xf32>
        %get3A_1138 = arith.constant 8 : i32
        %get3A_1139 = arith.index_cast %get3A_1138 : i32 to index
        %get3A_1140 = arith.index_cast %mul3A_38 : i32 to index
        %get3A_1141 = tpu.vector_load %arg5[%get3A_1139, %get3A_1140] {strides = array<i32>} : memref<64x512xf32, #tpu.memory_space<vmem>>, vector<16xf32>,
        %sub3A_1142 = arith.subf %get3A_1141, %select_n3A_957 : vector<16xf32>
        %exp3A_1143 = math.exp %sub3A_1142 : vector<16xf32>
        %abs3A_1144 = math.absf %get3A_1141 : vector<16xf32>
        %max3A_1145 = arith.maximumf %abs3A_1144, %select_n3A_957 : vector<16xf32>
        %mul3A_1146 = arith.constant -2.000000e-02 : f32
        %mul3A_1147 = vector.broadcast %mul3A_1146 : f32 to vector<16xf32>
        %mul3A_1148 = arith.mulf %mul3A_1147, %max3A_1145 : vector<16xf32>
        %lt3A_1149 = arith.cmpf olt, %sub3A_1142, %mul3A_1148 : vector<16xf32>
        %select_n3A_1150 = arith.select %lt3A_1149, %broadcast_in_dim3A_7, %exp3A_1143 : vector<16xi1>, vector<16xf32>
        %add3A_1151 = arith.addf %add3A_1063, %select_n3A_1150 : vector<16xf32>
        %add3A_1152 = arith.addf %sub3A_1142, %sub3A : vector<16xf32>
        %max3A_1153 = arith.maximumf %abs3A_1144, %select_n3A_963 : vector<16xf32>
        %mul3A_1154 = arith.constant -2.000000e-02 : f32
        %mul3A_1155 = vector.broadcast %mul3A_1154 : f32 to vector<16xf32>
        %mul3A_1156 = arith.mulf %mul3A_1155, %max3A_1153 : vector<16xf32>
        %lt3A_1157 = arith.cmpf olt, %add3A_1152, %mul3A_1156 : vector<16xf32>
        %select_n3A_1158 = arith.select %lt3A_1157, %broadcast_in_dim3A_7, %exp3A_1143 : vector<16xi1>, vector<16xf32>
        %add3A_1159 = arith.addf %add3A_1071, %select_n3A_1158 : vector<16xf32>
        %get3A_1160 = arith.constant 9 : i32
        %get3A_1161 = arith.index_cast %get3A_1160 : i32 to index
        %get3A_1162 = arith.index_cast %mul3A_38 : i32 to index
        %get3A_1163 = tpu.vector_load %arg5[%get3A_1161, %get3A_1162] {strides = array<i32>} : memref<64x512xf32, #tpu.memory_space<vmem>>, vector<16xf32>,
        %sub3A_1164 = arith.subf %get3A_1163, %select_n3A_957 : vector<16xf32>
        %exp3A_1165 = math.exp %sub3A_1164 : vector<16xf32>
        %abs3A_1166 = math.absf %get3A_1163 : vector<16xf32>
        %max3A_1167 = arith.maximumf %abs3A_1166, %select_n3A_957 : vector<16xf32>
        %mul3A_1168 = arith.constant -2.000000e-02 : f32
        %mul3A_1169 = vector.broadcast %mul3A_1168 : f32 to vector<16xf32>
        %mul3A_1170 = arith.mulf %mul3A_1169, %max3A_1167 : vector<16xf32>
        %lt3A_1171 = arith.cmpf olt, %sub3A_1164, %mul3A_1170 : vector<16xf32>
        %select_n3A_1172 = arith.select %lt3A_1171, %broadcast_in_dim3A_7, %exp3A_1165 : vector<16xi1>, vector<16xf32>
        %add3A_1173 = arith.addf %add3A_1085, %select_n3A_1172 : vector<16xf32>
        %add3A_1174 = arith.addf %sub3A_1164, %sub3A : vector<16xf32>
        %max3A_1175 = arith.maximumf %abs3A_1166, %select_n3A_963 : vector<16xf32>
        %mul3A_1176 = arith.constant -2.000000e-02 : f32
        %mul3A_1177 = vector.broadcast %mul3A_1176 : f32 to vector<16xf32>
        %mul3A_1178 = arith.mulf %mul3A_1177, %max3A_1175 : vector<16xf32>
        %lt3A_1179 = arith.cmpf olt, %add3A_1174, %mul3A_1178 : vector<16xf32>
        %select_n3A_1180 = arith.select %lt3A_1179, %broadcast_in_dim3A_7, %exp3A_1165 : vector<16xi1>, vector<16xf32>
        %add3A_1181 = arith.addf %add3A_1093, %select_n3A_1180 : vector<16xf32>
        %get3A_1182 = arith.constant 10 : i32
        %get3A_1183 = arith.index_cast %get3A_1182 : i32 to index
        %get3A_1184 = arith.index_cast %mul3A_38 : i32 to index
        %get3A_1185 = tpu.vector_load %arg5[%get3A_1183, %get3A_1184] {strides = array<i32>} : memref<64x512xf32, #tpu.memory_space<vmem>>, vector<16xf32>,
        %sub3A_1186 = arith.subf %get3A_1185, %select_n3A_957 : vector<16xf32>
        %exp3A_1187 = math.exp %sub3A_1186 : vector<16xf32>
        %abs3A_1188 = math.absf %get3A_1185 : vector<16xf32>
        %max3A_1189 = arith.maximumf %abs3A_1188, %select_n3A_957 : vector<16xf32>
        %mul3A_1190 = arith.constant -2.000000e-02 : f32
        %mul3A_1191 = vector.broadcast %mul3A_1190 : f32 to vector<16xf32>
        %mul3A_1192 = arith.mulf %mul3A_1191, %max3A_1189 : vector<16xf32>
        %lt3A_1193 = arith.cmpf olt, %sub3A_1186, %mul3A_1192 : vector<16xf32>
        %select_n3A_1194 = arith.select %lt3A_1193, %broadcast_in_dim3A_7, %exp3A_1187 : vector<16xi1>, vector<16xf32>
        %add3A_1195 = arith.addf %add3A_1107, %select_n3A_1194 : vector<16xf32>
        %add3A_1196 = arith.addf %sub3A_1186, %sub3A : vector<16xf32>
        %max3A_1197 = arith.maximumf %abs3A_1188, %select_n3A_963 : vector<16xf32>
        %mul3A_1198 = arith.constant -2.000000e-02 : f32
        %mul3A_1199 = vector.broadcast %mul3A_1198 : f32 to vector<16xf32>
        %mul3A_1200 = arith.mulf %mul3A_1199, %max3A_1197 : vector<16xf32>
        %lt3A_1201 = arith.cmpf olt, %add3A_1196, %mul3A_1200 : vector<16xf32>
        %select_n3A_1202 = arith.select %lt3A_1201, %broadcast_in_dim3A_7, %exp3A_1187 : vector<16xi1>, vector<16xf32>
        %add3A_1203 = arith.addf %add3A_1115, %select_n3A_1202 : vector<16xf32>
        %get3A_1204 = arith.constant 11 : i32
        %get3A_1205 = arith.index_cast %get3A_1204 : i32 to index
        %get3A_1206 = arith.index_cast %mul3A_38 : i32 to index
        %get3A_1207 = tpu.vector_load %arg5[%get3A_1205, %get3A_1206] {strides = array<i32>} : memref<64x512xf32, #tpu.memory_space<vmem>>, vector<16xf32>,
        %sub3A_1208 = arith.subf %get3A_1207, %select_n3A_957 : vector<16xf32>
        %exp3A_1209 = math.exp %sub3A_1208 : vector<16xf32>
        %abs3A_1210 = math.absf %get3A_1207 : vector<16xf32>
        %max3A_1211 = arith.maximumf %abs3A_1210, %select_n3A_957 : vector<16xf32>
        %mul3A_1212 = arith.constant -2.000000e-02 : f32
        %mul3A_1213 = vector.broadcast %mul3A_1212 : f32 to vector<16xf32>
        %mul3A_1214 = arith.mulf %mul3A_1213, %max3A_1211 : vector<16xf32>
        %lt3A_1215 = arith.cmpf olt, %sub3A_1208, %mul3A_1214 : vector<16xf32>
        %select_n3A_1216 = arith.select %lt3A_1215, %broadcast_in_dim3A_7, %exp3A_1209 : vector<16xi1>, vector<16xf32>
        %add3A_1217 = arith.addf %add3A_1129, %select_n3A_1216 : vector<16xf32>
        %add3A_1218 = arith.addf %sub3A_1208, %sub3A : vector<16xf32>
        %max3A_1219 = arith.maximumf %abs3A_1210, %select_n3A_963 : vector<16xf32>
        %mul3A_1220 = arith.constant -2.000000e-02 : f32
        %mul3A_1221 = vector.broadcast %mul3A_1220 : f32 to vector<16xf32>
        %mul3A_1222 = arith.mulf %mul3A_1221, %max3A_1219 : vector<16xf32>
        %lt3A_1223 = arith.cmpf olt, %add3A_1218, %mul3A_1222 : vector<16xf32>
        %select_n3A_1224 = arith.select %lt3A_1223, %broadcast_in_dim3A_7, %exp3A_1209 : vector<16xi1>, vector<16xf32>
        %add3A_1225 = arith.addf %add3A_1137, %select_n3A_1224 : vector<16xf32>
        %get3A_1226 = arith.constant 12 : i32
        %get3A_1227 = arith.index_cast %get3A_1226 : i32 to index
        %get3A_1228 = arith.index_cast %mul3A_38 : i32 to index
        %get3A_1229 = tpu.vector_load %arg5[%get3A_1227, %get3A_1228] {strides = array<i32>} : memref<64x512xf32, #tpu.memory_space<vmem>>, vector<16xf32>,
        %sub3A_1230 = arith.subf %get3A_1229, %select_n3A_957 : vector<16xf32>
        %exp3A_1231 = math.exp %sub3A_1230 : vector<16xf32>
        %abs3A_1232 = math.absf %get3A_1229 : vector<16xf32>
        %max3A_1233 = arith.maximumf %abs3A_1232, %select_n3A_957 : vector<16xf32>
        %mul3A_1234 = arith.constant -2.000000e-02 : f32
        %mul3A_1235 = vector.broadcast %mul3A_1234 : f32 to vector<16xf32>
        %mul3A_1236 = arith.mulf %mul3A_1235, %max3A_1233 : vector<16xf32>
        %lt3A_1237 = arith.cmpf olt, %sub3A_1230, %mul3A_1236 : vector<16xf32>
        %select_n3A_1238 = arith.select %lt3A_1237, %broadcast_in_dim3A_7, %exp3A_1231 : vector<16xi1>, vector<16xf32>
        %add3A_1239 = arith.addf %add3A_1151, %select_n3A_1238 : vector<16xf32>
        %add3A_1240 = arith.addf %sub3A_1230, %sub3A : vector<16xf32>
        %max3A_1241 = arith.maximumf %abs3A_1232, %select_n3A_963 : vector<16xf32>
        %mul3A_1242 = arith.constant -2.000000e-02 : f32
        %mul3A_1243 = vector.broadcast %mul3A_1242 : f32 to vector<16xf32>
        %mul3A_1244 = arith.mulf %mul3A_1243, %max3A_1241 : vector<16xf32>
        %lt3A_1245 = arith.cmpf olt, %add3A_1240, %mul3A_1244 : vector<16xf32>
        %select_n3A_1246 = arith.select %lt3A_1245, %broadcast_in_dim3A_7, %exp3A_1231 : vector<16xi1>, vector<16xf32>
        %add3A_1247 = arith.addf %add3A_1159, %select_n3A_1246 : vector<16xf32>
        %get3A_1248 = arith.constant 13 : i32
        %get3A_1249 = arith.index_cast %get3A_1248 : i32 to index
        %get3A_1250 = arith.index_cast %mul3A_38 : i32 to index
        %get3A_1251 = tpu.vector_load %arg5[%get3A_1249, %get3A_1250] {strides = array<i32>} : memref<64x512xf32, #tpu.memory_space<vmem>>, vector<16xf32>,
        %sub3A_1252 = arith.subf %get3A_1251, %select_n3A_957 : vector<16xf32>
        %exp3A_1253 = math.exp %sub3A_1252 : vector<16xf32>
        %abs3A_1254 = math.absf %get3A_1251 : vector<16xf32>
        %max3A_1255 = arith.maximumf %abs3A_1254, %select_n3A_957 : vector<16xf32>
        %mul3A_1256 = arith.constant -2.000000e-02 : f32
        %mul3A_1257 = vector.broadcast %mul3A_1256 : f32 to vector<16xf32>
        %mul3A_1258 = arith.mulf %mul3A_1257, %max3A_1255 : vector<16xf32>
        %lt3A_1259 = arith.cmpf olt, %sub3A_1252, %mul3A_1258 : vector<16xf32>
        %select_n3A_1260 = arith.select %lt3A_1259, %broadcast_in_dim3A_7, %exp3A_1253 : vector<16xi1>, vector<16xf32>
        %add3A_1261 = arith.addf %add3A_1173, %select_n3A_1260 : vector<16xf32>
        %add3A_1262 = arith.addf %sub3A_1252, %sub3A : vector<16xf32>
        %max3A_1263 = arith.maximumf %abs3A_1254, %select_n3A_963 : vector<16xf32>
        %mul3A_1264 = arith.constant -2.000000e-02 : f32
        %mul3A_1265 = vector.broadcast %mul3A_1264 : f32 to vector<16xf32>
        %mul3A_1266 = arith.mulf %mul3A_1265, %max3A_1263 : vector<16xf32>
        %lt3A_1267 = arith.cmpf olt, %add3A_1262, %mul3A_1266 : vector<16xf32>
        %select_n3A_1268 = arith.select %lt3A_1267, %broadcast_in_dim3A_7, %exp3A_1253 : vector<16xi1>, vector<16xf32>
        %add3A_1269 = arith.addf %add3A_1181, %select_n3A_1268 : vector<16xf32>
        %get3A_1270 = arith.constant 14 : i32
        %get3A_1271 = arith.index_cast %get3A_1270 : i32 to index
        %get3A_1272 = arith.index_cast %mul3A_38 : i32 to index
        %get3A_1273 = tpu.vector_load %arg5[%get3A_1271, %get3A_1272] {strides = array<i32>} : memref<64x512xf32, #tpu.memory_space<vmem>>, vector<16xf32>,
        %sub3A_1274 = arith.subf %get3A_1273, %select_n3A_957 : vector<16xf32>
        %exp3A_1275 = math.exp %sub3A_1274 : vector<16xf32>
        %abs3A_1276 = math.absf %get3A_1273 : vector<16xf32>
        %max3A_1277 = arith.maximumf %abs3A_1276, %select_n3A_957 : vector<16xf32>
        %mul3A_1278 = arith.constant -2.000000e-02 : f32
        %mul3A_1279 = vector.broadcast %mul3A_1278 : f32 to vector<16xf32>
        %mul3A_1280 = arith.mulf %mul3A_1279, %max3A_1277 : vector<16xf32>
        %lt3A_1281 = arith.cmpf olt, %sub3A_1274, %mul3A_1280 : vector<16xf32>
        %select_n3A_1282 = arith.select %lt3A_1281, %broadcast_in_dim3A_7, %exp3A_1275 : vector<16xi1>, vector<16xf32>
        %add3A_1283 = arith.addf %add3A_1195, %select_n3A_1282 : vector<16xf32>
        %add3A_1284 = arith.addf %sub3A_1274, %sub3A : vector<16xf32>
        %max3A_1285 = arith.maximumf %abs3A_1276, %select_n3A_963 : vector<16xf32>
        %mul3A_1286 = arith.constant -2.000000e-02 : f32
        %mul3A_1287 = vector.broadcast %mul3A_1286 : f32 to vector<16xf32>
        %mul3A_1288 = arith.mulf %mul3A_1287, %max3A_1285 : vector<16xf32>
        %lt3A_1289 = arith.cmpf olt, %add3A_1284, %mul3A_1288 : vector<16xf32>
        %select_n3A_1290 = arith.select %lt3A_1289, %broadcast_in_dim3A_7, %exp3A_1275 : vector<16xi1>, vector<16xf32>
        %add3A_1291 = arith.addf %add3A_1203, %select_n3A_1290 : vector<16xf32>
        %get3A_1292 = arith.constant 15 : i32
        %get3A_1293 = arith.index_cast %get3A_1292 : i32 to index
        %get3A_1294 = arith.index_cast %mul3A_38 : i32 to index
        %get3A_1295 = tpu.vector_load %arg5[%get3A_1293, %get3A_1294] {strides = array<i32>} : memref<64x512xf32, #tpu.memory_space<vmem>>, vector<16xf32>,
        %sub3A_1296 = arith.subf %get3A_1295, %select_n3A_957 : vector<16xf32>
        %exp3A_1297 = math.exp %sub3A_1296 : vector<16xf32>
        %abs3A_1298 = math.absf %get3A_1295 : vector<16xf32>
        %max3A_1299 = arith.maximumf %abs3A_1298, %select_n3A_957 : vector<16xf32>
        %mul3A_1300 = arith.constant -2.000000e-02 : f32
        %mul3A_1301 = vector.broadcast %mul3A_1300 : f32 to vector<16xf32>
        %mul3A_1302 = arith.mulf %mul3A_1301, %max3A_1299 : vector<16xf32>
        %lt3A_1303 = arith.cmpf olt, %sub3A_1296, %mul3A_1302 : vector<16xf32>
        %select_n3A_1304 = arith.select %lt3A_1303, %broadcast_in_dim3A_7, %exp3A_1297 : vector<16xi1>, vector<16xf32>
        %add3A_1305 = arith.addf %add3A_1217, %select_n3A_1304 : vector<16xf32>
        %add3A_1306 = arith.addf %sub3A_1296, %sub3A : vector<16xf32>
        %max3A_1307 = arith.maximumf %abs3A_1298, %select_n3A_963 : vector<16xf32>
        %mul3A_1308 = arith.constant -2.000000e-02 : f32
        %mul3A_1309 = vector.broadcast %mul3A_1308 : f32 to vector<16xf32>
        %mul3A_1310 = arith.mulf %mul3A_1309, %max3A_1307 : vector<16xf32>
        %lt3A_1311 = arith.cmpf olt, %add3A_1306, %mul3A_1310 : vector<16xf32>
        %select_n3A_1312 = arith.select %lt3A_1311, %broadcast_in_dim3A_7, %exp3A_1297 : vector<16xi1>, vector<16xf32>
        %add3A_1313 = arith.addf %add3A_1225, %select_n3A_1312 : vector<16xf32>
        %get3A_1314 = arith.constant 16 : i32
        %get3A_1315 = arith.index_cast %get3A_1314 : i32 to index
        %get3A_1316 = arith.index_cast %mul3A_38 : i32 to index
        %get3A_1317 = tpu.vector_load %arg5[%get3A_1315, %get3A_1316] {strides = array<i32>} : memref<64x512xf32, #tpu.memory_space<vmem>>, vector<16xf32>,
        %sub3A_1318 = arith.subf %get3A_1317, %select_n3A_957 : vector<16xf32>
        %exp3A_1319 = math.exp %sub3A_1318 : vector<16xf32>
        %abs3A_1320 = math.absf %get3A_1317 : vector<16xf32>
        %max3A_1321 = arith.maximumf %abs3A_1320, %select_n3A_957 : vector<16xf32>
        %mul3A_1322 = arith.constant -2.000000e-02 : f32
        %mul3A_1323 = vector.broadcast %mul3A_1322 : f32 to vector<16xf32>
        %mul3A_1324 = arith.mulf %mul3A_1323, %max3A_1321 : vector<16xf32>
        %lt3A_1325 = arith.cmpf olt, %sub3A_1318, %mul3A_1324 : vector<16xf32>
        %select_n3A_1326 = arith.select %lt3A_1325, %broadcast_in_dim3A_7, %exp3A_1319 : vector<16xi1>, vector<16xf32>
        %add3A_1327 = arith.addf %add3A_1239, %select_n3A_1326 : vector<16xf32>
        %add3A_1328 = arith.addf %sub3A_1318, %sub3A : vector<16xf32>
        %max3A_1329 = arith.maximumf %abs3A_1320, %select_n3A_963 : vector<16xf32>
        %mul3A_1330 = arith.constant -2.000000e-02 : f32
        %mul3A_1331 = vector.broadcast %mul3A_1330 : f32 to vector<16xf32>
        %mul3A_1332 = arith.mulf %mul3A_1331, %max3A_1329 : vector<16xf32>
        %lt3A_1333 = arith.cmpf olt, %add3A_1328, %mul3A_1332 : vector<16xf32>
        %select_n3A_1334 = arith.select %lt3A_1333, %broadcast_in_dim3A_7, %exp3A_1319 : vector<16xi1>, vector<16xf32>
        %add3A_1335 = arith.addf %add3A_1247, %select_n3A_1334 : vector<16xf32>
        %get3A_1336 = arith.constant 17 : i32
        %get3A_1337 = arith.index_cast %get3A_1336 : i32 to index
        %get3A_1338 = arith.index_cast %mul3A_38 : i32 to index
        %get3A_1339 = tpu.vector_load %arg5[%get3A_1337, %get3A_1338] {strides = array<i32>} : memref<64x512xf32, #tpu.memory_space<vmem>>, vector<16xf32>,
        %sub3A_1340 = arith.subf %get3A_1339, %select_n3A_957 : vector<16xf32>
        %exp3A_1341 = math.exp %sub3A_1340 : vector<16xf32>
        %abs3A_1342 = math.absf %get3A_1339 : vector<16xf32>
        %max3A_1343 = arith.maximumf %abs3A_1342, %select_n3A_957 : vector<16xf32>
        %mul3A_1344 = arith.constant -2.000000e-02 : f32
        %mul3A_1345 = vector.broadcast %mul3A_1344 : f32 to vector<16xf32>
        %mul3A_1346 = arith.mulf %mul3A_1345, %max3A_1343 : vector<16xf32>
        %lt3A_1347 = arith.cmpf olt, %sub3A_1340, %mul3A_1346 : vector<16xf32>
        %select_n3A_1348 = arith.select %lt3A_1347, %broadcast_in_dim3A_7, %exp3A_1341 : vector<16xi1>, vector<16xf32>
        %add3A_1349 = arith.addf %add3A_1261, %select_n3A_1348 : vector<16xf32>
        %add3A_1350 = arith.addf %sub3A_1340, %sub3A : vector<16xf32>
        %max3A_1351 = arith.maximumf %abs3A_1342, %select_n3A_963 : vector<16xf32>
        %mul3A_1352 = arith.constant -2.000000e-02 : f32
        %mul3A_1353 = vector.broadcast %mul3A_1352 : f32 to vector<16xf32>
        %mul3A_1354 = arith.mulf %mul3A_1353, %max3A_1351 : vector<16xf32>
        %lt3A_1355 = arith.cmpf olt, %add3A_1350, %mul3A_1354 : vector<16xf32>
        %select_n3A_1356 = arith.select %lt3A_1355, %broadcast_in_dim3A_7, %exp3A_1341 : vector<16xi1>, vector<16xf32>
        %add3A_1357 = arith.addf %add3A_1269, %select_n3A_1356 : vector<16xf32>
        %get3A_1358 = arith.constant 18 : i32
        %get3A_1359 = arith.index_cast %get3A_1358 : i32 to index
        %get3A_1360 = arith.index_cast %mul3A_38 : i32 to index
        %get3A_1361 = tpu.vector_load %arg5[%get3A_1359, %get3A_1360] {strides = array<i32>} : memref<64x512xf32, #tpu.memory_space<vmem>>, vector<16xf32>,
        %sub3A_1362 = arith.subf %get3A_1361, %select_n3A_957 : vector<16xf32>
        %exp3A_1363 = math.exp %sub3A_1362 : vector<16xf32>
        %abs3A_1364 = math.absf %get3A_1361 : vector<16xf32>
        %max3A_1365 = arith.maximumf %abs3A_1364, %select_n3A_957 : vector<16xf32>
        %mul3A_1366 = arith.constant -2.000000e-02 : f32
        %mul3A_1367 = vector.broadcast %mul3A_1366 : f32 to vector<16xf32>
        %mul3A_1368 = arith.mulf %mul3A_1367, %max3A_1365 : vector<16xf32>
        %lt3A_1369 = arith.cmpf olt, %sub3A_1362, %mul3A_1368 : vector<16xf32>
        %select_n3A_1370 = arith.select %lt3A_1369, %broadcast_in_dim3A_7, %exp3A_1363 : vector<16xi1>, vector<16xf32>
        %add3A_1371 = arith.addf %add3A_1283, %select_n3A_1370 : vector<16xf32>
        %add3A_1372 = arith.addf %sub3A_1362, %sub3A : vector<16xf32>
        %max3A_1373 = arith.maximumf %abs3A_1364, %select_n3A_963 : vector<16xf32>
        %mul3A_1374 = arith.constant -2.000000e-02 : f32
        %mul3A_1375 = vector.broadcast %mul3A_1374 : f32 to vector<16xf32>
        %mul3A_1376 = arith.mulf %mul3A_1375, %max3A_1373 : vector<16xf32>
        %lt3A_1377 = arith.cmpf olt, %add3A_1372, %mul3A_1376 : vector<16xf32>
        %select_n3A_1378 = arith.select %lt3A_1377, %broadcast_in_dim3A_7, %exp3A_1363 : vector<16xi1>, vector<16xf32>
        %add3A_1379 = arith.addf %add3A_1291, %select_n3A_1378 : vector<16xf32>
        %get3A_1380 = arith.constant 19 : i32
        %get3A_1381 = arith.index_cast %get3A_1380 : i32 to index
        %get3A_1382 = arith.index_cast %mul3A_38 : i32 to index
        %get3A_1383 = tpu.vector_load %arg5[%get3A_1381, %get3A_1382] {strides = array<i32>} : memref<64x512xf32, #tpu.memory_space<vmem>>, vector<16xf32>,
        %sub3A_1384 = arith.subf %get3A_1383, %select_n3A_957 : vector<16xf32>
        %exp3A_1385 = math.exp %sub3A_1384 : vector<16xf32>
        %abs3A_1386 = math.absf %get3A_1383 : vector<16xf32>
        %max3A_1387 = arith.maximumf %abs3A_1386, %select_n3A_957 : vector<16xf32>
        %mul3A_1388 = arith.constant -2.000000e-02 : f32
        %mul3A_1389 = vector.broadcast %mul3A_1388 : f32 to vector<16xf32>
        %mul3A_1390 = arith.mulf %mul3A_1389, %max3A_1387 : vector<16xf32>
        %lt3A_1391 = arith.cmpf olt, %sub3A_1384, %mul3A_1390 : vector<16xf32>
        %select_n3A_1392 = arith.select %lt3A_1391, %broadcast_in_dim3A_7, %exp3A_1385 : vector<16xi1>, vector<16xf32>
        %add3A_1393 = arith.addf %add3A_1305, %select_n3A_1392 : vector<16xf32>
        %add3A_1394 = arith.addf %sub3A_1384, %sub3A : vector<16xf32>
        %max3A_1395 = arith.maximumf %abs3A_1386, %select_n3A_963 : vector<16xf32>
        %mul3A_1396 = arith.constant -2.000000e-02 : f32
        %mul3A_1397 = vector.broadcast %mul3A_1396 : f32 to vector<16xf32>
        %mul3A_1398 = arith.mulf %mul3A_1397, %max3A_1395 : vector<16xf32>
        %lt3A_1399 = arith.cmpf olt, %add3A_1394, %mul3A_1398 : vector<16xf32>
        %select_n3A_1400 = arith.select %lt3A_1399, %broadcast_in_dim3A_7, %exp3A_1385 : vector<16xi1>, vector<16xf32>
        %add3A_1401 = arith.addf %add3A_1313, %select_n3A_1400 : vector<16xf32>
        %get3A_1402 = arith.constant 20 : i32
        %get3A_1403 = arith.index_cast %get3A_1402 : i32 to index
        %get3A_1404 = arith.index_cast %mul3A_38 : i32 to index
        %get3A_1405 = tpu.vector_load %arg5[%get3A_1403, %get3A_1404] {strides = array<i32>} : memref<64x512xf32, #tpu.memory_space<vmem>>, vector<16xf32>,
        %sub3A_1406 = arith.subf %get3A_1405, %select_n3A_957 : vector<16xf32>
        %exp3A_1407 = math.exp %sub3A_1406 : vector<16xf32>
        %abs3A_1408 = math.absf %get3A_1405 : vector<16xf32>
        %max3A_1409 = arith.maximumf %abs3A_1408, %select_n3A_957 : vector<16xf32>
        %mul3A_1410 = arith.constant -2.000000e-02 : f32
        %mul3A_1411 = vector.broadcast %mul3A_1410 : f32 to vector<16xf32>
        %mul3A_1412 = arith.mulf %mul3A_1411, %max3A_1409 : vector<16xf32>
        %lt3A_1413 = arith.cmpf olt, %sub3A_1406, %mul3A_1412 : vector<16xf32>
        %select_n3A_1414 = arith.select %lt3A_1413, %broadcast_in_dim3A_7, %exp3A_1407 : vector<16xi1>, vector<16xf32>
        %add3A_1415 = arith.addf %add3A_1327, %select_n3A_1414 : vector<16xf32>
        %add3A_1416 = arith.addf %sub3A_1406, %sub3A : vector<16xf32>
        %max3A_1417 = arith.maximumf %abs3A_1408, %select_n3A_963 : vector<16xf32>
        %mul3A_1418 = arith.constant -2.000000e-02 : f32
        %mul3A_1419 = vector.broadcast %mul3A_1418 : f32 to vector<16xf32>
        %mul3A_1420 = arith.mulf %mul3A_1419, %max3A_1417 : vector<16xf32>
        %lt3A_1421 = arith.cmpf olt, %add3A_1416, %mul3A_1420 : vector<16xf32>
        %select_n3A_1422 = arith.select %lt3A_1421, %broadcast_in_dim3A_7, %exp3A_1407 : vector<16xi1>, vector<16xf32>
        %add3A_1423 = arith.addf %add3A_1335, %select_n3A_1422 : vector<16xf32>
        %get3A_1424 = arith.constant 21 : i32
        %get3A_1425 = arith.index_cast %get3A_1424 : i32 to index
        %get3A_1426 = arith.index_cast %mul3A_38 : i32 to index
        %get3A_1427 = tpu.vector_load %arg5[%get3A_1425, %get3A_1426] {strides = array<i32>} : memref<64x512xf32, #tpu.memory_space<vmem>>, vector<16xf32>,
        %sub3A_1428 = arith.subf %get3A_1427, %select_n3A_957 : vector<16xf32>
        %exp3A_1429 = math.exp %sub3A_1428 : vector<16xf32>
        %abs3A_1430 = math.absf %get3A_1427 : vector<16xf32>
        %max3A_1431 = arith.maximumf %abs3A_1430, %select_n3A_957 : vector<16xf32>
        %mul3A_1432 = arith.constant -2.000000e-02 : f32
        %mul3A_1433 = vector.broadcast %mul3A_1432 : f32 to vector<16xf32>
        %mul3A_1434 = arith.mulf %mul3A_1433, %max3A_1431 : vector<16xf32>
        %lt3A_1435 = arith.cmpf olt, %sub3A_1428, %mul3A_1434 : vector<16xf32>
        %select_n3A_1436 = arith.select %lt3A_1435, %broadcast_in_dim3A_7, %exp3A_1429 : vector<16xi1>, vector<16xf32>
        %add3A_1437 = arith.addf %add3A_1349, %select_n3A_1436 : vector<16xf32>
        %add3A_1438 = arith.addf %sub3A_1428, %sub3A : vector<16xf32>
        %max3A_1439 = arith.maximumf %abs3A_1430, %select_n3A_963 : vector<16xf32>
        %mul3A_1440 = arith.constant -2.000000e-02 : f32
        %mul3A_1441 = vector.broadcast %mul3A_1440 : f32 to vector<16xf32>
        %mul3A_1442 = arith.mulf %mul3A_1441, %max3A_1439 : vector<16xf32>
        %lt3A_1443 = arith.cmpf olt, %add3A_1438, %mul3A_1442 : vector<16xf32>
        %select_n3A_1444 = arith.select %lt3A_1443, %broadcast_in_dim3A_7, %exp3A_1429 : vector<16xi1>, vector<16xf32>
        %add3A_1445 = arith.addf %add3A_1357, %select_n3A_1444 : vector<16xf32>
        %get3A_1446 = arith.constant 22 : i32
        %get3A_1447 = arith.index_cast %get3A_1446 : i32 to index
        %get3A_1448 = arith.index_cast %mul3A_38 : i32 to index
        %get3A_1449 = tpu.vector_load %arg5[%get3A_1447, %get3A_1448] {strides = array<i32>} : memref<64x512xf32, #tpu.memory_space<vmem>>, vector<16xf32>,
        %sub3A_1450 = arith.subf %get3A_1449, %select_n3A_957 : vector<16xf32>
        %exp3A_1451 = math.exp %sub3A_1450 : vector<16xf32>
        %abs3A_1452 = math.absf %get3A_1449 : vector<16xf32>
        %max3A_1453 = arith.maximumf %abs3A_1452, %select_n3A_957 : vector<16xf32>
        %mul3A_1454 = arith.constant -2.000000e-02 : f32
        %mul3A_1455 = vector.broadcast %mul3A_1454 : f32 to vector<16xf32>
        %mul3A_1456 = arith.mulf %mul3A_1455, %max3A_1453 : vector<16xf32>
        %lt3A_1457 = arith.cmpf olt, %sub3A_1450, %mul3A_1456 : vector<16xf32>
        %select_n3A_1458 = arith.select %lt3A_1457, %broadcast_in_dim3A_7, %exp3A_1451 : vector<16xi1>, vector<16xf32>
        %add3A_1459 = arith.addf %add3A_1371, %select_n3A_1458 : vector<16xf32>
        %add3A_1460 = arith.addf %sub3A_1450, %sub3A : vector<16xf32>
        %max3A_1461 = arith.maximumf %abs3A_1452, %select_n3A_963 : vector<16xf32>
        %mul3A_1462 = arith.constant -2.000000e-02 : f32
        %mul3A_1463 = vector.broadcast %mul3A_1462 : f32 to vector<16xf32>
        %mul3A_1464 = arith.mulf %mul3A_1463, %max3A_1461 : vector<16xf32>
        %lt3A_1465 = arith.cmpf olt, %add3A_1460, %mul3A_1464 : vector<16xf32>
        %select_n3A_1466 = arith.select %lt3A_1465, %broadcast_in_dim3A_7, %exp3A_1451 : vector<16xi1>, vector<16xf32>
        %add3A_1467 = arith.addf %add3A_1379, %select_n3A_1466 : vector<16xf32>
        %get3A_1468 = arith.constant 23 : i32
        %get3A_1469 = arith.index_cast %get3A_1468 : i32 to index
        %get3A_1470 = arith.index_cast %mul3A_38 : i32 to index
        %get3A_1471 = tpu.vector_load %arg5[%get3A_1469, %get3A_1470] {strides = array<i32>} : memref<64x512xf32, #tpu.memory_space<vmem>>, vector<16xf32>,
        %sub3A_1472 = arith.subf %get3A_1471, %select_n3A_957 : vector<16xf32>
        %exp3A_1473 = math.exp %sub3A_1472 : vector<16xf32>
        %abs3A_1474 = math.absf %get3A_1471 : vector<16xf32>
        %max3A_1475 = arith.maximumf %abs3A_1474, %select_n3A_957 : vector<16xf32>
        %mul3A_1476 = arith.constant -2.000000e-02 : f32
        %mul3A_1477 = vector.broadcast %mul3A_1476 : f32 to vector<16xf32>
        %mul3A_1478 = arith.mulf %mul3A_1477, %max3A_1475 : vector<16xf32>
        %lt3A_1479 = arith.cmpf olt, %sub3A_1472, %mul3A_1478 : vector<16xf32>
        %select_n3A_1480 = arith.select %lt3A_1479, %broadcast_in_dim3A_7, %exp3A_1473 : vector<16xi1>, vector<16xf32>
        %add3A_1481 = arith.addf %add3A_1393, %select_n3A_1480 : vector<16xf32>
        %add3A_1482 = arith.addf %sub3A_1472, %sub3A : vector<16xf32>
        %max3A_1483 = arith.maximumf %abs3A_1474, %select_n3A_963 : vector<16xf32>
        %mul3A_1484 = arith.constant -2.000000e-02 : f32
        %mul3A_1485 = vector.broadcast %mul3A_1484 : f32 to vector<16xf32>
        %mul3A_1486 = arith.mulf %mul3A_1485, %max3A_1483 : vector<16xf32>
        %lt3A_1487 = arith.cmpf olt, %add3A_1482, %mul3A_1486 : vector<16xf32>
        %select_n3A_1488 = arith.select %lt3A_1487, %broadcast_in_dim3A_7, %exp3A_1473 : vector<16xi1>, vector<16xf32>
        %add3A_1489 = arith.addf %add3A_1401, %select_n3A_1488 : vector<16xf32>
        %get3A_1490 = arith.constant 24 : i32
        %get3A_1491 = arith.index_cast %get3A_1490 : i32 to index
        %get3A_1492 = arith.index_cast %mul3A_38 : i32 to index
        %get3A_1493 = tpu.vector_load %arg5[%get3A_1491, %get3A_1492] {strides = array<i32>} : memref<64x512xf32, #tpu.memory_space<vmem>>, vector<16xf32>,
        %sub3A_1494 = arith.subf %get3A_1493, %select_n3A_957 : vector<16xf32>
        %exp3A_1495 = math.exp %sub3A_1494 : vector<16xf32>
        %abs3A_1496 = math.absf %get3A_1493 : vector<16xf32>
        %max3A_1497 = arith.maximumf %abs3A_1496, %select_n3A_957 : vector<16xf32>
        %mul3A_1498 = arith.constant -2.000000e-02 : f32
        %mul3A_1499 = vector.broadcast %mul3A_1498 : f32 to vector<16xf32>
        %mul3A_1500 = arith.mulf %mul3A_1499, %max3A_1497 : vector<16xf32>
        %lt3A_1501 = arith.cmpf olt, %sub3A_1494, %mul3A_1500 : vector<16xf32>
        %select_n3A_1502 = arith.select %lt3A_1501, %broadcast_in_dim3A_7, %exp3A_1495 : vector<16xi1>, vector<16xf32>
        %add3A_1503 = arith.addf %add3A_1415, %select_n3A_1502 : vector<16xf32>
        %add3A_1504 = arith.addf %sub3A_1494, %sub3A : vector<16xf32>
        %max3A_1505 = arith.maximumf %abs3A_1496, %select_n3A_963 : vector<16xf32>
        %mul3A_1506 = arith.constant -2.000000e-02 : f32
        %mul3A_1507 = vector.broadcast %mul3A_1506 : f32 to vector<16xf32>
        %mul3A_1508 = arith.mulf %mul3A_1507, %max3A_1505 : vector<16xf32>
        %lt3A_1509 = arith.cmpf olt, %add3A_1504, %mul3A_1508 : vector<16xf32>
        %select_n3A_1510 = arith.select %lt3A_1509, %broadcast_in_dim3A_7, %exp3A_1495 : vector<16xi1>, vector<16xf32>
        %add3A_1511 = arith.addf %add3A_1423, %select_n3A_1510 : vector<16xf32>
        %get3A_1512 = arith.constant 25 : i32
        %get3A_1513 = arith.index_cast %get3A_1512 : i32 to index
        %get3A_1514 = arith.index_cast %mul3A_38 : i32 to index
        %get3A_1515 = tpu.vector_load %arg5[%get3A_1513, %get3A_1514] {strides = array<i32>} : memref<64x512xf32, #tpu.memory_space<vmem>>, vector<16xf32>,
        %sub3A_1516 = arith.subf %get3A_1515, %select_n3A_957 : vector<16xf32>
        %exp3A_1517 = math.exp %sub3A_1516 : vector<16xf32>
        %abs3A_1518 = math.absf %get3A_1515 : vector<16xf32>
        %max3A_1519 = arith.maximumf %abs3A_1518, %select_n3A_957 : vector<16xf32>
        %mul3A_1520 = arith.constant -2.000000e-02 : f32
        %mul3A_1521 = vector.broadcast %mul3A_1520 : f32 to vector<16xf32>
        %mul3A_1522 = arith.mulf %mul3A_1521, %max3A_1519 : vector<16xf32>
        %lt3A_1523 = arith.cmpf olt, %sub3A_1516, %mul3A_1522 : vector<16xf32>
        %select_n3A_1524 = arith.select %lt3A_1523, %broadcast_in_dim3A_7, %exp3A_1517 : vector<16xi1>, vector<16xf32>
        %add3A_1525 = arith.addf %add3A_1437, %select_n3A_1524 : vector<16xf32>
        %add3A_1526 = arith.addf %sub3A_1516, %sub3A : vector<16xf32>
        %max3A_1527 = arith.maximumf %abs3A_1518, %select_n3A_963 : vector<16xf32>
        %mul3A_1528 = arith.constant -2.000000e-02 : f32
        %mul3A_1529 = vector.broadcast %mul3A_1528 : f32 to vector<16xf32>
        %mul3A_1530 = arith.mulf %mul3A_1529, %max3A_1527 : vector<16xf32>
        %lt3A_1531 = arith.cmpf olt, %add3A_1526, %mul3A_1530 : vector<16xf32>
        %select_n3A_1532 = arith.select %lt3A_1531, %broadcast_in_dim3A_7, %exp3A_1517 : vector<16xi1>, vector<16xf32>
        %add3A_1533 = arith.addf %add3A_1445, %select_n3A_1532 : vector<16xf32>
        %get3A_1534 = arith.constant 26 : i32
        %get3A_1535 = arith.index_cast %get3A_1534 : i32 to index
        %get3A_1536 = arith.index_cast %mul3A_38 : i32 to index
        %get3A_1537 = tpu.vector_load %arg5[%get3A_1535, %get3A_1536] {strides = array<i32>} : memref<64x512xf32, #tpu.memory_space<vmem>>, vector<16xf32>,
        %sub3A_1538 = arith.subf %get3A_1537, %select_n3A_957 : vector<16xf32>
        %exp3A_1539 = math.exp %sub3A_1538 : vector<16xf32>
        %abs3A_1540 = math.absf %get3A_1537 : vector<16xf32>
        %max3A_1541 = arith.maximumf %abs3A_1540, %select_n3A_957 : vector<16xf32>
        %mul3A_1542 = arith.constant -2.000000e-02 : f32
        %mul3A_1543 = vector.broadcast %mul3A_1542 : f32 to vector<16xf32>
        %mul3A_1544 = arith.mulf %mul3A_1543, %max3A_1541 : vector<16xf32>
        %lt3A_1545 = arith.cmpf olt, %sub3A_1538, %mul3A_1544 : vector<16xf32>
        %select_n3A_1546 = arith.select %lt3A_1545, %broadcast_in_dim3A_7, %exp3A_1539 : vector<16xi1>, vector<16xf32>
        %add3A_1547 = arith.addf %add3A_1459, %select_n3A_1546 : vector<16xf32>
        %add3A_1548 = arith.addf %sub3A_1538, %sub3A : vector<16xf32>
        %max3A_1549 = arith.maximumf %abs3A_1540, %select_n3A_963 : vector<16xf32>
        %mul3A_1550 = arith.constant -2.000000e-02 : f32
        %mul3A_1551 = vector.broadcast %mul3A_1550 : f32 to vector<16xf32>
        %mul3A_1552 = arith.mulf %mul3A_1551, %max3A_1549 : vector<16xf32>
        %lt3A_1553 = arith.cmpf olt, %add3A_1548, %mul3A_1552 : vector<16xf32>
        %select_n3A_1554 = arith.select %lt3A_1553, %broadcast_in_dim3A_7, %exp3A_1539 : vector<16xi1>, vector<16xf32>
        %add3A_1555 = arith.addf %add3A_1467, %select_n3A_1554 : vector<16xf32>
        %get3A_1556 = arith.constant 27 : i32
        %get3A_1557 = arith.index_cast %get3A_1556 : i32 to index
        %get3A_1558 = arith.index_cast %mul3A_38 : i32 to index
        %get3A_1559 = tpu.vector_load %arg5[%get3A_1557, %get3A_1558] {strides = array<i32>} : memref<64x512xf32, #tpu.memory_space<vmem>>, vector<16xf32>,
        %sub3A_1560 = arith.subf %get3A_1559, %select_n3A_957 : vector<16xf32>
        %exp3A_1561 = math.exp %sub3A_1560 : vector<16xf32>
        %abs3A_1562 = math.absf %get3A_1559 : vector<16xf32>
        %max3A_1563 = arith.maximumf %abs3A_1562, %select_n3A_957 : vector<16xf32>
        %mul3A_1564 = arith.constant -2.000000e-02 : f32
        %mul3A_1565 = vector.broadcast %mul3A_1564 : f32 to vector<16xf32>
        %mul3A_1566 = arith.mulf %mul3A_1565, %max3A_1563 : vector<16xf32>
        %lt3A_1567 = arith.cmpf olt, %sub3A_1560, %mul3A_1566 : vector<16xf32>
        %select_n3A_1568 = arith.select %lt3A_1567, %broadcast_in_dim3A_7, %exp3A_1561 : vector<16xi1>, vector<16xf32>
        %add3A_1569 = arith.addf %add3A_1481, %select_n3A_1568 : vector<16xf32>
        %add3A_1570 = arith.addf %sub3A_1560, %sub3A : vector<16xf32>
        %max3A_1571 = arith.maximumf %abs3A_1562, %select_n3A_963 : vector<16xf32>
        %mul3A_1572 = arith.constant -2.000000e-02 : f32
        %mul3A_1573 = vector.broadcast %mul3A_1572 : f32 to vector<16xf32>
        %mul3A_1574 = arith.mulf %mul3A_1573, %max3A_1571 : vector<16xf32>
        %lt3A_1575 = arith.cmpf olt, %add3A_1570, %mul3A_1574 : vector<16xf32>
        %select_n3A_1576 = arith.select %lt3A_1575, %broadcast_in_dim3A_7, %exp3A_1561 : vector<16xi1>, vector<16xf32>
        %add3A_1577 = arith.addf %add3A_1489, %select_n3A_1576 : vector<16xf32>
        %get3A_1578 = arith.constant 28 : i32
        %get3A_1579 = arith.index_cast %get3A_1578 : i32 to index
        %get3A_1580 = arith.index_cast %mul3A_38 : i32 to index
        %get3A_1581 = tpu.vector_load %arg5[%get3A_1579, %get3A_1580] {strides = array<i32>} : memref<64x512xf32, #tpu.memory_space<vmem>>, vector<16xf32>,
        %sub3A_1582 = arith.subf %get3A_1581, %select_n3A_957 : vector<16xf32>
        %exp3A_1583 = math.exp %sub3A_1582 : vector<16xf32>
        %abs3A_1584 = math.absf %get3A_1581 : vector<16xf32>
        %max3A_1585 = arith.maximumf %abs3A_1584, %select_n3A_957 : vector<16xf32>
        %mul3A_1586 = arith.constant -2.000000e-02 : f32
        %mul3A_1587 = vector.broadcast %mul3A_1586 : f32 to vector<16xf32>
        %mul3A_1588 = arith.mulf %mul3A_1587, %max3A_1585 : vector<16xf32>
        %lt3A_1589 = arith.cmpf olt, %sub3A_1582, %mul3A_1588 : vector<16xf32>
        %select_n3A_1590 = arith.select %lt3A_1589, %broadcast_in_dim3A_7, %exp3A_1583 : vector<16xi1>, vector<16xf32>
        %add3A_1591 = arith.addf %add3A_1503, %select_n3A_1590 : vector<16xf32>
        %add3A_1592 = arith.addf %sub3A_1582, %sub3A : vector<16xf32>
        %max3A_1593 = arith.maximumf %abs3A_1584, %select_n3A_963 : vector<16xf32>
        %mul3A_1594 = arith.constant -2.000000e-02 : f32
        %mul3A_1595 = vector.broadcast %mul3A_1594 : f32 to vector<16xf32>
        %mul3A_1596 = arith.mulf %mul3A_1595, %max3A_1593 : vector<16xf32>
        %lt3A_1597 = arith.cmpf olt, %add3A_1592, %mul3A_1596 : vector<16xf32>
        %select_n3A_1598 = arith.select %lt3A_1597, %broadcast_in_dim3A_7, %exp3A_1583 : vector<16xi1>, vector<16xf32>
        %add3A_1599 = arith.addf %add3A_1511, %select_n3A_1598 : vector<16xf32>
        %get3A_1600 = arith.constant 29 : i32
        %get3A_1601 = arith.index_cast %get3A_1600 : i32 to index
        %get3A_1602 = arith.index_cast %mul3A_38 : i32 to index
        %get3A_1603 = tpu.vector_load %arg5[%get3A_1601, %get3A_1602] {strides = array<i32>} : memref<64x512xf32, #tpu.memory_space<vmem>>, vector<16xf32>,
        %sub3A_1604 = arith.subf %get3A_1603, %select_n3A_957 : vector<16xf32>
        %exp3A_1605 = math.exp %sub3A_1604 : vector<16xf32>
        %abs3A_1606 = math.absf %get3A_1603 : vector<16xf32>
        %max3A_1607 = arith.maximumf %abs3A_1606, %select_n3A_957 : vector<16xf32>
        %mul3A_1608 = arith.constant -2.000000e-02 : f32
        %mul3A_1609 = vector.broadcast %mul3A_1608 : f32 to vector<16xf32>
        %mul3A_1610 = arith.mulf %mul3A_1609, %max3A_1607 : vector<16xf32>
        %lt3A_1611 = arith.cmpf olt, %sub3A_1604, %mul3A_1610 : vector<16xf32>
        %select_n3A_1612 = arith.select %lt3A_1611, %broadcast_in_dim3A_7, %exp3A_1605 : vector<16xi1>, vector<16xf32>
        %add3A_1613 = arith.addf %add3A_1525, %select_n3A_1612 : vector<16xf32>
        %add3A_1614 = arith.addf %sub3A_1604, %sub3A : vector<16xf32>
        %max3A_1615 = arith.maximumf %abs3A_1606, %select_n3A_963 : vector<16xf32>
        %mul3A_1616 = arith.constant -2.000000e-02 : f32
        %mul3A_1617 = vector.broadcast %mul3A_1616 : f32 to vector<16xf32>
        %mul3A_1618 = arith.mulf %mul3A_1617, %max3A_1615 : vector<16xf32>
        %lt3A_1619 = arith.cmpf olt, %add3A_1614, %mul3A_1618 : vector<16xf32>
        %select_n3A_1620 = arith.select %lt3A_1619, %broadcast_in_dim3A_7, %exp3A_1605 : vector<16xi1>, vector<16xf32>
        %add3A_1621 = arith.addf %add3A_1533, %select_n3A_1620 : vector<16xf32>
        %get3A_1622 = arith.constant 30 : i32
        %get3A_1623 = arith.index_cast %get3A_1622 : i32 to index
        %get3A_1624 = arith.index_cast %mul3A_38 : i32 to index
        %get3A_1625 = tpu.vector_load %arg5[%get3A_1623, %get3A_1624] {strides = array<i32>} : memref<64x512xf32, #tpu.memory_space<vmem>>, vector<16xf32>,
        %sub3A_1626 = arith.subf %get3A_1625, %select_n3A_957 : vector<16xf32>
        %exp3A_1627 = math.exp %sub3A_1626 : vector<16xf32>
        %abs3A_1628 = math.absf %get3A_1625 : vector<16xf32>
        %max3A_1629 = arith.maximumf %abs3A_1628, %select_n3A_957 : vector<16xf32>
        %mul3A_1630 = arith.constant -2.000000e-02 : f32
        %mul3A_1631 = vector.broadcast %mul3A_1630 : f32 to vector<16xf32>
        %mul3A_1632 = arith.mulf %mul3A_1631, %max3A_1629 : vector<16xf32>
        %lt3A_1633 = arith.cmpf olt, %sub3A_1626, %mul3A_1632 : vector<16xf32>
        %select_n3A_1634 = arith.select %lt3A_1633, %broadcast_in_dim3A_7, %exp3A_1627 : vector<16xi1>, vector<16xf32>
        %add3A_1635 = arith.addf %add3A_1547, %select_n3A_1634 : vector<16xf32>
        %add3A_1636 = arith.addf %sub3A_1626, %sub3A : vector<16xf32>
        %max3A_1637 = arith.maximumf %abs3A_1628, %select_n3A_963 : vector<16xf32>
        %mul3A_1638 = arith.constant -2.000000e-02 : f32
        %mul3A_1639 = vector.broadcast %mul3A_1638 : f32 to vector<16xf32>
        %mul3A_1640 = arith.mulf %mul3A_1639, %max3A_1637 : vector<16xf32>
        %lt3A_1641 = arith.cmpf olt, %add3A_1636, %mul3A_1640 : vector<16xf32>
        %select_n3A_1642 = arith.select %lt3A_1641, %broadcast_in_dim3A_7, %exp3A_1627 : vector<16xi1>, vector<16xf32>
        %add3A_1643 = arith.addf %add3A_1555, %select_n3A_1642 : vector<16xf32>
        %get3A_1644 = arith.constant 31 : i32
        %get3A_1645 = arith.index_cast %get3A_1644 : i32 to index
        %get3A_1646 = arith.index_cast %mul3A_38 : i32 to index
        %get3A_1647 = tpu.vector_load %arg5[%get3A_1645, %get3A_1646] {strides = array<i32>} : memref<64x512xf32, #tpu.memory_space<vmem>>, vector<16xf32>,
        %sub3A_1648 = arith.subf %get3A_1647, %select_n3A_957 : vector<16xf32>
        %exp3A_1649 = math.exp %sub3A_1648 : vector<16xf32>
        %abs3A_1650 = math.absf %get3A_1647 : vector<16xf32>
        %max3A_1651 = arith.maximumf %abs3A_1650, %select_n3A_957 : vector<16xf32>
        %mul3A_1652 = arith.constant -2.000000e-02 : f32
        %mul3A_1653 = vector.broadcast %mul3A_1652 : f32 to vector<16xf32>
        %mul3A_1654 = arith.mulf %mul3A_1653, %max3A_1651 : vector<16xf32>
        %lt3A_1655 = arith.cmpf olt, %sub3A_1648, %mul3A_1654 : vector<16xf32>
        %select_n3A_1656 = arith.select %lt3A_1655, %broadcast_in_dim3A_7, %exp3A_1649 : vector<16xi1>, vector<16xf32>
        %add3A_1657 = arith.addf %add3A_1569, %select_n3A_1656 : vector<16xf32>
        %add3A_1658 = arith.addf %sub3A_1648, %sub3A : vector<16xf32>
        %max3A_1659 = arith.maximumf %abs3A_1650, %select_n3A_963 : vector<16xf32>
        %mul3A_1660 = arith.constant -2.000000e-02 : f32
        %mul3A_1661 = vector.broadcast %mul3A_1660 : f32 to vector<16xf32>
        %mul3A_1662 = arith.mulf %mul3A_1661, %max3A_1659 : vector<16xf32>
        %lt3A_1663 = arith.cmpf olt, %add3A_1658, %mul3A_1662 : vector<16xf32>
        %select_n3A_1664 = arith.select %lt3A_1663, %broadcast_in_dim3A_7, %exp3A_1649 : vector<16xi1>, vector<16xf32>
        %add3A_1665 = arith.addf %add3A_1577, %select_n3A_1664 : vector<16xf32>
        %get3A_1666 = arith.constant 32 : i32
        %get3A_1667 = arith.index_cast %get3A_1666 : i32 to index
        %get3A_1668 = arith.index_cast %mul3A_38 : i32 to index
        %get3A_1669 = tpu.vector_load %arg5[%get3A_1667, %get3A_1668] {strides = array<i32>} : memref<64x512xf32, #tpu.memory_space<vmem>>, vector<16xf32>,
        %sub3A_1670 = arith.subf %get3A_1669, %select_n3A_957 : vector<16xf32>
        %exp3A_1671 = math.exp %sub3A_1670 : vector<16xf32>
        %abs3A_1672 = math.absf %get3A_1669 : vector<16xf32>
        %max3A_1673 = arith.maximumf %abs3A_1672, %select_n3A_957 : vector<16xf32>
        %mul3A_1674 = arith.constant -2.000000e-02 : f32
        %mul3A_1675 = vector.broadcast %mul3A_1674 : f32 to vector<16xf32>
        %mul3A_1676 = arith.mulf %mul3A_1675, %max3A_1673 : vector<16xf32>
        %lt3A_1677 = arith.cmpf olt, %sub3A_1670, %mul3A_1676 : vector<16xf32>
        %select_n3A_1678 = arith.select %lt3A_1677, %broadcast_in_dim3A_7, %exp3A_1671 : vector<16xi1>, vector<16xf32>
        %add3A_1679 = arith.addf %add3A_1591, %select_n3A_1678 : vector<16xf32>
        %add3A_1680 = arith.addf %sub3A_1670, %sub3A : vector<16xf32>
        %max3A_1681 = arith.maximumf %abs3A_1672, %select_n3A_963 : vector<16xf32>
        %mul3A_1682 = arith.constant -2.000000e-02 : f32
        %mul3A_1683 = vector.broadcast %mul3A_1682 : f32 to vector<16xf32>
        %mul3A_1684 = arith.mulf %mul3A_1683, %max3A_1681 : vector<16xf32>
        %lt3A_1685 = arith.cmpf olt, %add3A_1680, %mul3A_1684 : vector<16xf32>
        %select_n3A_1686 = arith.select %lt3A_1685, %broadcast_in_dim3A_7, %exp3A_1671 : vector<16xi1>, vector<16xf32>
        %add3A_1687 = arith.addf %add3A_1599, %select_n3A_1686 : vector<16xf32>
        %get3A_1688 = arith.constant 33 : i32
        %get3A_1689 = arith.index_cast %get3A_1688 : i32 to index
        %get3A_1690 = arith.index_cast %mul3A_38 : i32 to index
        %get3A_1691 = tpu.vector_load %arg5[%get3A_1689, %get3A_1690] {strides = array<i32>} : memref<64x512xf32, #tpu.memory_space<vmem>>, vector<16xf32>,
        %sub3A_1692 = arith.subf %get3A_1691, %select_n3A_957 : vector<16xf32>
        %exp3A_1693 = math.exp %sub3A_1692 : vector<16xf32>
        %abs3A_1694 = math.absf %get3A_1691 : vector<16xf32>
        %max3A_1695 = arith.maximumf %abs3A_1694, %select_n3A_957 : vector<16xf32>
        %mul3A_1696 = arith.constant -2.000000e-02 : f32
        %mul3A_1697 = vector.broadcast %mul3A_1696 : f32 to vector<16xf32>
        %mul3A_1698 = arith.mulf %mul3A_1697, %max3A_1695 : vector<16xf32>
        %lt3A_1699 = arith.cmpf olt, %sub3A_1692, %mul3A_1698 : vector<16xf32>
        %select_n3A_1700 = arith.select %lt3A_1699, %broadcast_in_dim3A_7, %exp3A_1693 : vector<16xi1>, vector<16xf32>
        %add3A_1701 = arith.addf %add3A_1613, %select_n3A_1700 : vector<16xf32>
        %add3A_1702 = arith.addf %sub3A_1692, %sub3A : vector<16xf32>
        %max3A_1703 = arith.maximumf %abs3A_1694, %select_n3A_963 : vector<16xf32>
        %mul3A_1704 = arith.constant -2.000000e-02 : f32
        %mul3A_1705 = vector.broadcast %mul3A_1704 : f32 to vector<16xf32>
        %mul3A_1706 = arith.mulf %mul3A_1705, %max3A_1703 : vector<16xf32>
        %lt3A_1707 = arith.cmpf olt, %add3A_1702, %mul3A_1706 : vector<16xf32>
        %select_n3A_1708 = arith.select %lt3A_1707, %broadcast_in_dim3A_7, %exp3A_1693 : vector<16xi1>, vector<16xf32>
        %add3A_1709 = arith.addf %add3A_1621, %select_n3A_1708 : vector<16xf32>
        %get3A_1710 = arith.constant 34 : i32
        %get3A_1711 = arith.index_cast %get3A_1710 : i32 to index
        %get3A_1712 = arith.index_cast %mul3A_38 : i32 to index
        %get3A_1713 = tpu.vector_load %arg5[%get3A_1711, %get3A_1712] {strides = array<i32>} : memref<64x512xf32, #tpu.memory_space<vmem>>, vector<16xf32>,
        %sub3A_1714 = arith.subf %get3A_1713, %select_n3A_957 : vector<16xf32>
        %exp3A_1715 = math.exp %sub3A_1714 : vector<16xf32>
        %abs3A_1716 = math.absf %get3A_1713 : vector<16xf32>
        %max3A_1717 = arith.maximumf %abs3A_1716, %select_n3A_957 : vector<16xf32>
        %mul3A_1718 = arith.constant -2.000000e-02 : f32
        %mul3A_1719 = vector.broadcast %mul3A_1718 : f32 to vector<16xf32>
        %mul3A_1720 = arith.mulf %mul3A_1719, %max3A_1717 : vector<16xf32>
        %lt3A_1721 = arith.cmpf olt, %sub3A_1714, %mul3A_1720 : vector<16xf32>
        %select_n3A_1722 = arith.select %lt3A_1721, %broadcast_in_dim3A_7, %exp3A_1715 : vector<16xi1>, vector<16xf32>
        %add3A_1723 = arith.addf %add3A_1635, %select_n3A_1722 : vector<16xf32>
        %add3A_1724 = arith.addf %sub3A_1714, %sub3A : vector<16xf32>
        %max3A_1725 = arith.maximumf %abs3A_1716, %select_n3A_963 : vector<16xf32>
        %mul3A_1726 = arith.constant -2.000000e-02 : f32
        %mul3A_1727 = vector.broadcast %mul3A_1726 : f32 to vector<16xf32>
        %mul3A_1728 = arith.mulf %mul3A_1727, %max3A_1725 : vector<16xf32>
        %lt3A_1729 = arith.cmpf olt, %add3A_1724, %mul3A_1728 : vector<16xf32>
        %select_n3A_1730 = arith.select %lt3A_1729, %broadcast_in_dim3A_7, %exp3A_1715 : vector<16xi1>, vector<16xf32>
        %add3A_1731 = arith.addf %add3A_1643, %select_n3A_1730 : vector<16xf32>
        %get3A_1732 = arith.constant 35 : i32
        %get3A_1733 = arith.index_cast %get3A_1732 : i32 to index
        %get3A_1734 = arith.index_cast %mul3A_38 : i32 to index
        %get3A_1735 = tpu.vector_load %arg5[%get3A_1733, %get3A_1734] {strides = array<i32>} : memref<64x512xf32, #tpu.memory_space<vmem>>, vector<16xf32>,
        %sub3A_1736 = arith.subf %get3A_1735, %select_n3A_957 : vector<16xf32>
        %exp3A_1737 = math.exp %sub3A_1736 : vector<16xf32>
        %abs3A_1738 = math.absf %get3A_1735 : vector<16xf32>
        %max3A_1739 = arith.maximumf %abs3A_1738, %select_n3A_957 : vector<16xf32>
        %mul3A_1740 = arith.constant -2.000000e-02 : f32
        %mul3A_1741 = vector.broadcast %mul3A_1740 : f32 to vector<16xf32>
        %mul3A_1742 = arith.mulf %mul3A_1741, %max3A_1739 : vector<16xf32>
        %lt3A_1743 = arith.cmpf olt, %sub3A_1736, %mul3A_1742 : vector<16xf32>
        %select_n3A_1744 = arith.select %lt3A_1743, %broadcast_in_dim3A_7, %exp3A_1737 : vector<16xi1>, vector<16xf32>
        %add3A_1745 = arith.addf %add3A_1657, %select_n3A_1744 : vector<16xf32>
        %add3A_1746 = arith.addf %sub3A_1736, %sub3A : vector<16xf32>
        %max3A_1747 = arith.maximumf %abs3A_1738, %select_n3A_963 : vector<16xf32>
        %mul3A_1748 = arith.constant -2.000000e-02 : f32
        %mul3A_1749 = vector.broadcast %mul3A_1748 : f32 to vector<16xf32>
        %mul3A_1750 = arith.mulf %mul3A_1749, %max3A_1747 : vector<16xf32>
        %lt3A_1751 = arith.cmpf olt, %add3A_1746, %mul3A_1750 : vector<16xf32>
        %select_n3A_1752 = arith.select %lt3A_1751, %broadcast_in_dim3A_7, %exp3A_1737 : vector<16xi1>, vector<16xf32>
        %add3A_1753 = arith.addf %add3A_1665, %select_n3A_1752 : vector<16xf32>
        %get3A_1754 = arith.constant 36 : i32
        %get3A_1755 = arith.index_cast %get3A_1754 : i32 to index
        %get3A_1756 = arith.index_cast %mul3A_38 : i32 to index
        %get3A_1757 = tpu.vector_load %arg5[%get3A_1755, %get3A_1756] {strides = array<i32>} : memref<64x512xf32, #tpu.memory_space<vmem>>, vector<16xf32>,
        %sub3A_1758 = arith.subf %get3A_1757, %select_n3A_957 : vector<16xf32>
        %exp3A_1759 = math.exp %sub3A_1758 : vector<16xf32>
        %abs3A_1760 = math.absf %get3A_1757 : vector<16xf32>
        %max3A_1761 = arith.maximumf %abs3A_1760, %select_n3A_957 : vector<16xf32>
        %mul3A_1762 = arith.constant -2.000000e-02 : f32
        %mul3A_1763 = vector.broadcast %mul3A_1762 : f32 to vector<16xf32>
        %mul3A_1764 = arith.mulf %mul3A_1763, %max3A_1761 : vector<16xf32>
        %lt3A_1765 = arith.cmpf olt, %sub3A_1758, %mul3A_1764 : vector<16xf32>
        %select_n3A_1766 = arith.select %lt3A_1765, %broadcast_in_dim3A_7, %exp3A_1759 : vector<16xi1>, vector<16xf32>
        %add3A_1767 = arith.addf %add3A_1679, %select_n3A_1766 : vector<16xf32>
        %add3A_1768 = arith.addf %sub3A_1758, %sub3A : vector<16xf32>
        %max3A_1769 = arith.maximumf %abs3A_1760, %select_n3A_963 : vector<16xf32>
        %mul3A_1770 = arith.constant -2.000000e-02 : f32
        %mul3A_1771 = vector.broadcast %mul3A_1770 : f32 to vector<16xf32>
        %mul3A_1772 = arith.mulf %mul3A_1771, %max3A_1769 : vector<16xf32>
        %lt3A_1773 = arith.cmpf olt, %add3A_1768, %mul3A_1772 : vector<16xf32>
        %select_n3A_1774 = arith.select %lt3A_1773, %broadcast_in_dim3A_7, %exp3A_1759 : vector<16xi1>, vector<16xf32>
        %add3A_1775 = arith.addf %add3A_1687, %select_n3A_1774 : vector<16xf32>
        %get3A_1776 = arith.constant 37 : i32
        %get3A_1777 = arith.index_cast %get3A_1776 : i32 to index
        %get3A_1778 = arith.index_cast %mul3A_38 : i32 to index
        %get3A_1779 = tpu.vector_load %arg5[%get3A_1777, %get3A_1778] {strides = array<i32>} : memref<64x512xf32, #tpu.memory_space<vmem>>, vector<16xf32>,
        %sub3A_1780 = arith.subf %get3A_1779, %select_n3A_957 : vector<16xf32>
        %exp3A_1781 = math.exp %sub3A_1780 : vector<16xf32>
        %abs3A_1782 = math.absf %get3A_1779 : vector<16xf32>
        %max3A_1783 = arith.maximumf %abs3A_1782, %select_n3A_957 : vector<16xf32>
        %mul3A_1784 = arith.constant -2.000000e-02 : f32
        %mul3A_1785 = vector.broadcast %mul3A_1784 : f32 to vector<16xf32>
        %mul3A_1786 = arith.mulf %mul3A_1785, %max3A_1783 : vector<16xf32>
        %lt3A_1787 = arith.cmpf olt, %sub3A_1780, %mul3A_1786 : vector<16xf32>
        %select_n3A_1788 = arith.select %lt3A_1787, %broadcast_in_dim3A_7, %exp3A_1781 : vector<16xi1>, vector<16xf32>
        %add3A_1789 = arith.addf %add3A_1701, %select_n3A_1788 : vector<16xf32>
        %add3A_1790 = arith.addf %sub3A_1780, %sub3A : vector<16xf32>
        %max3A_1791 = arith.maximumf %abs3A_1782, %select_n3A_963 : vector<16xf32>
        %mul3A_1792 = arith.constant -2.000000e-02 : f32
        %mul3A_1793 = vector.broadcast %mul3A_1792 : f32 to vector<16xf32>
        %mul3A_1794 = arith.mulf %mul3A_1793, %max3A_1791 : vector<16xf32>
        %lt3A_1795 = arith.cmpf olt, %add3A_1790, %mul3A_1794 : vector<16xf32>
        %select_n3A_1796 = arith.select %lt3A_1795, %broadcast_in_dim3A_7, %exp3A_1781 : vector<16xi1>, vector<16xf32>
        %add3A_1797 = arith.addf %add3A_1709, %select_n3A_1796 : vector<16xf32>
        %get3A_1798 = arith.constant 38 : i32
        %get3A_1799 = arith.index_cast %get3A_1798 : i32 to index
        %get3A_1800 = arith.index_cast %mul3A_38 : i32 to index
        %get3A_1801 = tpu.vector_load %arg5[%get3A_1799, %get3A_1800] {strides = array<i32>} : memref<64x512xf32, #tpu.memory_space<vmem>>, vector<16xf32>,
        %sub3A_1802 = arith.subf %get3A_1801, %select_n3A_957 : vector<16xf32>
        %exp3A_1803 = math.exp %sub3A_1802 : vector<16xf32>
        %abs3A_1804 = math.absf %get3A_1801 : vector<16xf32>
        %max3A_1805 = arith.maximumf %abs3A_1804, %select_n3A_957 : vector<16xf32>
        %mul3A_1806 = arith.constant -2.000000e-02 : f32
        %mul3A_1807 = vector.broadcast %mul3A_1806 : f32 to vector<16xf32>
        %mul3A_1808 = arith.mulf %mul3A_1807, %max3A_1805 : vector<16xf32>
        %lt3A_1809 = arith.cmpf olt, %sub3A_1802, %mul3A_1808 : vector<16xf32>
        %select_n3A_1810 = arith.select %lt3A_1809, %broadcast_in_dim3A_7, %exp3A_1803 : vector<16xi1>, vector<16xf32>
        %add3A_1811 = arith.addf %add3A_1723, %select_n3A_1810 : vector<16xf32>
        %add3A_1812 = arith.addf %sub3A_1802, %sub3A : vector<16xf32>
        %max3A_1813 = arith.maximumf %abs3A_1804, %select_n3A_963 : vector<16xf32>
        %mul3A_1814 = arith.constant -2.000000e-02 : f32
        %mul3A_1815 = vector.broadcast %mul3A_1814 : f32 to vector<16xf32>
        %mul3A_1816 = arith.mulf %mul3A_1815, %max3A_1813 : vector<16xf32>
        %lt3A_1817 = arith.cmpf olt, %add3A_1812, %mul3A_1816 : vector<16xf32>
        %select_n3A_1818 = arith.select %lt3A_1817, %broadcast_in_dim3A_7, %exp3A_1803 : vector<16xi1>, vector<16xf32>
        %add3A_1819 = arith.addf %add3A_1731, %select_n3A_1818 : vector<16xf32>
        %get3A_1820 = arith.constant 39 : i32
        %get3A_1821 = arith.index_cast %get3A_1820 : i32 to index
        %get3A_1822 = arith.index_cast %mul3A_38 : i32 to index
        %get3A_1823 = tpu.vector_load %arg5[%get3A_1821, %get3A_1822] {strides = array<i32>} : memref<64x512xf32, #tpu.memory_space<vmem>>, vector<16xf32>,
        %sub3A_1824 = arith.subf %get3A_1823, %select_n3A_957 : vector<16xf32>
        %exp3A_1825 = math.exp %sub3A_1824 : vector<16xf32>
        %abs3A_1826 = math.absf %get3A_1823 : vector<16xf32>
        %max3A_1827 = arith.maximumf %abs3A_1826, %select_n3A_957 : vector<16xf32>
        %mul3A_1828 = arith.constant -2.000000e-02 : f32
        %mul3A_1829 = vector.broadcast %mul3A_1828 : f32 to vector<16xf32>
        %mul3A_1830 = arith.mulf %mul3A_1829, %max3A_1827 : vector<16xf32>
        %lt3A_1831 = arith.cmpf olt, %sub3A_1824, %mul3A_1830 : vector<16xf32>
        %select_n3A_1832 = arith.select %lt3A_1831, %broadcast_in_dim3A_7, %exp3A_1825 : vector<16xi1>, vector<16xf32>
        %add3A_1833 = arith.addf %add3A_1745, %select_n3A_1832 : vector<16xf32>
        %add3A_1834 = arith.addf %sub3A_1824, %sub3A : vector<16xf32>
        %max3A_1835 = arith.maximumf %abs3A_1826, %select_n3A_963 : vector<16xf32>
        %mul3A_1836 = arith.constant -2.000000e-02 : f32
        %mul3A_1837 = vector.broadcast %mul3A_1836 : f32 to vector<16xf32>
        %mul3A_1838 = arith.mulf %mul3A_1837, %max3A_1835 : vector<16xf32>
        %lt3A_1839 = arith.cmpf olt, %add3A_1834, %mul3A_1838 : vector<16xf32>
        %select_n3A_1840 = arith.select %lt3A_1839, %broadcast_in_dim3A_7, %exp3A_1825 : vector<16xi1>, vector<16xf32>
        %add3A_1841 = arith.addf %add3A_1753, %select_n3A_1840 : vector<16xf32>
        %get3A_1842 = arith.constant 40 : i32
        %get3A_1843 = arith.index_cast %get3A_1842 : i32 to index
        %get3A_1844 = arith.index_cast %mul3A_38 : i32 to index
        %get3A_1845 = tpu.vector_load %arg5[%get3A_1843, %get3A_1844] {strides = array<i32>} : memref<64x512xf32, #tpu.memory_space<vmem>>, vector<16xf32>,
        %sub3A_1846 = arith.subf %get3A_1845, %select_n3A_957 : vector<16xf32>
        %exp3A_1847 = math.exp %sub3A_1846 : vector<16xf32>
        %abs3A_1848 = math.absf %get3A_1845 : vector<16xf32>
        %max3A_1849 = arith.maximumf %abs3A_1848, %select_n3A_957 : vector<16xf32>
        %mul3A_1850 = arith.constant -2.000000e-02 : f32
        %mul3A_1851 = vector.broadcast %mul3A_1850 : f32 to vector<16xf32>
        %mul3A_1852 = arith.mulf %mul3A_1851, %max3A_1849 : vector<16xf32>
        %lt3A_1853 = arith.cmpf olt, %sub3A_1846, %mul3A_1852 : vector<16xf32>
        %select_n3A_1854 = arith.select %lt3A_1853, %broadcast_in_dim3A_7, %exp3A_1847 : vector<16xi1>, vector<16xf32>
        %add3A_1855 = arith.addf %add3A_1767, %select_n3A_1854 : vector<16xf32>
        %add3A_1856 = arith.addf %sub3A_1846, %sub3A : vector<16xf32>
        %max3A_1857 = arith.maximumf %abs3A_1848, %select_n3A_963 : vector<16xf32>
        %mul3A_1858 = arith.constant -2.000000e-02 : f32
        %mul3A_1859 = vector.broadcast %mul3A_1858 : f32 to vector<16xf32>
        %mul3A_1860 = arith.mulf %mul3A_1859, %max3A_1857 : vector<16xf32>
        %lt3A_1861 = arith.cmpf olt, %add3A_1856, %mul3A_1860 : vector<16xf32>
        %select_n3A_1862 = arith.select %lt3A_1861, %broadcast_in_dim3A_7, %exp3A_1847 : vector<16xi1>, vector<16xf32>
        %add3A_1863 = arith.addf %add3A_1775, %select_n3A_1862 : vector<16xf32>
        %get3A_1864 = arith.constant 41 : i32
        %get3A_1865 = arith.index_cast %get3A_1864 : i32 to index
        %get3A_1866 = arith.index_cast %mul3A_38 : i32 to index
        %get3A_1867 = tpu.vector_load %arg5[%get3A_1865, %get3A_1866] {strides = array<i32>} : memref<64x512xf32, #tpu.memory_space<vmem>>, vector<16xf32>,
        %sub3A_1868 = arith.subf %get3A_1867, %select_n3A_957 : vector<16xf32>
        %exp3A_1869 = math.exp %sub3A_1868 : vector<16xf32>
        %abs3A_1870 = math.absf %get3A_1867 : vector<16xf32>
        %max3A_1871 = arith.maximumf %abs3A_1870, %select_n3A_957 : vector<16xf32>
        %mul3A_1872 = arith.constant -2.000000e-02 : f32
        %mul3A_1873 = vector.broadcast %mul3A_1872 : f32 to vector<16xf32>
        %mul3A_1874 = arith.mulf %mul3A_1873, %max3A_1871 : vector<16xf32>
        %lt3A_1875 = arith.cmpf olt, %sub3A_1868, %mul3A_1874 : vector<16xf32>
        %select_n3A_1876 = arith.select %lt3A_1875, %broadcast_in_dim3A_7, %exp3A_1869 : vector<16xi1>, vector<16xf32>
        %add3A_1877 = arith.addf %add3A_1789, %select_n3A_1876 : vector<16xf32>
        %add3A_1878 = arith.addf %sub3A_1868, %sub3A : vector<16xf32>
        %max3A_1879 = arith.maximumf %abs3A_1870, %select_n3A_963 : vector<16xf32>
        %mul3A_1880 = arith.constant -2.000000e-02 : f32
        %mul3A_1881 = vector.broadcast %mul3A_1880 : f32 to vector<16xf32>
        %mul3A_1882 = arith.mulf %mul3A_1881, %max3A_1879 : vector<16xf32>
        %lt3A_1883 = arith.cmpf olt, %add3A_1878, %mul3A_1882 : vector<16xf32>
        %select_n3A_1884 = arith.select %lt3A_1883, %broadcast_in_dim3A_7, %exp3A_1869 : vector<16xi1>, vector<16xf32>
        %add3A_1885 = arith.addf %add3A_1797, %select_n3A_1884 : vector<16xf32>
        %get3A_1886 = arith.constant 42 : i32
        %get3A_1887 = arith.index_cast %get3A_1886 : i32 to index
        %get3A_1888 = arith.index_cast %mul3A_38 : i32 to index
        %get3A_1889 = tpu.vector_load %arg5[%get3A_1887, %get3A_1888] {strides = array<i32>} : memref<64x512xf32, #tpu.memory_space<vmem>>, vector<16xf32>,
        %sub3A_1890 = arith.subf %get3A_1889, %select_n3A_957 : vector<16xf32>
        %exp3A_1891 = math.exp %sub3A_1890 : vector<16xf32>
        %abs3A_1892 = math.absf %get3A_1889 : vector<16xf32>
        %max3A_1893 = arith.maximumf %abs3A_1892, %select_n3A_957 : vector<16xf32>
        %mul3A_1894 = arith.constant -2.000000e-02 : f32
        %mul3A_1895 = vector.broadcast %mul3A_1894 : f32 to vector<16xf32>
        %mul3A_1896 = arith.mulf %mul3A_1895, %max3A_1893 : vector<16xf32>
        %lt3A_1897 = arith.cmpf olt, %sub3A_1890, %mul3A_1896 : vector<16xf32>
        %select_n3A_1898 = arith.select %lt3A_1897, %broadcast_in_dim3A_7, %exp3A_1891 : vector<16xi1>, vector<16xf32>
        %add3A_1899 = arith.addf %add3A_1811, %select_n3A_1898 : vector<16xf32>
        %add3A_1900 = arith.addf %sub3A_1890, %sub3A : vector<16xf32>
        %max3A_1901 = arith.maximumf %abs3A_1892, %select_n3A_963 : vector<16xf32>
        %mul3A_1902 = arith.constant -2.000000e-02 : f32
        %mul3A_1903 = vector.broadcast %mul3A_1902 : f32 to vector<16xf32>
        %mul3A_1904 = arith.mulf %mul3A_1903, %max3A_1901 : vector<16xf32>
        %lt3A_1905 = arith.cmpf olt, %add3A_1900, %mul3A_1904 : vector<16xf32>
        %select_n3A_1906 = arith.select %lt3A_1905, %broadcast_in_dim3A_7, %exp3A_1891 : vector<16xi1>, vector<16xf32>
        %add3A_1907 = arith.addf %add3A_1819, %select_n3A_1906 : vector<16xf32>
        %get3A_1908 = arith.constant 43 : i32
        %get3A_1909 = arith.index_cast %get3A_1908 : i32 to index
        %get3A_1910 = arith.index_cast %mul3A_38 : i32 to index
        %get3A_1911 = tpu.vector_load %arg5[%get3A_1909, %get3A_1910] {strides = array<i32>} : memref<64x512xf32, #tpu.memory_space<vmem>>, vector<16xf32>,
        %sub3A_1912 = arith.subf %get3A_1911, %select_n3A_957 : vector<16xf32>
        %exp3A_1913 = math.exp %sub3A_1912 : vector<16xf32>
        %abs3A_1914 = math.absf %get3A_1911 : vector<16xf32>
        %max3A_1915 = arith.maximumf %abs3A_1914, %select_n3A_957 : vector<16xf32>
        %mul3A_1916 = arith.constant -2.000000e-02 : f32
        %mul3A_1917 = vector.broadcast %mul3A_1916 : f32 to vector<16xf32>
        %mul3A_1918 = arith.mulf %mul3A_1917, %max3A_1915 : vector<16xf32>
        %lt3A_1919 = arith.cmpf olt, %sub3A_1912, %mul3A_1918 : vector<16xf32>
        %select_n3A_1920 = arith.select %lt3A_1919, %broadcast_in_dim3A_7, %exp3A_1913 : vector<16xi1>, vector<16xf32>
        %add3A_1921 = arith.addf %add3A_1833, %select_n3A_1920 : vector<16xf32>
        %add3A_1922 = arith.addf %sub3A_1912, %sub3A : vector<16xf32>
        %max3A_1923 = arith.maximumf %abs3A_1914, %select_n3A_963 : vector<16xf32>
        %mul3A_1924 = arith.constant -2.000000e-02 : f32
        %mul3A_1925 = vector.broadcast %mul3A_1924 : f32 to vector<16xf32>
        %mul3A_1926 = arith.mulf %mul3A_1925, %max3A_1923 : vector<16xf32>
        %lt3A_1927 = arith.cmpf olt, %add3A_1922, %mul3A_1926 : vector<16xf32>
        %select_n3A_1928 = arith.select %lt3A_1927, %broadcast_in_dim3A_7, %exp3A_1913 : vector<16xi1>, vector<16xf32>
        %add3A_1929 = arith.addf %add3A_1841, %select_n3A_1928 : vector<16xf32>
        %get3A_1930 = arith.constant 44 : i32
        %get3A_1931 = arith.index_cast %get3A_1930 : i32 to index
        %get3A_1932 = arith.index_cast %mul3A_38 : i32 to index
        %get3A_1933 = tpu.vector_load %arg5[%get3A_1931, %get3A_1932] {strides = array<i32>} : memref<64x512xf32, #tpu.memory_space<vmem>>, vector<16xf32>,
        %sub3A_1934 = arith.subf %get3A_1933, %select_n3A_957 : vector<16xf32>
        %exp3A_1935 = math.exp %sub3A_1934 : vector<16xf32>
        %abs3A_1936 = math.absf %get3A_1933 : vector<16xf32>
        %max3A_1937 = arith.maximumf %abs3A_1936, %select_n3A_957 : vector<16xf32>
        %mul3A_1938 = arith.constant -2.000000e-02 : f32
        %mul3A_1939 = vector.broadcast %mul3A_1938 : f32 to vector<16xf32>
        %mul3A_1940 = arith.mulf %mul3A_1939, %max3A_1937 : vector<16xf32>
        %lt3A_1941 = arith.cmpf olt, %sub3A_1934, %mul3A_1940 : vector<16xf32>
        %select_n3A_1942 = arith.select %lt3A_1941, %broadcast_in_dim3A_7, %exp3A_1935 : vector<16xi1>, vector<16xf32>
        %add3A_1943 = arith.addf %add3A_1855, %select_n3A_1942 : vector<16xf32>
        %add3A_1944 = arith.addf %sub3A_1934, %sub3A : vector<16xf32>
        %max3A_1945 = arith.maximumf %abs3A_1936, %select_n3A_963 : vector<16xf32>
        %mul3A_1946 = arith.constant -2.000000e-02 : f32
        %mul3A_1947 = vector.broadcast %mul3A_1946 : f32 to vector<16xf32>
        %mul3A_1948 = arith.mulf %mul3A_1947, %max3A_1945 : vector<16xf32>
        %lt3A_1949 = arith.cmpf olt, %add3A_1944, %mul3A_1948 : vector<16xf32>
        %select_n3A_1950 = arith.select %lt3A_1949, %broadcast_in_dim3A_7, %exp3A_1935 : vector<16xi1>, vector<16xf32>
        %add3A_1951 = arith.addf %add3A_1863, %select_n3A_1950 : vector<16xf32>
        %get3A_1952 = arith.constant 45 : i32
        %get3A_1953 = arith.index_cast %get3A_1952 : i32 to index
        %get3A_1954 = arith.index_cast %mul3A_38 : i32 to index
        %get3A_1955 = tpu.vector_load %arg5[%get3A_1953, %get3A_1954] {strides = array<i32>} : memref<64x512xf32, #tpu.memory_space<vmem>>, vector<16xf32>,
        %sub3A_1956 = arith.subf %get3A_1955, %select_n3A_957 : vector<16xf32>
        %exp3A_1957 = math.exp %sub3A_1956 : vector<16xf32>
        %abs3A_1958 = math.absf %get3A_1955 : vector<16xf32>
        %max3A_1959 = arith.maximumf %abs3A_1958, %select_n3A_957 : vector<16xf32>
        %mul3A_1960 = arith.constant -2.000000e-02 : f32
        %mul3A_1961 = vector.broadcast %mul3A_1960 : f32 to vector<16xf32>
        %mul3A_1962 = arith.mulf %mul3A_1961, %max3A_1959 : vector<16xf32>
        %lt3A_1963 = arith.cmpf olt, %sub3A_1956, %mul3A_1962 : vector<16xf32>
        %select_n3A_1964 = arith.select %lt3A_1963, %broadcast_in_dim3A_7, %exp3A_1957 : vector<16xi1>, vector<16xf32>
        %add3A_1965 = arith.addf %add3A_1877, %select_n3A_1964 : vector<16xf32>
        %add3A_1966 = arith.addf %sub3A_1956, %sub3A : vector<16xf32>
        %max3A_1967 = arith.maximumf %abs3A_1958, %select_n3A_963 : vector<16xf32>
        %mul3A_1968 = arith.constant -2.000000e-02 : f32
        %mul3A_1969 = vector.broadcast %mul3A_1968 : f32 to vector<16xf32>
        %mul3A_1970 = arith.mulf %mul3A_1969, %max3A_1967 : vector<16xf32>
        %lt3A_1971 = arith.cmpf olt, %add3A_1966, %mul3A_1970 : vector<16xf32>
        %select_n3A_1972 = arith.select %lt3A_1971, %broadcast_in_dim3A_7, %exp3A_1957 : vector<16xi1>, vector<16xf32>
        %add3A_1973 = arith.addf %add3A_1885, %select_n3A_1972 : vector<16xf32>
        %get3A_1974 = arith.constant 46 : i32
        %get3A_1975 = arith.index_cast %get3A_1974 : i32 to index
        %get3A_1976 = arith.index_cast %mul3A_38 : i32 to index
        %get3A_1977 = tpu.vector_load %arg5[%get3A_1975, %get3A_1976] {strides = array<i32>} : memref<64x512xf32, #tpu.memory_space<vmem>>, vector<16xf32>,
        %sub3A_1978 = arith.subf %get3A_1977, %select_n3A_957 : vector<16xf32>
        %exp3A_1979 = math.exp %sub3A_1978 : vector<16xf32>
        %abs3A_1980 = math.absf %get3A_1977 : vector<16xf32>
        %max3A_1981 = arith.maximumf %abs3A_1980, %select_n3A_957 : vector<16xf32>
        %mul3A_1982 = arith.constant -2.000000e-02 : f32
        %mul3A_1983 = vector.broadcast %mul3A_1982 : f32 to vector<16xf32>
        %mul3A_1984 = arith.mulf %mul3A_1983, %max3A_1981 : vector<16xf32>
        %lt3A_1985 = arith.cmpf olt, %sub3A_1978, %mul3A_1984 : vector<16xf32>
        %select_n3A_1986 = arith.select %lt3A_1985, %broadcast_in_dim3A_7, %exp3A_1979 : vector<16xi1>, vector<16xf32>
        %add3A_1987 = arith.addf %add3A_1899, %select_n3A_1986 : vector<16xf32>
        %add3A_1988 = arith.addf %sub3A_1978, %sub3A : vector<16xf32>
        %max3A_1989 = arith.maximumf %abs3A_1980, %select_n3A_963 : vector<16xf32>
        %mul3A_1990 = arith.constant -2.000000e-02 : f32
        %mul3A_1991 = vector.broadcast %mul3A_1990 : f32 to vector<16xf32>
        %mul3A_1992 = arith.mulf %mul3A_1991, %max3A_1989 : vector<16xf32>
        %lt3A_1993 = arith.cmpf olt, %add3A_1988, %mul3A_1992 : vector<16xf32>
        %select_n3A_1994 = arith.select %lt3A_1993, %broadcast_in_dim3A_7, %exp3A_1979 : vector<16xi1>, vector<16xf32>
        %add3A_1995 = arith.addf %add3A_1907, %select_n3A_1994 : vector<16xf32>
        %get3A_1996 = arith.constant 47 : i32
        %get3A_1997 = arith.index_cast %get3A_1996 : i32 to index
        %get3A_1998 = arith.index_cast %mul3A_38 : i32 to index
        %get3A_1999 = tpu.vector_load %arg5[%get3A_1997, %get3A_1998] {strides = array<i32>} : memref<64x512xf32, #tpu.memory_space<vmem>>, vector<16xf32>,
        %sub3A_2000 = arith.subf %get3A_1999, %select_n3A_957 : vector<16xf32>
        %exp3A_2001 = math.exp %sub3A_2000 : vector<16xf32>
        %abs3A_2002 = math.absf %get3A_1999 : vector<16xf32>
        %max3A_2003 = arith.maximumf %abs3A_2002, %select_n3A_957 : vector<16xf32>
        %mul3A_2004 = arith.constant -2.000000e-02 : f32
        %mul3A_2005 = vector.broadcast %mul3A_2004 : f32 to vector<16xf32>
        %mul3A_2006 = arith.mulf %mul3A_2005, %max3A_2003 : vector<16xf32>
        %lt3A_2007 = arith.cmpf olt, %sub3A_2000, %mul3A_2006 : vector<16xf32>
        %select_n3A_2008 = arith.select %lt3A_2007, %broadcast_in_dim3A_7, %exp3A_2001 : vector<16xi1>, vector<16xf32>
        %add3A_2009 = arith.addf %add3A_1921, %select_n3A_2008 : vector<16xf32>
        %add3A_2010 = arith.addf %sub3A_2000, %sub3A : vector<16xf32>
        %max3A_2011 = arith.maximumf %abs3A_2002, %select_n3A_963 : vector<16xf32>
        %mul3A_2012 = arith.constant -2.000000e-02 : f32
        %mul3A_2013 = vector.broadcast %mul3A_2012 : f32 to vector<16xf32>
        %mul3A_2014 = arith.mulf %mul3A_2013, %max3A_2011 : vector<16xf32>
        %lt3A_2015 = arith.cmpf olt, %add3A_2010, %mul3A_2014 : vector<16xf32>
        %select_n3A_2016 = arith.select %lt3A_2015, %broadcast_in_dim3A_7, %exp3A_2001 : vector<16xi1>, vector<16xf32>
        %add3A_2017 = arith.addf %add3A_1929, %select_n3A_2016 : vector<16xf32>
        %get3A_2018 = arith.constant 48 : i32
        %get3A_2019 = arith.index_cast %get3A_2018 : i32 to index
        %get3A_2020 = arith.index_cast %mul3A_38 : i32 to index
        %get3A_2021 = tpu.vector_load %arg5[%get3A_2019, %get3A_2020] {strides = array<i32>} : memref<64x512xf32, #tpu.memory_space<vmem>>, vector<16xf32>,
        %sub3A_2022 = arith.subf %get3A_2021, %select_n3A_957 : vector<16xf32>
        %exp3A_2023 = math.exp %sub3A_2022 : vector<16xf32>
        %abs3A_2024 = math.absf %get3A_2021 : vector<16xf32>
        %max3A_2025 = arith.maximumf %abs3A_2024, %select_n3A_957 : vector<16xf32>
        %mul3A_2026 = arith.constant -2.000000e-02 : f32
        %mul3A_2027 = vector.broadcast %mul3A_2026 : f32 to vector<16xf32>
        %mul3A_2028 = arith.mulf %mul3A_2027, %max3A_2025 : vector<16xf32>
        %lt3A_2029 = arith.cmpf olt, %sub3A_2022, %mul3A_2028 : vector<16xf32>
        %select_n3A_2030 = arith.select %lt3A_2029, %broadcast_in_dim3A_7, %exp3A_2023 : vector<16xi1>, vector<16xf32>
        %add3A_2031 = arith.addf %add3A_1943, %select_n3A_2030 : vector<16xf32>
        %add3A_2032 = arith.addf %sub3A_2022, %sub3A : vector<16xf32>
        %max3A_2033 = arith.maximumf %abs3A_2024, %select_n3A_963 : vector<16xf32>
        %mul3A_2034 = arith.constant -2.000000e-02 : f32
        %mul3A_2035 = vector.broadcast %mul3A_2034 : f32 to vector<16xf32>
        %mul3A_2036 = arith.mulf %mul3A_2035, %max3A_2033 : vector<16xf32>
        %lt3A_2037 = arith.cmpf olt, %add3A_2032, %mul3A_2036 : vector<16xf32>
        %select_n3A_2038 = arith.select %lt3A_2037, %broadcast_in_dim3A_7, %exp3A_2023 : vector<16xi1>, vector<16xf32>
        %add3A_2039 = arith.addf %add3A_1951, %select_n3A_2038 : vector<16xf32>
        %get3A_2040 = arith.constant 49 : i32
        %get3A_2041 = arith.index_cast %get3A_2040 : i32 to index
        %get3A_2042 = arith.index_cast %mul3A_38 : i32 to index
        %get3A_2043 = tpu.vector_load %arg5[%get3A_2041, %get3A_2042] {strides = array<i32>} : memref<64x512xf32, #tpu.memory_space<vmem>>, vector<16xf32>,
        %sub3A_2044 = arith.subf %get3A_2043, %select_n3A_957 : vector<16xf32>
        %exp3A_2045 = math.exp %sub3A_2044 : vector<16xf32>
        %abs3A_2046 = math.absf %get3A_2043 : vector<16xf32>
        %max3A_2047 = arith.maximumf %abs3A_2046, %select_n3A_957 : vector<16xf32>
        %mul3A_2048 = arith.constant -2.000000e-02 : f32
        %mul3A_2049 = vector.broadcast %mul3A_2048 : f32 to vector<16xf32>
        %mul3A_2050 = arith.mulf %mul3A_2049, %max3A_2047 : vector<16xf32>
        %lt3A_2051 = arith.cmpf olt, %sub3A_2044, %mul3A_2050 : vector<16xf32>
        %select_n3A_2052 = arith.select %lt3A_2051, %broadcast_in_dim3A_7, %exp3A_2045 : vector<16xi1>, vector<16xf32>
        %add3A_2053 = arith.addf %add3A_1965, %select_n3A_2052 : vector<16xf32>
        %add3A_2054 = arith.addf %sub3A_2044, %sub3A : vector<16xf32>
        %max3A_2055 = arith.maximumf %abs3A_2046, %select_n3A_963 : vector<16xf32>
        %mul3A_2056 = arith.constant -2.000000e-02 : f32
        %mul3A_2057 = vector.broadcast %mul3A_2056 : f32 to vector<16xf32>
        %mul3A_2058 = arith.mulf %mul3A_2057, %max3A_2055 : vector<16xf32>
        %lt3A_2059 = arith.cmpf olt, %add3A_2054, %mul3A_2058 : vector<16xf32>
        %select_n3A_2060 = arith.select %lt3A_2059, %broadcast_in_dim3A_7, %exp3A_2045 : vector<16xi1>, vector<16xf32>
        %add3A_2061 = arith.addf %add3A_1973, %select_n3A_2060 : vector<16xf32>
        %get3A_2062 = arith.constant 50 : i32
        %get3A_2063 = arith.index_cast %get3A_2062 : i32 to index
        %get3A_2064 = arith.index_cast %mul3A_38 : i32 to index
        %get3A_2065 = tpu.vector_load %arg5[%get3A_2063, %get3A_2064] {strides = array<i32>} : memref<64x512xf32, #tpu.memory_space<vmem>>, vector<16xf32>,
        %sub3A_2066 = arith.subf %get3A_2065, %select_n3A_957 : vector<16xf32>
        %exp3A_2067 = math.exp %sub3A_2066 : vector<16xf32>
        %abs3A_2068 = math.absf %get3A_2065 : vector<16xf32>
        %max3A_2069 = arith.maximumf %abs3A_2068, %select_n3A_957 : vector<16xf32>
        %mul3A_2070 = arith.constant -2.000000e-02 : f32
        %mul3A_2071 = vector.broadcast %mul3A_2070 : f32 to vector<16xf32>
        %mul3A_2072 = arith.mulf %mul3A_2071, %max3A_2069 : vector<16xf32>
        %lt3A_2073 = arith.cmpf olt, %sub3A_2066, %mul3A_2072 : vector<16xf32>
        %select_n3A_2074 = arith.select %lt3A_2073, %broadcast_in_dim3A_7, %exp3A_2067 : vector<16xi1>, vector<16xf32>
        %add3A_2075 = arith.addf %add3A_1987, %select_n3A_2074 : vector<16xf32>
        %add3A_2076 = arith.addf %sub3A_2066, %sub3A : vector<16xf32>
        %max3A_2077 = arith.maximumf %abs3A_2068, %select_n3A_963 : vector<16xf32>
        %mul3A_2078 = arith.constant -2.000000e-02 : f32
        %mul3A_2079 = vector.broadcast %mul3A_2078 : f32 to vector<16xf32>
        %mul3A_2080 = arith.mulf %mul3A_2079, %max3A_2077 : vector<16xf32>
        %lt3A_2081 = arith.cmpf olt, %add3A_2076, %mul3A_2080 : vector<16xf32>
        %select_n3A_2082 = arith.select %lt3A_2081, %broadcast_in_dim3A_7, %exp3A_2067 : vector<16xi1>, vector<16xf32>
        %add3A_2083 = arith.addf %add3A_1995, %select_n3A_2082 : vector<16xf32>
        %get3A_2084 = arith.constant 51 : i32
        %get3A_2085 = arith.index_cast %get3A_2084 : i32 to index
        %get3A_2086 = arith.index_cast %mul3A_38 : i32 to index
        %get3A_2087 = tpu.vector_load %arg5[%get3A_2085, %get3A_2086] {strides = array<i32>} : memref<64x512xf32, #tpu.memory_space<vmem>>, vector<16xf32>,
        %sub3A_2088 = arith.subf %get3A_2087, %select_n3A_957 : vector<16xf32>
        %exp3A_2089 = math.exp %sub3A_2088 : vector<16xf32>
        %abs3A_2090 = math.absf %get3A_2087 : vector<16xf32>
        %max3A_2091 = arith.maximumf %abs3A_2090, %select_n3A_957 : vector<16xf32>
        %mul3A_2092 = arith.constant -2.000000e-02 : f32
        %mul3A_2093 = vector.broadcast %mul3A_2092 : f32 to vector<16xf32>
        %mul3A_2094 = arith.mulf %mul3A_2093, %max3A_2091 : vector<16xf32>
        %lt3A_2095 = arith.cmpf olt, %sub3A_2088, %mul3A_2094 : vector<16xf32>
        %select_n3A_2096 = arith.select %lt3A_2095, %broadcast_in_dim3A_7, %exp3A_2089 : vector<16xi1>, vector<16xf32>
        %add3A_2097 = arith.addf %add3A_2009, %select_n3A_2096 : vector<16xf32>
        %add3A_2098 = arith.addf %sub3A_2088, %sub3A : vector<16xf32>
        %max3A_2099 = arith.maximumf %abs3A_2090, %select_n3A_963 : vector<16xf32>
        %mul3A_2100 = arith.constant -2.000000e-02 : f32
        %mul3A_2101 = vector.broadcast %mul3A_2100 : f32 to vector<16xf32>
        %mul3A_2102 = arith.mulf %mul3A_2101, %max3A_2099 : vector<16xf32>
        %lt3A_2103 = arith.cmpf olt, %add3A_2098, %mul3A_2102 : vector<16xf32>
        %select_n3A_2104 = arith.select %lt3A_2103, %broadcast_in_dim3A_7, %exp3A_2089 : vector<16xi1>, vector<16xf32>
        %add3A_2105 = arith.addf %add3A_2017, %select_n3A_2104 : vector<16xf32>
        %get3A_2106 = arith.constant 52 : i32
        %get3A_2107 = arith.index_cast %get3A_2106 : i32 to index
        %get3A_2108 = arith.index_cast %mul3A_38 : i32 to index
        %get3A_2109 = tpu.vector_load %arg5[%get3A_2107, %get3A_2108] {strides = array<i32>} : memref<64x512xf32, #tpu.memory_space<vmem>>, vector<16xf32>,
        %sub3A_2110 = arith.subf %get3A_2109, %select_n3A_957 : vector<16xf32>
        %exp3A_2111 = math.exp %sub3A_2110 : vector<16xf32>
        %abs3A_2112 = math.absf %get3A_2109 : vector<16xf32>
        %max3A_2113 = arith.maximumf %abs3A_2112, %select_n3A_957 : vector<16xf32>
        %mul3A_2114 = arith.constant -2.000000e-02 : f32
        %mul3A_2115 = vector.broadcast %mul3A_2114 : f32 to vector<16xf32>
        %mul3A_2116 = arith.mulf %mul3A_2115, %max3A_2113 : vector<16xf32>
        %lt3A_2117 = arith.cmpf olt, %sub3A_2110, %mul3A_2116 : vector<16xf32>
        %select_n3A_2118 = arith.select %lt3A_2117, %broadcast_in_dim3A_7, %exp3A_2111 : vector<16xi1>, vector<16xf32>
        %add3A_2119 = arith.addf %add3A_2031, %select_n3A_2118 : vector<16xf32>
        %add3A_2120 = arith.addf %sub3A_2110, %sub3A : vector<16xf32>
        %max3A_2121 = arith.maximumf %abs3A_2112, %select_n3A_963 : vector<16xf32>
        %mul3A_2122 = arith.constant -2.000000e-02 : f32
        %mul3A_2123 = vector.broadcast %mul3A_2122 : f32 to vector<16xf32>
        %mul3A_2124 = arith.mulf %mul3A_2123, %max3A_2121 : vector<16xf32>
        %lt3A_2125 = arith.cmpf olt, %add3A_2120, %mul3A_2124 : vector<16xf32>
        %select_n3A_2126 = arith.select %lt3A_2125, %broadcast_in_dim3A_7, %exp3A_2111 : vector<16xi1>, vector<16xf32>
        %add3A_2127 = arith.addf %add3A_2039, %select_n3A_2126 : vector<16xf32>
        %get3A_2128 = arith.constant 53 : i32
        %get3A_2129 = arith.index_cast %get3A_2128 : i32 to index
        %get3A_2130 = arith.index_cast %mul3A_38 : i32 to index
        %get3A_2131 = tpu.vector_load %arg5[%get3A_2129, %get3A_2130] {strides = array<i32>} : memref<64x512xf32, #tpu.memory_space<vmem>>, vector<16xf32>,
        %sub3A_2132 = arith.subf %get3A_2131, %select_n3A_957 : vector<16xf32>
        %exp3A_2133 = math.exp %sub3A_2132 : vector<16xf32>
        %abs3A_2134 = math.absf %get3A_2131 : vector<16xf32>
        %max3A_2135 = arith.maximumf %abs3A_2134, %select_n3A_957 : vector<16xf32>
        %mul3A_2136 = arith.constant -2.000000e-02 : f32
        %mul3A_2137 = vector.broadcast %mul3A_2136 : f32 to vector<16xf32>
        %mul3A_2138 = arith.mulf %mul3A_2137, %max3A_2135 : vector<16xf32>
        %lt3A_2139 = arith.cmpf olt, %sub3A_2132, %mul3A_2138 : vector<16xf32>
        %select_n3A_2140 = arith.select %lt3A_2139, %broadcast_in_dim3A_7, %exp3A_2133 : vector<16xi1>, vector<16xf32>
        %add3A_2141 = arith.addf %add3A_2053, %select_n3A_2140 : vector<16xf32>
        %add3A_2142 = arith.addf %sub3A_2132, %sub3A : vector<16xf32>
        %max3A_2143 = arith.maximumf %abs3A_2134, %select_n3A_963 : vector<16xf32>
        %mul3A_2144 = arith.constant -2.000000e-02 : f32
        %mul3A_2145 = vector.broadcast %mul3A_2144 : f32 to vector<16xf32>
        %mul3A_2146 = arith.mulf %mul3A_2145, %max3A_2143 : vector<16xf32>
        %lt3A_2147 = arith.cmpf olt, %add3A_2142, %mul3A_2146 : vector<16xf32>
        %select_n3A_2148 = arith.select %lt3A_2147, %broadcast_in_dim3A_7, %exp3A_2133 : vector<16xi1>, vector<16xf32>
        %add3A_2149 = arith.addf %add3A_2061, %select_n3A_2148 : vector<16xf32>
        %get3A_2150 = arith.constant 54 : i32
        %get3A_2151 = arith.index_cast %get3A_2150 : i32 to index
        %get3A_2152 = arith.index_cast %mul3A_38 : i32 to index
        %get3A_2153 = tpu.vector_load %arg5[%get3A_2151, %get3A_2152] {strides = array<i32>} : memref<64x512xf32, #tpu.memory_space<vmem>>, vector<16xf32>,
        %sub3A_2154 = arith.subf %get3A_2153, %select_n3A_957 : vector<16xf32>
        %exp3A_2155 = math.exp %sub3A_2154 : vector<16xf32>
        %abs3A_2156 = math.absf %get3A_2153 : vector<16xf32>
        %max3A_2157 = arith.maximumf %abs3A_2156, %select_n3A_957 : vector<16xf32>
        %mul3A_2158 = arith.constant -2.000000e-02 : f32
        %mul3A_2159 = vector.broadcast %mul3A_2158 : f32 to vector<16xf32>
        %mul3A_2160 = arith.mulf %mul3A_2159, %max3A_2157 : vector<16xf32>
        %lt3A_2161 = arith.cmpf olt, %sub3A_2154, %mul3A_2160 : vector<16xf32>
        %select_n3A_2162 = arith.select %lt3A_2161, %broadcast_in_dim3A_7, %exp3A_2155 : vector<16xi1>, vector<16xf32>
        %add3A_2163 = arith.addf %add3A_2075, %select_n3A_2162 : vector<16xf32>
        %add3A_2164 = arith.addf %sub3A_2154, %sub3A : vector<16xf32>
        %max3A_2165 = arith.maximumf %abs3A_2156, %select_n3A_963 : vector<16xf32>
        %mul3A_2166 = arith.constant -2.000000e-02 : f32
        %mul3A_2167 = vector.broadcast %mul3A_2166 : f32 to vector<16xf32>
        %mul3A_2168 = arith.mulf %mul3A_2167, %max3A_2165 : vector<16xf32>
        %lt3A_2169 = arith.cmpf olt, %add3A_2164, %mul3A_2168 : vector<16xf32>
        %select_n3A_2170 = arith.select %lt3A_2169, %broadcast_in_dim3A_7, %exp3A_2155 : vector<16xi1>, vector<16xf32>
        %add3A_2171 = arith.addf %add3A_2083, %select_n3A_2170 : vector<16xf32>
        %get3A_2172 = arith.constant 55 : i32
        %get3A_2173 = arith.index_cast %get3A_2172 : i32 to index
        %get3A_2174 = arith.index_cast %mul3A_38 : i32 to index
        %get3A_2175 = tpu.vector_load %arg5[%get3A_2173, %get3A_2174] {strides = array<i32>} : memref<64x512xf32, #tpu.memory_space<vmem>>, vector<16xf32>,
        %sub3A_2176 = arith.subf %get3A_2175, %select_n3A_957 : vector<16xf32>
        %exp3A_2177 = math.exp %sub3A_2176 : vector<16xf32>
        %abs3A_2178 = math.absf %get3A_2175 : vector<16xf32>
        %max3A_2179 = arith.maximumf %abs3A_2178, %select_n3A_957 : vector<16xf32>
        %mul3A_2180 = arith.constant -2.000000e-02 : f32
        %mul3A_2181 = vector.broadcast %mul3A_2180 : f32 to vector<16xf32>
        %mul3A_2182 = arith.mulf %mul3A_2181, %max3A_2179 : vector<16xf32>
        %lt3A_2183 = arith.cmpf olt, %sub3A_2176, %mul3A_2182 : vector<16xf32>
        %select_n3A_2184 = arith.select %lt3A_2183, %broadcast_in_dim3A_7, %exp3A_2177 : vector<16xi1>, vector<16xf32>
        %add3A_2185 = arith.addf %add3A_2097, %select_n3A_2184 : vector<16xf32>
        %add3A_2186 = arith.addf %sub3A_2176, %sub3A : vector<16xf32>
        %max3A_2187 = arith.maximumf %abs3A_2178, %select_n3A_963 : vector<16xf32>
        %mul3A_2188 = arith.constant -2.000000e-02 : f32
        %mul3A_2189 = vector.broadcast %mul3A_2188 : f32 to vector<16xf32>
        %mul3A_2190 = arith.mulf %mul3A_2189, %max3A_2187 : vector<16xf32>
        %lt3A_2191 = arith.cmpf olt, %add3A_2186, %mul3A_2190 : vector<16xf32>
        %select_n3A_2192 = arith.select %lt3A_2191, %broadcast_in_dim3A_7, %exp3A_2177 : vector<16xi1>, vector<16xf32>
        %add3A_2193 = arith.addf %add3A_2105, %select_n3A_2192 : vector<16xf32>
        %get3A_2194 = arith.constant 56 : i32
        %get3A_2195 = arith.index_cast %get3A_2194 : i32 to index
        %get3A_2196 = arith.index_cast %mul3A_38 : i32 to index
        %get3A_2197 = tpu.vector_load %arg5[%get3A_2195, %get3A_2196] {strides = array<i32>} : memref<64x512xf32, #tpu.memory_space<vmem>>, vector<16xf32>,
        %sub3A_2198 = arith.subf %get3A_2197, %select_n3A_957 : vector<16xf32>
        %exp3A_2199 = math.exp %sub3A_2198 : vector<16xf32>
        %abs3A_2200 = math.absf %get3A_2197 : vector<16xf32>
        %max3A_2201 = arith.maximumf %abs3A_2200, %select_n3A_957 : vector<16xf32>
        %mul3A_2202 = arith.constant -2.000000e-02 : f32
        %mul3A_2203 = vector.broadcast %mul3A_2202 : f32 to vector<16xf32>
        %mul3A_2204 = arith.mulf %mul3A_2203, %max3A_2201 : vector<16xf32>
        %lt3A_2205 = arith.cmpf olt, %sub3A_2198, %mul3A_2204 : vector<16xf32>
        %select_n3A_2206 = arith.select %lt3A_2205, %broadcast_in_dim3A_7, %exp3A_2199 : vector<16xi1>, vector<16xf32>
        %add3A_2207 = arith.addf %add3A_2119, %select_n3A_2206 : vector<16xf32>
        %add3A_2208 = arith.addf %sub3A_2198, %sub3A : vector<16xf32>
        %max3A_2209 = arith.maximumf %abs3A_2200, %select_n3A_963 : vector<16xf32>
        %mul3A_2210 = arith.constant -2.000000e-02 : f32
        %mul3A_2211 = vector.broadcast %mul3A_2210 : f32 to vector<16xf32>
        %mul3A_2212 = arith.mulf %mul3A_2211, %max3A_2209 : vector<16xf32>
        %lt3A_2213 = arith.cmpf olt, %add3A_2208, %mul3A_2212 : vector<16xf32>
        %select_n3A_2214 = arith.select %lt3A_2213, %broadcast_in_dim3A_7, %exp3A_2199 : vector<16xi1>, vector<16xf32>
        %add3A_2215 = arith.addf %add3A_2127, %select_n3A_2214 : vector<16xf32>
        %get3A_2216 = arith.constant 57 : i32
        %get3A_2217 = arith.index_cast %get3A_2216 : i32 to index
        %get3A_2218 = arith.index_cast %mul3A_38 : i32 to index
        %get3A_2219 = tpu.vector_load %arg5[%get3A_2217, %get3A_2218] {strides = array<i32>} : memref<64x512xf32, #tpu.memory_space<vmem>>, vector<16xf32>,
        %sub3A_2220 = arith.subf %get3A_2219, %select_n3A_957 : vector<16xf32>
        %exp3A_2221 = math.exp %sub3A_2220 : vector<16xf32>
        %abs3A_2222 = math.absf %get3A_2219 : vector<16xf32>
        %max3A_2223 = arith.maximumf %abs3A_2222, %select_n3A_957 : vector<16xf32>
        %mul3A_2224 = arith.constant -2.000000e-02 : f32
        %mul3A_2225 = vector.broadcast %mul3A_2224 : f32 to vector<16xf32>
        %mul3A_2226 = arith.mulf %mul3A_2225, %max3A_2223 : vector<16xf32>
        %lt3A_2227 = arith.cmpf olt, %sub3A_2220, %mul3A_2226 : vector<16xf32>
        %select_n3A_2228 = arith.select %lt3A_2227, %broadcast_in_dim3A_7, %exp3A_2221 : vector<16xi1>, vector<16xf32>
        %add3A_2229 = arith.addf %add3A_2141, %select_n3A_2228 : vector<16xf32>
        %add3A_2230 = arith.addf %sub3A_2220, %sub3A : vector<16xf32>
        %max3A_2231 = arith.maximumf %abs3A_2222, %select_n3A_963 : vector<16xf32>
        %mul3A_2232 = arith.constant -2.000000e-02 : f32
        %mul3A_2233 = vector.broadcast %mul3A_2232 : f32 to vector<16xf32>
        %mul3A_2234 = arith.mulf %mul3A_2233, %max3A_2231 : vector<16xf32>
        %lt3A_2235 = arith.cmpf olt, %add3A_2230, %mul3A_2234 : vector<16xf32>
        %select_n3A_2236 = arith.select %lt3A_2235, %broadcast_in_dim3A_7, %exp3A_2221 : vector<16xi1>, vector<16xf32>
        %add3A_2237 = arith.addf %add3A_2149, %select_n3A_2236 : vector<16xf32>
        %get3A_2238 = arith.constant 58 : i32
        %get3A_2239 = arith.index_cast %get3A_2238 : i32 to index
        %get3A_2240 = arith.index_cast %mul3A_38 : i32 to index
        %get3A_2241 = tpu.vector_load %arg5[%get3A_2239, %get3A_2240] {strides = array<i32>} : memref<64x512xf32, #tpu.memory_space<vmem>>, vector<16xf32>,
        %sub3A_2242 = arith.subf %get3A_2241, %select_n3A_957 : vector<16xf32>
        %exp3A_2243 = math.exp %sub3A_2242 : vector<16xf32>
        %abs3A_2244 = math.absf %get3A_2241 : vector<16xf32>
        %max3A_2245 = arith.maximumf %abs3A_2244, %select_n3A_957 : vector<16xf32>
        %mul3A_2246 = arith.constant -2.000000e-02 : f32
        %mul3A_2247 = vector.broadcast %mul3A_2246 : f32 to vector<16xf32>
        %mul3A_2248 = arith.mulf %mul3A_2247, %max3A_2245 : vector<16xf32>
        %lt3A_2249 = arith.cmpf olt, %sub3A_2242, %mul3A_2248 : vector<16xf32>
        %select_n3A_2250 = arith.select %lt3A_2249, %broadcast_in_dim3A_7, %exp3A_2243 : vector<16xi1>, vector<16xf32>
        %add3A_2251 = arith.addf %add3A_2163, %select_n3A_2250 : vector<16xf32>
        %add3A_2252 = arith.addf %sub3A_2242, %sub3A : vector<16xf32>
        %max3A_2253 = arith.maximumf %abs3A_2244, %select_n3A_963 : vector<16xf32>
        %mul3A_2254 = arith.constant -2.000000e-02 : f32
        %mul3A_2255 = vector.broadcast %mul3A_2254 : f32 to vector<16xf32>
        %mul3A_2256 = arith.mulf %mul3A_2255, %max3A_2253 : vector<16xf32>
        %lt3A_2257 = arith.cmpf olt, %add3A_2252, %mul3A_2256 : vector<16xf32>
        %select_n3A_2258 = arith.select %lt3A_2257, %broadcast_in_dim3A_7, %exp3A_2243 : vector<16xi1>, vector<16xf32>
        %add3A_2259 = arith.addf %add3A_2171, %select_n3A_2258 : vector<16xf32>
        %get3A_2260 = arith.constant 59 : i32
        %get3A_2261 = arith.index_cast %get3A_2260 : i32 to index
        %get3A_2262 = arith.index_cast %mul3A_38 : i32 to index
        %get3A_2263 = tpu.vector_load %arg5[%get3A_2261, %get3A_2262] {strides = array<i32>} : memref<64x512xf32, #tpu.memory_space<vmem>>, vector<16xf32>,
        %sub3A_2264 = arith.subf %get3A_2263, %select_n3A_957 : vector<16xf32>
        %exp3A_2265 = math.exp %sub3A_2264 : vector<16xf32>
        %abs3A_2266 = math.absf %get3A_2263 : vector<16xf32>
        %max3A_2267 = arith.maximumf %abs3A_2266, %select_n3A_957 : vector<16xf32>
        %mul3A_2268 = arith.constant -2.000000e-02 : f32
        %mul3A_2269 = vector.broadcast %mul3A_2268 : f32 to vector<16xf32>
        %mul3A_2270 = arith.mulf %mul3A_2269, %max3A_2267 : vector<16xf32>
        %lt3A_2271 = arith.cmpf olt, %sub3A_2264, %mul3A_2270 : vector<16xf32>
        %select_n3A_2272 = arith.select %lt3A_2271, %broadcast_in_dim3A_7, %exp3A_2265 : vector<16xi1>, vector<16xf32>
        %add3A_2273 = arith.addf %add3A_2185, %select_n3A_2272 : vector<16xf32>
        %add3A_2274 = arith.addf %sub3A_2264, %sub3A : vector<16xf32>
        %max3A_2275 = arith.maximumf %abs3A_2266, %select_n3A_963 : vector<16xf32>
        %mul3A_2276 = arith.constant -2.000000e-02 : f32
        %mul3A_2277 = vector.broadcast %mul3A_2276 : f32 to vector<16xf32>
        %mul3A_2278 = arith.mulf %mul3A_2277, %max3A_2275 : vector<16xf32>
        %lt3A_2279 = arith.cmpf olt, %add3A_2274, %mul3A_2278 : vector<16xf32>
        %select_n3A_2280 = arith.select %lt3A_2279, %broadcast_in_dim3A_7, %exp3A_2265 : vector<16xi1>, vector<16xf32>
        %add3A_2281 = arith.addf %add3A_2193, %select_n3A_2280 : vector<16xf32>
        %get3A_2282 = arith.constant 60 : i32
        %get3A_2283 = arith.index_cast %get3A_2282 : i32 to index
        %get3A_2284 = arith.index_cast %mul3A_38 : i32 to index
        %get3A_2285 = tpu.vector_load %arg5[%get3A_2283, %get3A_2284] {strides = array<i32>} : memref<64x512xf32, #tpu.memory_space<vmem>>, vector<16xf32>,
        %sub3A_2286 = arith.subf %get3A_2285, %select_n3A_957 : vector<16xf32>
        %exp3A_2287 = math.exp %sub3A_2286 : vector<16xf32>
        %abs3A_2288 = math.absf %get3A_2285 : vector<16xf32>
        %max3A_2289 = arith.maximumf %abs3A_2288, %select_n3A_957 : vector<16xf32>
        %mul3A_2290 = arith.constant -2.000000e-02 : f32
        %mul3A_2291 = vector.broadcast %mul3A_2290 : f32 to vector<16xf32>
        %mul3A_2292 = arith.mulf %mul3A_2291, %max3A_2289 : vector<16xf32>
        %lt3A_2293 = arith.cmpf olt, %sub3A_2286, %mul3A_2292 : vector<16xf32>
        %select_n3A_2294 = arith.select %lt3A_2293, %broadcast_in_dim3A_7, %exp3A_2287 : vector<16xi1>, vector<16xf32>
        %add3A_2295 = arith.addf %add3A_2207, %select_n3A_2294 : vector<16xf32>
        %add3A_2296 = arith.addf %sub3A_2286, %sub3A : vector<16xf32>
        %max3A_2297 = arith.maximumf %abs3A_2288, %select_n3A_963 : vector<16xf32>
        %mul3A_2298 = arith.constant -2.000000e-02 : f32
        %mul3A_2299 = vector.broadcast %mul3A_2298 : f32 to vector<16xf32>
        %mul3A_2300 = arith.mulf %mul3A_2299, %max3A_2297 : vector<16xf32>
        %lt3A_2301 = arith.cmpf olt, %add3A_2296, %mul3A_2300 : vector<16xf32>
        %select_n3A_2302 = arith.select %lt3A_2301, %broadcast_in_dim3A_7, %exp3A_2287 : vector<16xi1>, vector<16xf32>
        %add3A_2303 = arith.addf %add3A_2215, %select_n3A_2302 : vector<16xf32>
        %get3A_2304 = arith.constant 61 : i32
        %get3A_2305 = arith.index_cast %get3A_2304 : i32 to index
        %get3A_2306 = arith.index_cast %mul3A_38 : i32 to index
        %get3A_2307 = tpu.vector_load %arg5[%get3A_2305, %get3A_2306] {strides = array<i32>} : memref<64x512xf32, #tpu.memory_space<vmem>>, vector<16xf32>,
        %sub3A_2308 = arith.subf %get3A_2307, %select_n3A_957 : vector<16xf32>
        %exp3A_2309 = math.exp %sub3A_2308 : vector<16xf32>
        %abs3A_2310 = math.absf %get3A_2307 : vector<16xf32>
        %max3A_2311 = arith.maximumf %abs3A_2310, %select_n3A_957 : vector<16xf32>
        %mul3A_2312 = arith.constant -2.000000e-02 : f32
        %mul3A_2313 = vector.broadcast %mul3A_2312 : f32 to vector<16xf32>
        %mul3A_2314 = arith.mulf %mul3A_2313, %max3A_2311 : vector<16xf32>
        %lt3A_2315 = arith.cmpf olt, %sub3A_2308, %mul3A_2314 : vector<16xf32>
        %select_n3A_2316 = arith.select %lt3A_2315, %broadcast_in_dim3A_7, %exp3A_2309 : vector<16xi1>, vector<16xf32>
        %add3A_2317 = arith.addf %add3A_2229, %select_n3A_2316 : vector<16xf32>
        %add3A_2318 = arith.addf %sub3A_2308, %sub3A : vector<16xf32>
        %max3A_2319 = arith.maximumf %abs3A_2310, %select_n3A_963 : vector<16xf32>
        %mul3A_2320 = arith.constant -2.000000e-02 : f32
        %mul3A_2321 = vector.broadcast %mul3A_2320 : f32 to vector<16xf32>
        %mul3A_2322 = arith.mulf %mul3A_2321, %max3A_2319 : vector<16xf32>
        %lt3A_2323 = arith.cmpf olt, %add3A_2318, %mul3A_2322 : vector<16xf32>
        %select_n3A_2324 = arith.select %lt3A_2323, %broadcast_in_dim3A_7, %exp3A_2309 : vector<16xi1>, vector<16xf32>
        %add3A_2325 = arith.addf %add3A_2237, %select_n3A_2324 : vector<16xf32>
        %get3A_2326 = arith.constant 62 : i32
        %get3A_2327 = arith.index_cast %get3A_2326 : i32 to index
        %get3A_2328 = arith.index_cast %mul3A_38 : i32 to index
        %get3A_2329 = tpu.vector_load %arg5[%get3A_2327, %get3A_2328] {strides = array<i32>} : memref<64x512xf32, #tpu.memory_space<vmem>>, vector<16xf32>,
        %sub3A_2330 = arith.subf %get3A_2329, %select_n3A_957 : vector<16xf32>
        %exp3A_2331 = math.exp %sub3A_2330 : vector<16xf32>
        %abs3A_2332 = math.absf %get3A_2329 : vector<16xf32>
        %max3A_2333 = arith.maximumf %abs3A_2332, %select_n3A_957 : vector<16xf32>
        %mul3A_2334 = arith.constant -2.000000e-02 : f32
        %mul3A_2335 = vector.broadcast %mul3A_2334 : f32 to vector<16xf32>
        %mul3A_2336 = arith.mulf %mul3A_2335, %max3A_2333 : vector<16xf32>
        %lt3A_2337 = arith.cmpf olt, %sub3A_2330, %mul3A_2336 : vector<16xf32>
        %select_n3A_2338 = arith.select %lt3A_2337, %broadcast_in_dim3A_7, %exp3A_2331 : vector<16xi1>, vector<16xf32>
        %add3A_2339 = arith.addf %add3A_2251, %select_n3A_2338 : vector<16xf32>
        %add3A_2340 = arith.addf %sub3A_2330, %sub3A : vector<16xf32>
        %max3A_2341 = arith.maximumf %abs3A_2332, %select_n3A_963 : vector<16xf32>
        %mul3A_2342 = arith.constant -2.000000e-02 : f32
        %mul3A_2343 = vector.broadcast %mul3A_2342 : f32 to vector<16xf32>
        %mul3A_2344 = arith.mulf %mul3A_2343, %max3A_2341 : vector<16xf32>
        %lt3A_2345 = arith.cmpf olt, %add3A_2340, %mul3A_2344 : vector<16xf32>
        %select_n3A_2346 = arith.select %lt3A_2345, %broadcast_in_dim3A_7, %exp3A_2331 : vector<16xi1>, vector<16xf32>
        %add3A_2347 = arith.addf %add3A_2259, %select_n3A_2346 : vector<16xf32>
        %get3A_2348 = arith.constant 63 : i32
        %get3A_2349 = arith.index_cast %get3A_2348 : i32 to index
        %get3A_2350 = arith.index_cast %mul3A_38 : i32 to index
        %get3A_2351 = tpu.vector_load %arg5[%get3A_2349, %get3A_2350] {strides = array<i32>} : memref<64x512xf32, #tpu.memory_space<vmem>>, vector<16xf32>,
        %sub3A_2352 = arith.subf %get3A_2351, %select_n3A_957 : vector<16xf32>
        %exp3A_2353 = math.exp %sub3A_2352 : vector<16xf32>
        %abs3A_2354 = math.absf %get3A_2351 : vector<16xf32>
        %max3A_2355 = arith.maximumf %abs3A_2354, %select_n3A_957 : vector<16xf32>
        %mul3A_2356 = arith.constant -2.000000e-02 : f32
        %mul3A_2357 = vector.broadcast %mul3A_2356 : f32 to vector<16xf32>
        %mul3A_2358 = arith.mulf %mul3A_2357, %max3A_2355 : vector<16xf32>
        %lt3A_2359 = arith.cmpf olt, %sub3A_2352, %mul3A_2358 : vector<16xf32>
        %select_n3A_2360 = arith.select %lt3A_2359, %broadcast_in_dim3A_7, %exp3A_2353 : vector<16xi1>, vector<16xf32>
        %add3A_2361 = arith.addf %add3A_2273, %select_n3A_2360 : vector<16xf32>
        %add3A_2362 = arith.addf %sub3A_2352, %sub3A : vector<16xf32>
        %max3A_2363 = arith.maximumf %abs3A_2354, %select_n3A_963 : vector<16xf32>
        %mul3A_2364 = arith.constant -2.000000e-02 : f32
        %mul3A_2365 = vector.broadcast %mul3A_2364 : f32 to vector<16xf32>
        %mul3A_2366 = arith.mulf %mul3A_2365, %max3A_2363 : vector<16xf32>
        %lt3A_2367 = arith.cmpf olt, %add3A_2362, %mul3A_2366 : vector<16xf32>
        %select_n3A_2368 = arith.select %lt3A_2367, %broadcast_in_dim3A_7, %exp3A_2353 : vector<16xi1>, vector<16xf32>
        %add3A_2369 = arith.addf %add3A_2281, %select_n3A_2368 : vector<16xf32>
        %add3A_2370 = arith.addf %add3A_2295, %add3A_2317 : vector<16xf32>
        %add3A_2371 = arith.addf %add3A_2339, %add3A_2361 : vector<16xf32>
        %add3A_2372 = arith.addf %add3A_2370, %add3A_2371 : vector<16xf32>
        %add3A_2373 = arith.addf %add3A_2303, %add3A_2325 : vector<16xf32>
        %add3A_2374 = arith.addf %add3A_2347, %add3A_2369 : vector<16xf32>
        %add3A_2375 = arith.addf %add3A_2373, %add3A_2374 : vector<16xf32>
        %jit3A = arith.constant 8 : i32
        %div3A = arith.divsi %scan3A_35, %jit3A : i32
        %sign3A = arith.constant 0 : i32
        %sign3A_2376 = arith.cmpi sgt, %scan3A_35, %sign3A : i32
        %sign3A_2377 = arith.extui %sign3A_2376 : i1 to i32
        %sign3A_2378 = arith.constant 0 : i32
        %sign3A_2379 = arith.cmpi slt, %scan3A_35, %sign3A_2378 : i32
        %sign3A_2380 = arith.extui %sign3A_2379 : i1 to i32
        %sign3A_2381 = arith.subi %sign3A_2377, %sign3A_2380 : i32
        %sign3A_2382 = arith.constant 0 : i32
        %sign3A_2383 = arith.cmpi sgt, %jit3A, %sign3A_2382 : i32
        %sign3A_2384 = arith.extui %sign3A_2383 : i1 to i32
        %sign3A_2385 = arith.constant 0 : i32
        %sign3A_2386 = arith.cmpi slt, %jit3A, %sign3A_2385 : i32
        %sign3A_2387 = arith.extui %sign3A_2386 : i1 to i32
        %sign3A_2388 = arith.subi %sign3A_2384, %sign3A_2387 : i32
        %ne3A = arith.cmpi ne, %sign3A_2381, %sign3A_2388 : i32
        %rem3A = arith.remsi %scan3A_35, %jit3A : i32
        %ne3A_2389 = arith.constant 0 : i32
        %ne3A_2390 = arith.cmpi ne, %rem3A, %ne3A_2389 : i32
        %and3A = arith.andi %ne3A, %ne3A_2390 : i1
        %sub3A_2391 = arith.constant 1 : i32
        %sub3A_2392 = arith.subi %div3A, %sub3A_2391 : i32
        %select_n3A_2393 = arith.select %and3A, %sub3A_2392, %div3A : i32
        %mul3A_2394 = arith.constant 2 : i32
        %mul3A_2395 = arith.muli %mul3A_2394, %select_n3A_2393 : i32
        %jit3A_2396 = arith.constant 8 : i32
        %eq3A = arith.constant 0 : i32
        %eq3A_2397 = arith.cmpi eq, %jit3A_2396, %eq3A : i32
        %jit3A_2398 = arith.constant 1 : i32
        %select_n3A_2399 = arith.select %eq3A_2397, %jit3A_2398, %jit3A_2396 : i32
        %rem3A_2400 = arith.remsi %scan3A_35, %select_n3A_2399 : i32
        %ne3A_2401 = arith.constant 0 : i32
        %ne3A_2402 = arith.cmpi ne, %rem3A_2400, %ne3A_2401 : i32
        %lt3A_2403 = arith.constant 0 : i32
        %lt3A_2404 = arith.cmpi slt, %rem3A_2400, %lt3A_2403 : i32
        %lt3A_2405 = arith.constant 0 : i32
        %lt3A_2406 = arith.cmpi slt, %select_n3A_2399, %lt3A_2405 : i32
        %ne3A_2407 = arith.xori %lt3A_2404, %lt3A_2406 : i1
        %and3A_2408 = arith.andi %ne3A_2407, %ne3A_2402 : i1
        %add3A_2409 = arith.addi %rem3A_2400, %select_n3A_2399 : i32
        %select_n3A_2410 = arith.select %and3A_2408, %add3A_2409, %rem3A_2400 : i32
        %mul3A_2411 = arith.constant 16 : i32
        %mul3A_2412 = arith.muli %select_n3A_2410, %mul3A_2411 : i32
        %swap3A = arith.index_cast %mul3A_2395 : i32 to index
        %swap3A_2413 = arith.index_cast %mul3A_2412 : i32 to index
        %swap3A_2414 = tpu.vector_load %arg6[%swap3A, %swap3A_2413] {strides = array<i32>} : memref<8x128xi32, #tpu.memory_space<vmem>>, vector<16xi32>,
        tpu.vector_store %arg6[%swap3A, %swap3A_2413], %select_n3A_958 {strides = array<i32>} : memref<8x128xi32, #tpu.memory_space<vmem>>, vector<16xi32>,
        %add3A_2415 = arith.constant 1 : i32
        %add3A_2416 = arith.addi %mul3A_2395, %add3A_2415 : i32
        %swap3A_2417 = arith.index_cast %add3A_2416 : i32 to index
        %swap3A_2418 = arith.index_cast %mul3A_2412 : i32 to index
        %swap3A_2419 = tpu.vector_load %arg6[%swap3A_2417, %swap3A_2418] {strides = array<i32>} : memref<8x128xi32, #tpu.memory_space<vmem>>, vector<16xi32>,
        tpu.vector_store %arg6[%swap3A_2417, %swap3A_2418], %select_n3A_964 {strides = array<i32>} : memref<8x128xi32, #tpu.memory_space<vmem>>, vector<16xi32>,
        %div3A_2420 = arith.constant 1.000000e+00 : f32
        %div3A_2421 = vector.broadcast %div3A_2420 : f32 to vector<16xf32>
        %div3A_2422 = arith.divf %div3A_2421, %add3A_2372 : vector<16xf32>
        %swap3A_2423 = arith.index_cast %mul3A_2395 : i32 to index
        %swap3A_2424 = arith.index_cast %mul3A_2412 : i32 to index
        %swap3A_2425 = tpu.vector_load %arg7[%swap3A_2423, %swap3A_2424] {strides = array<i32>} : memref<8x128xf32, #tpu.memory_space<vmem>>, vector<16xf32>,
        tpu.vector_store %arg7[%swap3A_2423, %swap3A_2424], %div3A_2422 {strides = array<i32>} : memref<8x128xf32, #tpu.memory_space<vmem>>, vector<16xf32>,
        %sub3A_2426 = arith.constant 1.000000e+00 : f32
        %sub3A_2427 = vector.broadcast %sub3A_2426 : f32 to vector<16xf32>
        %sub3A_2428 = arith.subf %add3A_2375, %sub3A_2427 : vector<16xf32>
        %mul3A_2429 = arith.mulf %exp3A, %sub3A_2428 : vector<16xf32>
        %div3A_2430 = arith.constant 1.000000e+00 : f32
        %div3A_2431 = vector.broadcast %div3A_2430 : f32 to vector<16xf32>
        %div3A_2432 = arith.divf %div3A_2431, %mul3A_2429 : vector<16xf32>
        %add3A_2433 = arith.constant 1 : i32
        %add3A_2434 = arith.addi %mul3A_2395, %add3A_2433 : i32
        %swap3A_2435 = arith.index_cast %add3A_2434 : i32 to index
        %swap3A_2436 = arith.index_cast %mul3A_2412 : i32 to index
        %swap3A_2437 = tpu.vector_load %arg7[%swap3A_2435, %swap3A_2436] {strides = array<i32>} : memref<8x128xf32, #tpu.memory_space<vmem>>, vector<16xf32>,
        tpu.vector_store %arg7[%swap3A_2435, %swap3A_2436], %div3A_2432 {strides = array<i32>} : memref<8x128xf32, #tpu.memory_space<vmem>>, vector<16xf32>,
        %scan3A_2438 = arith.constant 0 : i32
        scf.yield %scan3A_2438 : i32
      }
      %scan3A_27 = arith.constant 32 : i32
      %mul3A_28 = arith.constant 8 : i32
      %mul3A_29 = arith.muli %scan3A_16, %mul3A_28 : i32
      %add3A_30 = arith.addi %mul3A_4, %mul3A_29 : i32
      "tpu.region"() ({
        %run_scoped3A = tpu.sem_alloc : memref<!tpu.dma_semaphore, #tpu.memory_space<semaphore_mem>>
        %dma_start3A = arith.constant 0 : i32
        %dma_start3A_35 = tpu.memref_slice %arg3[%add3A_30, %dma_start3A] : memref<512x128xi32, #tpu.memory_space<hbm>> -> memref<8x128xi32, #tpu.memory_space<hbm>>
        %dma_start3A_36 = arith.constant 0 : i32
        %dma_start3A_37 = tpu.memref_slice %arg3[%add3A_30, %dma_start3A_36] : memref<512x128xi32, #tpu.memory_space<hbm>> -> memref<8x128xi32, #tpu.memory_space<hbm>>
        tpu.enqueue_dma source(%arg6 : memref<8x128xi32, #tpu.memory_space<vmem>>) target(%dma_start3A_37 : memref<8x128xi32, #tpu.memory_space<hbm>>) target_semaphore(%run_scoped3A : memref<!tpu.dma_semaphore, #tpu.memory_space<semaphore_mem>>)
        %dma_wait3A = arith.constant 0 : i32
        %dma_wait3A_38 = tpu.memref_slice %arg3[%add3A_30, %dma_wait3A] : memref<512x128xi32, #tpu.memory_space<hbm>> -> memref<8x128xi32, #tpu.memory_space<hbm>>
        %dma_wait3A_39 = arith.constant 0 : i32
        %dma_wait3A_40 = tpu.memref_slice %arg3[%add3A_30, %dma_wait3A_39] : memref<512x128xi32, #tpu.memory_space<hbm>> -> memref<8x128xi32, #tpu.memory_space<hbm>>
        tpu.wait_dma2 semaphore(%run_scoped3A : memref<!tpu.dma_semaphore, #tpu.memory_space<semaphore_mem>>) src(%arg6 : memref<8x128xi32, #tpu.memory_space<vmem>>) dst(%dma_wait3A_40 : memref<8x128xi32, #tpu.memory_space<hbm>>)
        tpu.yield
      }) : () -> ()
      %mul3A_31 = arith.constant 8 : i32
      %mul3A_32 = arith.muli %scan3A_16, %mul3A_31 : i32
      %add3A_33 = arith.addi %mul3A_4, %mul3A_32 : i32
      "tpu.region"() ({
        %run_scoped3A = tpu.sem_alloc : memref<!tpu.dma_semaphore, #tpu.memory_space<semaphore_mem>>
        %dma_start3A = arith.constant 0 : i32
        %dma_start3A_35 = tpu.memref_slice %arg4[%add3A_33, %dma_start3A] : memref<512x128xf32, #tpu.memory_space<hbm>> -> memref<8x128xf32, #tpu.memory_space<hbm>>
        %dma_start3A_36 = arith.constant 0 : i32
        %dma_start3A_37 = tpu.memref_slice %arg4[%add3A_33, %dma_start3A_36] : memref<512x128xf32, #tpu.memory_space<hbm>> -> memref<8x128xf32, #tpu.memory_space<hbm>>
        tpu.enqueue_dma source(%arg7 : memref<8x128xf32, #tpu.memory_space<vmem>>) target(%dma_start3A_37 : memref<8x128xf32, #tpu.memory_space<hbm>>) target_semaphore(%run_scoped3A : memref<!tpu.dma_semaphore, #tpu.memory_space<semaphore_mem>>)
        %dma_wait3A = arith.constant 0 : i32
        %dma_wait3A_38 = tpu.memref_slice %arg4[%add3A_33, %dma_wait3A] : memref<512x128xf32, #tpu.memory_space<hbm>> -> memref<8x128xf32, #tpu.memory_space<hbm>>
        %dma_wait3A_39 = arith.constant 0 : i32
        %dma_wait3A_40 = tpu.memref_slice %arg4[%add3A_33, %dma_wait3A_39] : memref<512x128xf32, #tpu.memory_space<hbm>> -> memref<8x128xf32, #tpu.memory_space<hbm>>
        tpu.wait_dma2 semaphore(%run_scoped3A : memref<!tpu.dma_semaphore, #tpu.memory_space<semaphore_mem>>) src(%arg7 : memref<8x128xf32, #tpu.memory_space<vmem>>) dst(%dma_wait3A_40 : memref<8x128xf32, #tpu.memory_space<hbm>>)
        tpu.yield
      }) : () -> ()
      %scan3A_34 = arith.constant 0 : i32
      scf.yield %scan3A_34 : i32
    }
    %scan3A_15 = arith.constant 2 : i32
    return
  }
}

</mosaic_0001>

<sc_bundles>
// kernel: kernel.3.cloned.1.call-start
scs
__scs_entry_jumppad:
0x0: {  	(pc) =	sbr.rel $0x88, $3  }
0x1: {  	(tag) =	ssettag $0x0;
	lr =	simm.s32 $0x1  }
0x2: {  	[smem:$0x3FA0] =	sst lr;
	_ =	strace $0xD0000000  }
0x3: {  	_ = 	snop  }
0x4: {  	_ = 	snop  }
0x5: {  	_ = 	snop  }
0x6: {  	_ = 	snop  }
0x7: {  	_ = 	snop  }
__scs_overlays_trampoline_lowered:
0x8: {  	[smem:$0x3FAF] =	sst s0  }
0x9: {  	[smem:$0x3FB0] =	sst s1  }
0xa: {  	[smem:$0x3FB1] =	sst s2  }
0xb: {  	[smem:$0x3FB2] =	sst s3  }
0xc: {  	[smem:$0x3FB3] =	sst s4  }
0xd: {  	[smem:$0x3FB4] =	sst s5  }
0xe: {  	[smem:$0x3FB5] =	sst s6  }
0xf: {  	[smem:$0x3FB6] =	sst s7  }
0x10: {  	[smem:$0x3FB7] =	sst s8  }
0x11: {  	[smem:$0x3FB8] =	sst s9;
	s0 =	simm.s32 @!p0 $0x0  }
0x12: {  	s1 =	sld [smem:$0x3F9E];
	s0 =	simm.s32 @p0 $0x1  }
0x13: {  	[smem:$0x3FB9] =	sst s0;
	s0 =	simm.s32 @!p1 $0x0  }
0x14: {  	s2 =	sld [smem:$0x3F9D];
	s0 =	simm.s32 @p1 $0x1  }
0x15: {  	[smem:$0x3FBA] =	sst s0;
	s0 =	simm.s32 @!p2 $0x0  }
0x16: {  	s3 =	sld [smem:$0x3FDB];
	s0 =	simm.s32 @p2 $0x1  }
0x17: {  	s4 =	simm.s32 $0x1BF5;
	[smem:$0x3FBC] =	sst s0  }
0x18: {  	s0 =	sld [smem:$0x3F9F];
	_ =	swait.ge [sflag:s4], $0x0  }
0x19: {  	s7 =	sld [smem:$0x3FA0]  }
0x1a: {  	s8 =	sadd.s32 $0xFFFFE003, lr  }
0x1b: {  	s9 =	sadd.s32 $0xFFFFFEF7, lr;
	s5 =	simm.s32 $0xFFFFFFFF;
	p2 =	slt.u32 s8, $0xFFFFF086  }
0x1c: {  	p1 =	slt.u32 s9, $0xF7A;
	s5 =	simm.s32 @!p2 $0x0  }
0x1d: {  	s5 =	simm.s32 @p1 $0x1;
	p0 =	seq.s32 s7, s2  }
0x1e: {  	s7 =	smul.u32 @!p0 $0xF7A, s2;
	p2 =	seq.s32 @!p0 s5, $0x0  }
0x1f: {  	s9 =	smul.u32 $0xF7A, s1;
	s8 =	simm.s32 @!p0 $0x1BF5;
	p2 =	por !p2, p0  }
0x20: {  	[sflag:s8] =	ssyncset.s32 @!p0 $0xFFFFF086;
	s6 =	sadd.s32 @!p0 s3, s7;
	s7 =	simm.s32 @!p0 $0x108  }
0x21: {  	s3 =	sadd.s32 s3, s9;
	s6 =	sadd.s32 @!p0 $0x88, s6;
	s7 =	simm.s32 @p2 $0x1082  }
0x22: {  	[simem:s7], [sflag:s8] =	dma.local @!p0 [hbm:s6], $0xF7A  }
0x23: {  	s9 =	sor.u32 $0xD0000000, s2;
	s6 =	simm.s32 $0x108;
	_ =	swait.ge @!p0 [sflag:s8], $0x0  }
0x24: {  	s3 =	sadd.s32 $0x88, s3;
	s6 =	simm.s32 @!p1 $0x1082;
	[sflag:s4] =	ssyncset.s32 $0xFFFFF086  }
0x25: {  	[simem:s6], [sflag:s4] =	dma.local [hbm:s3], $0xF7A  }
0x26: {  	[smem:$0x3FA0] =	sst s1;
	(tag) =	ssettag s2;
	_ =	strace s9  }
0x27: {  	s1 =	sld [smem:$0x3FB0]  }
0x28: {  	s2 =	sld [smem:$0x3FB1]  }
0x29: {  	s4 =	sld [smem:$0x3FB3]  }
0x2a: {  	p0 =	seq.s32 s5, $0x0;
	s5 =	sld [smem:$0x3FB4]  }
0x2b: {  	s6 =	sld [smem:$0x3FB5]  }
0x2c: {  	s7 =	sld [smem:$0x3FB6]  }
0x2d: {  	s3 =	simm.s32 $0x108;
	s8 =	sld [smem:$0x3FB7]  }
0x2e: {  	s3 =	simm.s32 @!p0 $0x1082;
	s9 =	sld [smem:$0x3FB8]  }
0x2f: {  	lr =	sadd.s32 s0, s3;
	s0 =	sld [smem:$0x3FAF]  }
0x30: {  	s3 =	sld [smem:$0x3FB2]  }
0x31: {  	[smem:$0x3FBB] =	sst s10  }
0x32: {  	s10 =	sld [smem:$0x3FB9];
	_ =	sdelay $0x3  }
0x33: {  	p0 =	seq.s32 s10, $0x1;
	s10 =	sld [smem:$0x3FBB];
	_ =	sdelay $0x3  }
0x34: {  	[smem:$0x3FBB] =	sst s10  }
0x35: {  	s10 =	sld [smem:$0x3FBA];
	_ =	sdelay $0x3  }
0x36: {  	p1 =	seq.s32 s10, $0x1;
	s10 =	sld [smem:$0x3FBB];
	_ =	sdelay $0x3  }
0x37: {  	[smem:$0x3FBB] =	sst s10  }
0x38: {  	s10 =	sld [smem:$0x3FBC]  }
0x39: {  	_ = 	snop;
	(pc) =	sbr.ind lr, $3  }
0x3a: {  	_ = 	snop  }
0x3b: {  	_ = 	snop  }
0x3c: {  	p2 =	seq.s32 s10, $0x1;
	s10 =	sld [smem:$0x3FBB]  }
0x3d: {  	_ =	shalt  }
0x3e: {  	_ =	shalt  }
0x3f: {  	_ =	shalt  }
0x40: {  	_ =	shalt  }
0x41: {  	_ =	shalt  }
0x42: {  	_ =	shalt  }
0x43: {  	_ =	shalt  }
0x44: {  	_ =	shalt  }
0x45: {  	_ =	shalt  }
0x46: {  	_ =	shalt  }
0x47: {  	_ =	shalt  }
0x48: {  	_ =	shalt  }
0x49: {  	_ =	shalt  }
0x4a: {  	_ =	shalt  }
0x4b: {  	_ =	shalt  }
0x4c: {  	_ =	shalt  }
0x4d: {  	_ =	shalt  }
0x4e: {  	_ =	shalt  }
0x4f: {  	_ =	shalt  }
0x50: {  	_ =	shalt  }
0x51: {  	_ =	shalt  }
0x52: {  	_ =	shalt  }
0x53: {  	_ =	shalt  }
0x54: {  	_ =	shalt  }
0x55: {  	_ =	shalt  }
0x56: {  	_ =	shalt  }
0x57: {  	_ =	shalt  }
0x58: {  	_ =	shalt  }
0x59: {  	_ =	shalt  }
0x5a: {  	_ =	shalt  }
0x5b: {  	_ =	shalt  }
0x5c: {  	_ =	shalt  }
0x5d: {  	_ =	shalt  }
0x5e: {  	_ =	shalt  }
0x5f: {  	_ =	shalt  }
0x60: {  	_ =	shalt  }
0x61: {  	_ =	shalt  }
0x62: {  	_ =	shalt  }
0x63: {  	_ =	shalt  }
0x64: {  	_ =	shalt  }
0x65: {  	_ =	shalt  }
0x66: {  	_ =	shalt  }
0x67: {  	_ =	shalt  }
0x68: {  	_ =	shalt  }
0x69: {  	_ =	shalt  }
0x6a: {  	_ =	shalt  }
0x6b: {  	_ =	shalt  }
0x6c: {  	_ =	shalt  }
0x6d: {  	_ =	shalt  }
0x6e: {  	_ =	shalt  }
0x6f: {  	_ =	shalt  }
0x70: {  	_ =	shalt  }
0x71: {  	_ =	shalt  }
0x72: {  	_ =	shalt  }
0x73: {  	_ =	shalt  }
0x74: {  	_ =	shalt  }
0x75: {  	_ =	shalt  }
0x76: {  	_ =	shalt  }
0x77: {  	_ =	shalt  }
0x78: {  	_ =	shalt  }
0x79: {  	_ =	shalt  }
0x7a: {  	_ =	shalt  }
0x7b: {  	_ =	shalt  }
0x7c: {  	_ =	shalt  }
0x7d: {  	_ =	shalt  }
0x7e: {  	_ =	shalt  }
0x7f: {  	_ =	shalt  }
0x80: {  	_ =	shalt  }
0x81: {  	_ =	shalt  }
0x82: {  	_ =	shalt  }
0x83: {  	_ =	shalt  }
0x84: {  	_ =	shalt  }
0x85: {  	_ =	shalt  }
0x86: {  	_ =	shalt  }
0x87: {  	_ =	shalt  }
.Lfunc_end0:
.L_simem_size_0:
called_computation_lowered:
.L_overlay_start_0:
0x88: {  	s2 =	sld [smem:$0x3FD9]  }
0x89: {  	s3 =	sld [smem:$0x3FFE];
	_ =	sdelay $0x1  }
0x8a: {  	s1 =	srdreg.scid  }
0x8b: {  	s0 =	sand.u32 $0x1, s1  }
0x8c: {  	s15 =	sshll.u32 s0, $0xA;
	s2 =	sadd.s32 s3, s2  }
0x8d: {  	s2 =	sadd.s32 s2, s15  }
0x8e: {  	[smem:$0x3FC7] =	sst s2  }
0x8f: {  	_ = 	snop  }
0x90: {  	s2 =	sld [smem:$0x3FD0];
	_ =	sdelay $0x2  }
0x91: {  	s4 =	simm.s32 $0xA;
	s5 =	simm.s32 $0x10;
	s16 =	sld [smem:$0x3FC9]  }
0x92: {  	[smem:s5], [sflag:s4] =	dma.local [hbm:s2], $0x1  }
0x93: {  	_ =	swait.eq [sflag:s4], $0x1  }
0x94: {  	[sflag:s4] =	ssyncset.done $0x0  }
0x95: {  	s17 =	sld [smem:$0x10];
	[sflag:s4] =	ssyncadd.s32 $0xFFFFFFFF  }
0x96: {  	s18 =	sld [smem:$0x11];
	(tm) =	ssettm $0x1  }
0x97: {  	s19 =	sld [smem:$0x3FFB];
	_ =	sdelay $0x3  }
0x98: {  	_ =	strace s19  }
0x99: {  	s5 =	sld [smem:$0x3FFC];
	_ =	sdelay $0x3  }
0x9a: {  	_ =	strace s5  }
0x9b: {  	s5 =	sld [smem:$0x3FFD];
	_ =	sdelay $0x3  }
0x9c: {  	_ =	strace s5  }
0x9d: {  	_ =	strace $0x8FFFFFFF  }
0x9e: {  	s20 =	sld [smem:$0x3FDB];
	_ =	sdelay $0x1  }
0x9f: {  	s6 =	simm.s32 $_scs_section_size  }
0xa0: {  	s7 =	simm.s32 $_size__tile_overlayer_lowered;
	s8 =	simm.s32 $_tile_overlayer_lowered  }
0xa1: {  	s23 =	simm.s32 $0x1BFF;
	s22 =	sshll.u32 s8, $0x1;
	s5 =	sadd.s32 s6, s20  }
0xa2: {  	s9 =	simm.s32 $0x0;
	s21 =	sshll.u32 s7, $0x1;
	s7 =	sadd.s32 s22, s5  }
0xa3: {  	[timem:s9], [sflag:s23] =	dma.local [hbm:s7], s21  }
0xa4: {  	_ =	swait.ge [sflag:s23], s21  }
0xa5: {  	s6 =	ssub.s32 $0x0, s21;
	[sflag:s23] =	ssyncset.done $0x0  }
0xa6: {  	[sflag:s23] =	ssyncadd.s32 s6;
	_ =	sdelay $0x1  }
0xa7: {  	s24 =	simm.s32 $0x1B8B  }
0xa8: {  	_ =	swait.ge [sflag:s24], $0x1  }
0xa9: {  	[sflag:s24] =	ssyncset.done $0x0  }
0xaa: {  	s25 =	simm.s32 $0x1B8E;
	[sflag:s24] =	ssyncadd.s32 $0xFFFFFFFF  }
0xab: {  	s26 =	simm.s32 $execute0_lowered;
	[smem:$0x3FD2] =	sst s25  }
0xac: {  	s6 =	sshll.u32 s26, $0x1;
	_ =	strace $0x80000046;
	[dreg:$0x1] =	wrdreg $0xFFFFFFFF  }
0xad: {  	s28 =	simm.s32 $_size_execute0_lowered;
	s5 =	sadd.s32 s5, s6;
	[dreg:$0x0] =	wrdreg $0x0  }
0xae: {  	s6 =	sshll.u32 s28, $0x1;
	[dreg:$0x2] =	wrdreg s5  }
0xaf: {  	[dreg:$0x3] =	wrdreg s6  }
0xb0: {  	[dreg:$0x4] =	wrdreg $0xC0  }
0xb1: {  	_ =	task [dreg:s9], $0x5FFFF  }
0xb2: {  	[dreg:$0x1] =	wrdreg $0xFFFFFFFF  }
0xb3: {  	[dreg:$0x0] =	wrdreg $0x60  }
0xb4: {  	[dreg:$0x2] =	wrdreg s16  }
0xb5: {  	[dreg:$0x3] =	wrdreg s17  }
0xb6: {  	[dreg:$0x4] =	wrdreg s18  }
0xb7: {  	[dreg:$0x5] =	wrdreg $0x9  }
0xb8: {  	_ =	task.clear_ibuf [dreg:s9], $0x6FFFF;
	_ =	strace $0x90000046  }
0xb9: {  	s29 =	simm.s32 $0x9;
	_ =	strace $0x80000048  }
0xba: {  	_ =	swait.ge [sflag:s29], $0x1  }
0xbb: {  	[sflag:s29] =	ssyncadd.s32 $0xFFFFFFFF  }
0xbc: {  	_ =	strace $0x90000048  }
0xbd: {  	_ =	sfence  }
0xbe: {  	s30 =	sld [smem:$0x0];
	_ =	sdelay $0x2  }
0xbf: {  	s31 =	sshll.u32 s1, $0xD;
	s1 =	sshrl.u32 s1, $0x2  }
0xc0: {  	s3 =	sand.u32 $0x4000, s31;
	s1 =	sadd.s32 s1, s30  }
0xc1: {  	s0 =	sor.u32 s3, s0;
	s1 =	sshll.u32 s1, $0x11  }
0xc2: {  	s0 =	sor.u32 s1, s0  }
0xc3: {  	s0 =	sadd.s32 $0x8F2B, s0  }
0xc4: {  	[sflag:s0] =	ssyncadd.remote.s32 $0x1  }
0xc5: {  	_ =	sfence.sel $0xFFFF  }
0xc6: {  	[dreg:$0x0] =	wrdreg $0xFFFFFFFF;
	(pc) =	sbr.abs _section_cstart, $3  }
0xc7: {  	[dreg:$0x1] =	wrdreg $0xFFFFFFFF  }
0xc8: {  	_ =	task.clear_ibuf [dreg:s9], $0x2FFFF;
	_ =	strace $0x9FFFFFFF  }
0xc9: {  	(tm) =	ssettm $0x7FFFFFFF  }
tec
execute0_lowered:
.L_overlay_start_1:
0x0: {  	(tag) =	ssettag $0x1  }
0x1: {  	s5 =	rddreg [dreg:$0x0]  }
0x2: {  	s2 =	rddreg [dreg:$0x1]  }
0x3: {  	s3 =	rddreg [dreg:$0x2];
	s4 =	srdreg.scid  }
0x4: {  	s0 =	rddreg [dreg:$0x3];
	s1 =	stileid.u32;
	s10 =	simm.s32 $0x1  }
0x5: {  	s11 =	simm.s32 $0x8000;
	s12 =	simm.s32 $0x8400;
	s13 =	simm.s32 $0x0  }
0x6: {  	s6 =	sand.u32 $0x1, s4;
	s4 =	simm.s32 $0x0;
	s8 =	sshll.u32 s1, $0x1  }
0x7: {  	s7 =	ssub.s32 $0x2, s6;
	[smem:$0x7FF] =	sst s4;
	s6 =	sor.u32 s6, s8  }
0x8: {  	s9 =	sshrl.u32 s7, $0x1;
	_ =	strace $0x80000047;
	s8 =	sshll.u32 s6, $0xA  }
0x9: {  	s6 =	sshll.u32 s6, $0x8;
	s7 =	ssub.s32 s7, s9;
	s5 =	sadd.s32 s5, s8  }
0xa: {  	s8 =	simm.s32 $0x1000;
	s9 =	simm.s32 $0x40000;
	s7 =	smax.u32 s7, $0x1  }
.LBB2_1:
0xb: {  	p1 =	por $0x1, $0x1;
	s14 =	simm.s32 $0x0  }
.LBB2_2:
0xc: {  	s15 =	sshll.u32 s14, $0x9  }
0xd: {  	s16 =	sadd.s32 s15, s5;
	s15 =	simm.s32 $0x0  }
0xe: {  	[tilespmem:s15], [sflag:$0x1] =	stream.strided.gather [hbm4b:s16+s8], $0x8000, s9, s8, $0x38;
	[tilespmem:$0x8800] =	vst v63  }
0xf: {  	_ =	swait.ge [sflag:s10], $0x8000  }
0x10: {  	p0 =	por p1, p1;
	[sflag:s10] =	ssyncset.done $0x0  }
0x11: {  	s17 =	simm.s32 $0x0;
	s16 =	simm.s32 $0x0;
	[sflag:s10] =	ssyncadd.s32 $0xFFFF8000  }
.LBB2_3:
0x12: {  	s18 =	sand.u32 $0x70, s15;
	s19 =	sand.u32 $0xC00, s16  }
0x13: {  	s19 =	sor.u32 s18, s19  }
0x14: {  	v24 =	vld [tilespmem:s19+$0x0]  }
0x15: {  	v6 =	vld [tilespmem:s19+$0x80];
	_ =	sdelay $0x3  }
0x16: {  	v7 =	vld [tilespmem:s19+$0x100];
	vm0 =	vgt.f32 v24, $-Inf  }
0x17: {  	vm8 =	vlt.f32 v6, $-Inf;
	vm1 =	vgt.f32 v6, $-Inf;
	v0 =	vnsel vm0, $0xFF800000, v24  }
0x18: {  	vm0 =	vmor vm1, vm8;
	vm2 =	vgt.f32 v6, v0  }
0x19: {  	v63 =	vld [tilespmem:s19+$0x180];
	v1 =	vnsel vm0, $0xFF800000, v6;
	vm9 =	vmneg vm2  }
0x1a: {  	v1 =	vsel vm9, v1, v0  }
0x1b: {  	v0 =	vsel vm9, v0, v6;
	vm3 =	vgt.f32 v7, v1  }
0x1c: {  	v23 =	vimm.s32 $0x0;
	v60 =	vld [tilespmem:s19+$0x200];
	vm10 =	vgt.f32 v7, v0;
	v1 =	vsel vm3, v7, v1  }
0x1d: {  	v5 =	vsel vm2, $0x1, v23;
	vm0 =	vmand vm0, vm9;
	v1 =	vsel vm10, v0, v1  }
0x1e: {  	v2 =	vsel vm0, $0x1, v23;
	v0 =	vsel vm10, v7, v0;
	vm11 =	vgt.f32 v63, v1  }
0x1f: {  	v18 =	vld [tilespmem:s19+$0x280];
	v2 =	vsel vm3, $0x2, v2;
	vm12 =	vgt.f32 v63, v0;
	v1 =	vsel vm11, v63, v1  }
0x20: {  	v2 =	vsel vm10, v5, v2;
	v1 =	vsel vm12, v0, v1  }
0x21: {  	v5 =	vsel vm10, $0x2, v5;
	v0 =	vsel vm12, v63, v0;
	vm13 =	vgt.f32 v60, v1  }
0x22: {  	v59 =	vld [tilespmem:s19+$0x300];
	v2 =	vsel vm11, $0x3, v2;
	vm14 =	vgt.f32 v60, v0;
	v1 =	vsel vm13, v60, v1  }
0x23: {  	s20 =	sor.u32 s16, s15;
	v2 =	vsel vm12, v5, v2;
	v5 =	vsel vm12, $0x3, v5;
	v1 =	vsel vm14, v0, v1  }
0x24: {  	s20 =	sor.u32 $0x380, s20;
	v2 =	vsel vm13, $0x4, v2;
	v0 =	vsel vm14, v60, v0;
	vm15 =	vgt.f32 v18, v1  }
0x25: {  	v11 =	vld [tilespmem:s20+$0x0];
	v2 =	vsel vm14, v5, v2;
	vm4 =	vgt.f32 v18, v0;
	v1 =	vsel vm15, v18, v1  }
0x26: {  	v5 =	vsel vm14, $0x4, v5;
	v2 =	vsel vm15, $0x5, v2;
	v1 =	vsel vm4, v0, v1  }
0x27: {  	v0 =	vsel vm4, v18, v0;
	v2 =	vsel vm4, v5, v2;
	vm5 =	vgt.f32 v59, v1  }
0x28: {  	v10 =	vld [tilespmem:s19+$0x1000];
	v5 =	vsel vm4, $0x5, v5;
	vm6 =	vgt.f32 v59, v0;
	v1 =	vsel vm5, v59, v1  }
0x29: {  	v62 =	vld [tilespmem:s19+$0x2000];
	v2 =	vsel vm5, $0x6, v2;
	v1 =	vsel vm6, v0, v1;
	v0 =	vsel vm6, v59, v0  }
0x2a: {  	v2 =	vsel vm6, v5, v2;
	v5 =	vsel vm6, $0x6, v5;
	vm7 =	vgt.f32 v11, v1  }
0x2b: {  	v15 =	vld [tilespmem:s19+$0x1080];
	vm8 =	vgt.f32 v11, v0;
	v1 =	vsel vm7, v11, v1;
	v2 =	vsel vm7, $0x7, v2  }
0x2c: {  	v1 =	vsel vm8, v0, v1;
	v0 =	vsel vm8, v11, v0;
	v2 =	vsel vm8, v5, v2  }
0x2d: {  	v57 =	vld [tilespmem:s19+$0x2080];
	v5 =	vsel vm8, $0x7, v5;
	vm9 =	vgt.f32 v10, v1;
	vm10 =	vgt.f32 v10, v0  }
0x2e: {  	v1 =	vsel vm9, v10, v1;
	v2 =	vsel vm9, $0x8, v2;
	vm9 =	vlt.f32 v62, $-Inf  }
0x2f: {  	v1 =	vsel vm10, v0, v1;
	v0 =	vsel vm10, v10, v0;
	v2 =	vsel vm10, v5, v2  }
0x30: {  	v12 =	vld [tilespmem:s19+$0x1100];
	v5 =	vsel vm10, $0x8, v5;
	vm10 =	vgt.f32 v62, $-Inf;
	vm11 =	vgt.f32 v15, v1  }
0x31: {  	vm12 =	vgt.f32 v15, v0;
	vm1 =	vmor vm10, vm9;
	v1 =	vsel vm11, v15, v1  }
0x32: {  	v2 =	vsel vm11, $0x9, v2;
	vm11 =	vlt.f32 v57, $-Inf;
	v41 =	vnsel vm1, $0xFF800000, v62  }
0x33: {  	v14 =	vsel vm1, $0x10, v23;
	v1 =	vsel vm12, v0, v1;
	v0 =	vsel vm12, v15, v0  }
0x34: {  	v17 =	vld [tilespmem:s19+$0x1180];
	v2 =	vsel vm12, v5, v2;
	v5 =	vsel vm12, $0x9, v5;
	vm12 =	vgt.f32 v57, $-Inf  }
0x35: {  	v61 =	vld [tilespmem:s19+$0x2100];
	vm13 =	vgt.f32 v12, v1;
	vm14 =	vgt.f32 v12, v0;
	vm2 =	vmor vm12, vm11  }
0x36: {  	v1 =	vsel vm13, v12, v1;
	v2 =	vsel vm13, $0xA, v2;
	vm13 =	vgt.f32 v57, v41  }
0x37: {  	v13 =	vnsel vm2, $0xFF800000, v57;
	v19 =	vsel vm2, $0x11, v23;
	v1 =	vsel vm14, v0, v1  }
0x38: {  	v16 =	vld [tilespmem:s19+$0x1200];
	v0 =	vsel vm14, v12, v0;
	v2 =	vsel vm14, v5, v2;
	v5 =	vsel vm14, $0xA, v5  }
0x39: {  	v13 =	vsel vm13, v41, v13;
	v19 =	vsel vm13, v14, v19;
	v14 =	vsel vm13, $0x11, v14  }
0x3a: {  	vm15 =	vgt.f32 v17, v1;
	vm4 =	vgt.f32 v17, v0;
	vm14 =	vgt.f32 v61, v13  }
0x3b: {  	v26 =	vld [tilespmem:s19+$0x1280];
	v1 =	vsel vm15, v17, v1;
	v2 =	vsel vm15, $0xB, v2;
	v13 =	vsel vm14, v61, v13  }
0x3c: {  	v42 =	vsel vm14, $0x12, v19;
	v1 =	vsel vm4, v0, v1;
	v0 =	vsel vm4, v17, v0  }
0x3d: {  	v2 =	vsel vm4, v5, v2;
	v5 =	vsel vm4, $0xB, v5;
	vm5 =	vgt.f32 v16, v1  }
0x3e: {  	v25 =	vld [tilespmem:s19+$0x1300];
	vm6 =	vgt.f32 v16, v0;
	v1 =	vsel vm5, v16, v1;
	v2 =	vsel vm5, $0xC, v2  }
0x3f: {  	v1 =	vsel vm6, v0, v1;
	v0 =	vsel vm6, v16, v0;
	v2 =	vsel vm6, v5, v2  }
0x40: {  	v5 =	vsel vm6, $0xC, v5;
	vm7 =	vgt.f32 v26, v1;
	vm8 =	vgt.f32 v26, v0  }
0x41: {  	v1 =	vsel vm7, v26, v1;
	v2 =	vsel vm7, $0xD, v2;
	v8 =	vsel vm8, $0xD, v5  }
0x42: {  	v56 =	vld [tilespmem:s19+$0x2180];
	v1 =	vsel vm8, v0, v1;
	v2 =	vsel vm8, v5, v2;
	v0 =	vsel vm8, v26, v0  }
0x43: {  	v5 =	vsel vm13, v57, v41;
	vm0 =	vgt.f32 v25, v0;
	vm4 =	vgt.f32 v25, v1  }
0x44: {  	v9 =	vld [tilespmem:s19+$0x1380];
	vm15 =	vgt.f32 v61, v5;
	v1 =	vsel vm4, v25, v1;
	v2 =	vsel vm4, $0xE, v2  }
0x45: {  	v58 =	vld [tilespmem:s19+$0x2200];
	v13 =	vsel vm15, v5, v13;
	v20 =	vsel vm15, v61, v5;
	v19 =	vsel vm15, v14, v42  }
0x46: {  	v14 =	vsel vm15, $0x12, v14;
	v21 =	vsel vm0, $0xE, v8;
	v1 =	vsel vm0, v0, v1  }
0x47: {  	v2 =	vsel vm0, v8, v2;
	vm6 =	vgt.f32 v56, v13;
	vm7 =	vgt.f32 v56, v20  }
0x48: {  	v54 =	vld [tilespmem:s19+$0x2280];
	v0 =	vsel vm0, v25, v0;
	v13 =	vsel vm6, v56, v13;
	v19 =	vsel vm6, $0x13, v19  }
0x49: {  	vm0 =	vgt.f32 v9, v0;
	vm14 =	vgt.f32 v9, v1;
	v13 =	vsel vm7, v20, v13  }
0x4a: {  	v20 =	vsel vm7, v56, v20;
	v43 =	vsel vm7, v14, v19;
	vm8 =	vgt.f32 v58, v13  }
0x4b: {  	v55 =	vld [tilespmem:s19+$0x2300];
	v14 =	vsel vm7, $0x13, v14;
	vm9 =	vgt.f32 v58, v20;
	v13 =	vsel vm8, v58, v13  }
0x4c: {  	v1 =	vsel vm14, v9, v1;
	v2 =	vsel vm14, $0xF, v2;
	v13 =	vsel vm9, v20, v13  }
0x4d: {  	v3 =	vsel vm0, $0xF, v21;
	v44 =	vsel vm9, v58, v20;
	vm10 =	vgt.f32 v54, v13  }
0x4e: {  	v52 =	vld [tilespmem:s19+$0x2380];
	v8 =	vsel vm8, $0x14, v43;
	vm11 =	vgt.f32 v54, v44;
	v13 =	vsel vm10, v54, v13  }
0x4f: {  	v2 =	vsel vm0, v21, v2;
	v8 =	vsel vm9, v14, v8;
	v13 =	vsel vm11, v44, v13  }
0x50: {  	v14 =	vsel vm9, $0x14, v14;
	v19 =	vsel vm11, v54, v44;
	vm12 =	vgt.f32 v55, v13  }
0x51: {  	v53 =	vld [tilespmem:s19+$0x3000];
	v8 =	vsel vm10, $0x15, v8;
	vm13 =	vgt.f32 v55, v19;
	v13 =	vsel vm12, v55, v13  }
0x52: {  	v8 =	vsel vm11, v14, v8;
	v14 =	vsel vm11, $0x15, v14;
	v13 =	vsel vm13, v19, v13  }
0x53: {  	v8 =	vsel vm12, $0x16, v8;
	v19 =	vsel vm13, v55, v19;
	vm15 =	vgt.f32 v52, v13  }
0x54: {  	v50 =	vld [tilespmem:s19+$0x3080];
	v8 =	vsel vm13, v14, v8;
	vm6 =	vgt.f32 v52, v19;
	v13 =	vsel vm15, v52, v13  }
0x55: {  	v14 =	vsel vm13, $0x16, v14;
	v45 =	vsel vm15, $0x17, v8;
	v13 =	vsel vm6, v19, v13  }
0x56: {  	v19 =	vsel vm6, v52, v19;
	v46 =	vsel vm6, v14, v45;
	v45 =	vld [tilespmem:s19+$0x6000];
	vm7 =	vgt.f32 v53, v13  }
0x57: {  	v51 =	vld [tilespmem:s19+$0x3100];
	v8 =	vsel vm0, v0, v1;
	vm8 =	vgt.f32 v53, v19;
	v13 =	vsel vm7, v53, v13  }
0x58: {  	v39 =	vld [tilespmem:s19+$0x4000];
	v14 =	vsel vm6, $0x17, v14;
	v1 =	vsel vm7, $0x18, v46;
	v13 =	vsel vm8, v19, v13  }
0x59: {  	v19 =	vsel vm8, v53, v19;
	v1 =	vsel vm8, v14, v1;
	vm9 =	vgt.f32 v50, v13  }
0x5a: {  	v14 =	vsel vm8, $0x18, v14;
	vm10 =	vgt.f32 v50, v19;
	v13 =	vsel vm9, v50, v13  }
0x5b: {  	v48 =	vld [tilespmem:s19+$0x3180];
	v1 =	vsel vm9, $0x19, v1;
	vm4 =	vlt.f32 v45, $-Inf;
	v13 =	vsel vm10, v19, v13  }
0x5c: {  	v36 =	vld [tilespmem:s19+$0x4080];
	v19 =	vsel vm10, v50, v19;
	v1 =	vsel vm10, v14, v1;
	v14 =	vsel vm10, $0x19, v14  }
0x5d: {  	vm10 =	vlt.f32 v39, $-Inf;
	vm11 =	vgt.f32 v51, v13;
	vm12 =	vgt.f32 v51, v19  }
0x5e: {  	v13 =	vsel vm11, v51, v13;
	v1 =	vsel vm11, $0x1A, v1;
	v20 =	vsel vm12, $0x1A, v14  }
0x5f: {  	v49 =	vld [tilespmem:s19+$0x3200];
	vm11 =	vgt.f32 v39, $-Inf;
	v47 =	vsel vm12, v19, v13;
	v19 =	vsel vm12, v51, v19  }
0x60: {  	v13 =	vsel vm0, v9, v0;
	v4 =	vsel vm12, v14, v1;
	vm1 =	vmor vm11, vm10  }
0x61: {  	vm12 =	vlt.f32 v36, $-Inf;
	vm13 =	vgt.f32 v48, v47;
	vm14 =	vgt.f32 v48, v19  }
0x62: {  	[tilespmem:$0x1FF60] =	vst v2;
	v44 =	vld [tilespmem:s19+$0x3280];
	v28 =	vnsel vm1, $0xFF800000, v39;
	v31 =	vsel vm1, $0x20, v23;
	v2 =	vsel vm13, v48, v47  }
0x63: {  	v22 =	vsel vm14, v48, v19;
	v0 =	vsel vm13, $0x1B, v4;
	vm13 =	vgt.f32 v36, $-Inf  }
0x64: {  	v5 =	vsel vm14, v19, v2;
	vm5 =	vgt.f32 v49, v22;
	v0 =	vsel vm14, v20, v0  }
0x65: {  	v2 =	vsel vm14, $0x1B, v20;
	vm2 =	vmor vm13, vm12;
	vm15 =	vgt.f32 v49, v5  }
0x66: {  	v37 =	vld [tilespmem:s19+$0x4100];
	v14 =	vsel vm5, v49, v22;
	v29 =	vnsel vm2, $0xFF800000, v36;
	v1 =	vsel vm15, v49, v5  }
0x67: {  	v0 =	vsel vm15, $0x1C, v0;
	vm7 =	vgt.f32 v44, v14;
	vm15 =	vgt.f32 v36, v28  }
0x68: {  	v1 =	vsel vm5, v22, v1;
	v0 =	vsel vm5, v2, v0;
	v2 =	vsel vm5, $0x1C, v2  }
0x69: {  	v47 =	vld [tilespmem:s19+$0x3300];
	v30 =	vsel vm15, v28, v29;
	v20 =	vsel vm15, v36, v28;
	v22 =	vsel vm2, $0x21, v23  }
0x6a: {  	v21 =	vsel vm15, $0x21, v31;
	vm6 =	vgt.f32 v44, v1;
	v35 =	vsel vm15, v31, v22  }
0x6b: {  	v1 =	vsel vm6, v44, v1;
	v0 =	vsel vm6, $0x1D, v0;
	vm6 =	vgt.f32 v37, v30  }
0x6c: {  	v41 =	vld [tilespmem:s19+$0x3380];
	v1 =	vsel vm7, v14, v1;
	v14 =	vsel vm7, v44, v14;
	v0 =	vsel vm7, v2, v0  }
0x6d: {  	v2 =	vsel vm7, $0x1D, v2;
	vm7 =	vgt.f32 v37, v20;
	v22 =	vsel vm6, $0x22, v35  }
0x6e: {  	vm8 =	vgt.f32 v47, v1;
	vm9 =	vgt.f32 v47, v14;
	v38 =	vsel vm7, v21, v22  }
0x6f: {  	v21 =	vsel vm7, $0x22, v21;
	v1 =	vsel vm8, v47, v1;
	v0 =	vsel vm8, $0x1E, v0  }
0x70: {  	v27 =	vsel vm9, v47, v14;
	v1 =	vsel vm9, v14, v1;
	v0 =	vsel vm9, v2, v0  }
0x71: {  	v32 =	vld [tilespmem:s19+$0x4180];
	v2 =	vsel vm9, $0x1E, v2;
	vm0 =	vgt.f32 v41, v27;
	vm14 =	vgt.f32 v41, v1  }
0x72: {  	[tilespmem:$0x1FF30] =	vst v3;
	v3 =	vsel vm0, v41, v27;
	v40 =	vsel vm0, $0x1F, v2;
	v1 =	vsel vm14, v41, v1  }
0x73: {  	v34 =	vld [tilespmem:s19+$0x4200];
	v0 =	vsel vm14, $0x1F, v0;
	[tilespmem:$0x1FF70] =	vst v40;
	v40 =	vimm.s32 $0x0;
	v14 =	vsel vm0, v27, v1  }
0x74: {  	v1 =	vsel vm6, v37, v30;
	v0 =	vsel vm0, v2, v0;
	v27 =	vld [tilespmem:s19+$0x6080];
	vm6 =	vgt.f32 v45, $-Inf  }
0x75: {  	v1 =	vsel vm7, v20, v1;
	v20 =	vsel vm7, v37, v20;
	vm4 =	vmor vm6, vm4  }
0x76: {  	vm8 =	vgt.f32 v32, v1;
	vm9 =	vgt.f32 v32, v20;
	v28 =	vnsel vm4, $0xFF800000, v45  }
0x77: {  	v1 =	vsel vm8, v32, v1;
	v19 =	vsel vm8, $0x23, v38;
	v43 =	vsel vm9, $0x23, v21  }
0x78: {  	v46 =	vld [tilespmem:s19+$0x6100];
	v1 =	vsel vm9, v20, v1;
	v20 =	vsel vm9, v32, v20;
	v42 =	vsel vm9, v21, v19  }
0x79: {  	v30 =	vld [tilespmem:s19+$0x4280];
	vm10 =	vgt.f32 v34, v1;
	vm11 =	vgt.f32 v34, v20;
	vm7 =	vlt.f32 v27, $-Inf  }
0x7a: {  	vm8 =	vgt.f32 v27, $-Inf;
	vm1 =	vgt.f32 v27, v28;
	v1 =	vsel vm10, v34, v1  }
0x7b: {  	v2 =	vsel vm10, $0x24, v42;
	v19 =	vsel vm11, $0x24, v43;
	vm3 =	vmor vm8, vm7  }
0x7c: {  	v21 =	vsel vm1, v27, v28;
	v1 =	vsel vm11, v20, v1;
	v20 =	vsel vm11, v34, v20  }
0x7d: {  	v31 =	vld [tilespmem:s19+$0x4300];
	v2 =	vsel vm11, v43, v2;
	v33 =	vnsel vm3, $0xFF800000, v27;
	vm2 =	vgt.f32 v46, v21  }
0x7e: {  	v43 =	vimm.s32 $0x0;
	vm12 =	vgt.f32 v30, v1;
	vm13 =	vgt.f32 v30, v20  }
0x7f: {  	v38 =	vld [tilespmem:s19+$0x6180];
	v22 =	vsel vm1, v28, v33;
	v1 =	vsel vm12, v30, v1;
	v2 =	vsel vm12, $0x25, v2  }
0x80: {  	vm0 =	vgt.f32 v46, v22;
	v1 =	vsel vm13, v20, v1;
	v20 =	vsel vm13, v30, v20  }
0x81: {  	v2 =	vsel vm13, v19, v2;
	v19 =	vsel vm13, $0x25, v19;
	v22 =	vsel vm0, v46, v22  }
0x82: {  	v29 =	vld [tilespmem:s19+$0x4380];
	vm14 =	vgt.f32 v31, v1;
	vm15 =	vgt.f32 v31, v20;
	v22 =	vsel vm2, v21, v22  }
0x83: {  	[tilespmem:$0x1F8E0] =	vst v46;
	v21 =	vsel vm2, v46, v21;
	v46 =	vimm.s32 $0x0;
	v1 =	vsel vm14, v31, v1  }
0x84: {  	v4 =	vld [tilespmem:s19+$0x6200];
	v2 =	vsel vm14, $0x26, v2;
	vm7 =	vgt.f32 v38, v22;
	vm13 =	vgt.f32 v38, v21  }
0x85: {  	v1 =	vsel vm15, v20, v1;
	v2 =	vsel vm15, v19, v2;
	v20 =	vsel vm15, v31, v20  }
0x86: {  	v19 =	vsel vm15, $0x26, v19;
	v5 =	vsel vm7, $0xFFFFFFFF, v40;
	v22 =	vsel vm7, v38, v22  }
0x87: {  	v35 =	vld [tilespmem:s19+$0x5000];
	v42 =	vmovc v38;
	vm5 =	vgt.f32 v29, v20;
	vm9 =	vgt.f32 v29, v1;
	v22 =	vsel vm13, v21, v22  }
0x88: {  	[tilespmem:$0x1FF40] =	vst v0;
	v0 =	vld [tilespmem:s19+$0x6280];
	v21 =	vsel vm13, v42, v21;
	v1 =	vsel vm9, v29, v1;
	v2 =	vsel vm9, $0x27, v2  }
0x89: {  	vm11 =	vgt.f32 v4, v22;
	vm12 =	vgt.f32 v4, v21;
	v1 =	vsel vm5, v20, v1  }
0x8a: {  	v2 =	vsel vm5, v19, v2;
	v20 =	vsel vm5, v29, v20;
	v19 =	vsel vm5, $0x27, v19  }
0x8b: {  	[tilespmem:$0x1F840] =	vst v5;
	v5 =	vsel vm11, $0xFFFFFFFF, v43;
	v28 =	vsel vm11, v4, v22;
	v40 =	vsel vm12, v4, v21  }
0x8c: {  	v33 =	vld [tilespmem:s19+$0x5080];
	v43 =	vimm.s32 $0x0;
	vm10 =	vgt.f32 v35, v20;
	vm6 =	vgt.f32 v35, v1  }
0x8d: {  	v28 =	vsel vm12, v21, v28;
	vm11 =	vgt.f32 v0, v40;
	v1 =	vsel vm6, v35, v1  }
0x8e: {  	[tilespmem:$0x1F8D0] =	vst v45;
	v2 =	vsel vm6, $0x28, v2;
	vm15 =	vgt.f32 v0, v28;
	v1 =	vsel vm10, v20, v1  }
0x8f: {  	[tilespmem:$0x1F850] =	vst v5;
	v5 =	vld [tilespmem:s19+$0x6300];
	v2 =	vsel vm10, v19, v2;
	v20 =	vsel vm10, v35, v20;
	v19 =	vsel vm10, $0x28, v19  }
0x90: {  	[tilespmem:$0x1F900] =	vst v4;
	v45 =	vmovc v0;
	v4 =	vsel vm15, $0xFFFFFFFF, v46;
	v28 =	vsel vm15, v0, v28;
	v46 =	vimm.s32 $0x0  }
0x91: {  	[tilespmem:$0x1F8F0] =	vst v38;
	v38 =	vld [tilespmem:s19+$0x5100];
	vm5 =	vgt.f32 v33, v20;
	vm14 =	vgt.f32 v33, v1;
	v28 =	vsel vm11, v40, v28  }
0x92: {  	v40 =	vsel vm11, v45, v40;
	v1 =	vsel vm14, v33, v1;
	v22 =	vsel vm14, $0x29, v2  }
0x93: {  	[tilespmem:$0x1F870] =	vst v4;
	v2 =	vsel vm5, $0x29, v19;
	v42 =	vsel vm5, v20, v1;
	v4 =	vsel vm5, v19, v22  }
0x94: {  	[tilespmem:$0x1F9D0] =	vst v0;
	v0 =	vld [tilespmem:s19+$0x6380];
	vm14 =	vgt.f32 v5, v28;
	vm10 =	vgt.f32 v5, v40;
	v22 =	vsel vm3, $0x31, v23  }
0x95: {  	v1 =	vsel vm14, $0xFFFFFFFF, v43;
	v43 =	vsel vm5, v33, v20;
	v28 =	vsel vm14, v5, v28  }
0x96: {  	vm15 =	vgt.f32 v38, v42;
	v20 =	vimm.s32 $0x0;
	vm8 =	vgt.f32 v38, v43  }
0x97: {  	v21 =	vld [tilespmem:s19+$0x7000];
	[tilespmem:$0x1F880] =	vst v1;
	v45 =	vsel vm10, v40, v28;
	v1 =	vsel vm15, $0xFFFFFFFF, v46;
	v28 =	vsel vm10, v5, v40  }
0x98: {  	v40 =	vsel vm4, $0x30, v23;
	v46 =	vsel vm15, v38, v42;
	v23 =	vimm.s32 $0x0  }
0x99: {  	v42 =	vld [tilespmem:s19+$0x5180];
	vm14 =	vgt.f32 v0, v45;
	vm9 =	vgt.f32 v0, v28;
	v19 =	vsel vm1, v40, v22  }
0x9a: {  	[tilespmem:$0x1FA70] =	vst v5;
	v5 =	vld [tilespmem:s19+$0x7080];
	v40 =	vsel vm1, $0x31, v40;
	v46 =	vsel vm8, v43, v46;
	v45 =	vsel vm14, v0, v45  }
0x9b: {  	[tilespmem:$0x1F860] =	vst v1;
	v43 =	vsel vm8, v38, v43;
	v1 =	vsel vm14, $0xFFFFFFFF, v20;
	v45 =	vsel vm9, v28, v45  }
0x9c: {  	[tilespmem:$0x1FAE0] =	vst v0;
	v0 =	vsel vm9, v0, v28;
	v19 =	vsel vm0, $0x32, v19;
	vm15 =	vgt.f32 v21, v45  }
0x9d: {  	[tilespmem:$0x1F890] =	vst v1;
	vm6 =	vgt.f32 v21, v0;
	v28 =	vimm.s32 $0x0;
	v1 =	vsel vm15, $0xFFFFFFFF, v23  }
0x9e: {  	[tilespmem:$0x1FB60] =	vst v21;
	v20 =	vld [tilespmem:s19+$0x7100];
	v45 =	vsel vm15, v21, v45;
	vm15 =	vgt.f32 v42, v46;
	vm3 =	vgt.f32 v42, v43  }
0x9f: {  	v23 =	vimm.s32 $0x0;
	[tilespmem:$0x1F8A0] =	vst v1;
	v1 =	vsel vm6, v0, v45;
	v45 =	vld [tilespmem:s19+$0x5200];
	v0 =	vsel vm6, v21, v0;
	v21 =	vmovc v5  }
0xa0: {  	v46 =	vsel vm15, v42, v46;
	vm7 =	vgt.f32 v5, v1;
	vm5 =	vgt.f32 v21, v0  }
0xa1: {  	[tilespmem:$0x1FBF0] =	vst v5;
	v46 =	vsel vm3, v43, v46;
	v43 =	vsel vm3, v42, v43;
	v1 =	vsel vm7, v5, v1;
	v5 =	vld [tilespmem:s19+$0x7180]  }
0xa2: {  	v22 =	vsel vm7, $0xFFFFFFFF, v28;
	v1 =	vsel vm5, v0, v1;
	v0 =	vsel vm5, v21, v0  }
0xa3: {  	v28 =	vimm.s32 $0x0;
	vm14 =	vgt.f32 v20, v1;
	vm7 =	vgt.f32 v20, v0  }
0xa4: {  	[tilespmem:$0x1F8B0] =	vst v22;
	v22 =	vld [tilespmem:s19+$0x7200];
	v21 =	vsel vm14, $0xFFFFFFFF, v28;
	v1 =	vsel vm14, v20, v1;
	vm14 =	vgt.f32 v45, v46  }
0xa5: {  	v28 =	vimm.s32 $0x0;
	[tilespmem:$0x1F8C0] =	vst v21;
	v1 =	vsel vm7, v0, v1;
	v21 =	vld [tilespmem:s19+$0x5280];
	v0 =	vsel vm7, v20, v0  }
0xa6: {  	v46 =	vsel vm14, v45, v46;
	vm4 =	vgt.f32 v5, v1;
	vm0 =	vgt.f32 v5, v0  }
0xa7: {  	[tilespmem:$0x1FC80] =	vst v20;
	v20 =	vsel vm4, $0xFFFFFFFF, v28;
	v1 =	vsel vm4, v5, v1;
	vm4 =	vgt.f32 v45, v43  }
0xa8: {  	[tilespmem:$0x1FDE0] =	vst v20;
	v20 =	vimm.s32 $0x0;
	v46 =	vsel vm4, v43, v46;
	v1 =	vsel vm0, v0, v1  }
0xa9: {  	[tilespmem:$0x1FD10] =	vst v5;
	v0 =	vsel vm0, v5, v0;
	v20 =	vsel vm0, $0xFFFFFFFF, v20;
	vm0 =	vgt.f32 v22, v1  }
0xaa: {  	[tilespmem:$0x1FD80] =	vst v22;
	v28 =	vld [tilespmem:s19+$0x7280];
	v5 =	vsel vm0, $0xFFFFFFFF, v23;
	vm1 =	vgt.f32 v21, v46;
	v23 =	vimm.s32 $0x0  }
0xab: {  	[tilespmem:$0x1FE40] =	vst v5;
	v23 =	vsel vm1, $0xFFFFFFFF, v23  }
0xac: {  	v1 =	vsel vm0, v22, v1;
	vm0 =	vgt.f32 v22, v0;
	v5 =	vld [tilespmem:s19+$0x7300];
	[tilespmem:$0x1FE00] =	vst v23;
	v23 =	vimm.s32 $0x0  }
0xad: {  	v19 =	vsel vm2, v40, v19;
	v43 =	vsel vm4, v45, v43;
	[tilespmem:$0x1FE20] =	vst v20;
	v23 =	vsel vm0, $0xFFFFFFFF, v23  }
0xae: {  	v40 =	vsel vm2, $0x32, v40;
	v20 =	vld [tilespmem:s19+$0x5300];
	vm2 =	vgt.f32 v21, v43;
	[tilespmem:$0x1FE70] =	vst v23;
	v23 =	vimm.s32 $0x0  }
0xaf: {  	v1 =	vsel vm0, v0, v1;
	[tilespmem:$0x1FDB0] =	vst v28;
	v23 =	vsel vm2, $0xFFFFFFFF, v23  }
0xb0: {  	v0 =	vsel vm0, v22, v0;
	vm0 =	vgt.f32 v28, v1;
	[tilespmem:$0x1FE50] =	vst v23;
	v23 =	vimm.s32 $0x0  }
0xb1: {  	v46 =	vsel vm1, v21, v46;
	[tilespmem:$0x1FDC0] =	vst v5;
	v23 =	vsel vm0, $0xFFFFFFFF, v23  }
0xb2: {  	v22 =	vld [tilespmem:s19+$0x5380];
	v46 =	vsel vm2, v43, v46;
	[tilespmem:$0x1FE80] =	vst v23  }
0xb3: {  	vm1 =	vgt.f32 v20, v46;
	v23 =	vld [tilespmem:s19+$0x7380];
	[tilespmem:$0x1F830] =	vst v2;
	v2 =	vimm.s32 $0x0  }
0xb4: {  	v2 =	vsel vm1, $0xFFFFFFFF, v2  }
0xb5: {  	[tilespmem:$0x1FEA0] =	vst v2  }
0xb6: {  	v2 =	vld [tilespmem:$0x1F830];
	_ =	sdelay $0x3  }
0xb7: {  	v43 =	vsel vm2, v21, v43;
	v1 =	vsel vm0, v28, v1;
	vm0 =	vgt.f32 v28, v0  }
0xb8: {  	v1 =	vsel vm0, v0, v1;
	v0 =	vsel vm0, v28, v0;
	[tilespmem:$0x1F830] =	vst v2;
	v2 =	vimm.s32 $0x0  }
0xb9: {  	v28 =	vimm.s32 $0x0;
	v2 =	vsel vm0, $0xFFFFFFFF, v2;
	vm0 =	vgt.f32 v20, v43  }
0xba: {  	[tilespmem:$0x1FEB0] =	vst v2;
	v28 =	vsel vm0, $0xFFFFFFFF, v28  }
0xbb: {  	v46 =	vsel vm1, v20, v46;
	vm1 =	vgt.f32 v5, v1;
	v2 =	vld [tilespmem:$0x1F830];
	[tilespmem:$0x1FED0] =	vst v28;
	v28 =	vimm.s32 $0x0  }
0xbc: {  	v1 =	vsel vm1, v5, v1;
	v28 =	vsel vm1, $0xFFFFFFFF, v28  }
0xbd: {  	v46 =	vsel vm0, v43, v46;
	vm1 =	vgt.f32 v5, v0;
	[tilespmem:$0x1FEC0] =	vst v28;
	v28 =	vimm.s32 $0x0  }
0xbe: {  	v43 =	vsel vm0, v20, v43;
	vm0 =	vgt.f32 v22, v46;
	v28 =	vsel vm1, $0xFFFFFFFF, v28  }
0xbf: {  	v46 =	vsel vm0, v22, v46;
	v1 =	vsel vm1, v0, v1;
	[tilespmem:$0x1FEE0] =	vst v28;
	v28 =	vimm.s32 $0x0  }
0xc0: {  	v0 =	vsel vm1, v5, v0;
	vm1 =	vgt.f32 v22, v43;
	v28 =	vsel vm0, $0xFFFFFFFF, v28  }
0xc1: {  	v46 =	vsel vm1, v43, v46;
	vm0 =	vgt.f32 v23, v1;
	[tilespmem:$0x1FEF0] =	vst v28;
	v28 =	vimm.s32 $0x0  }
0xc2: {  	v43 =	vsel vm1, v22, v43;
	v5 =	vsel vm0, $0xFFFFFFFF, v28;
	v28 =	vimm.s32 $0x0  }
0xc3: {  	v1 =	vsel vm0, v23, v1;
	vm0 =	vgt.f32 v23, v0;
	[tilespmem:$0x1FF00] =	vst v5;
	v5 =	vsel vm1, $0xFFFFFFFF, v28  }
0xc4: {  	[tilespmem:$0x1FDD0] =	vst v23;
	v28 =	vimm.s32 $0x0;
	v1 =	vsel vm0, v0, v1;
	v0 =	vsel vm0, v23, v0  }
0xc5: {  	vm1 =	vgt.f32 v14, v13;
	v23 =	vimm.s32 $0x0;
	[tilespmem:$0x1FF10] =	vst v5;
	v5 =	vsel vm0, $0xFFFFFFFF, v28  }
0xc6: {  	vm0 =	vgt.f32 v3, v13;
	v28 =	vimm.s32 $0x0;
	v14 =	vsel vm1, v14, v13  }
0xc7: {  	[tilespmem:$0x1FF20] =	vst v5;
	v5 =	vsel vm0, $0xFFFFFFFF, v28;
	v13 =	vsel vm0, v3, v13;
	v28 =	vimm.s32 $0x0  }
0xc8: {  	[tilespmem:$0x1FF90] =	vst v5;
	v5 =	vsel vm1, $0xFFFFFFFF, v23;
	vm1 =	vgt.f32 v3, v8;
	v23 =	vimm.s32 $0x0  }
0xc9: {  	[tilespmem:$0x1FF50] =	vst v5;
	v5 =	vsel vm1, $0xFFFFFFFF, v28;
	v3 =	vsel vm1, v3, v8;
	vm1 =	vgt.f32 v1, v43  }
0xca: {  	vm2 =	vgt.f32 v0, v46;
	[tilespmem:$0x1FF80] =	vst v5;
	v5 =	vsel vm1, $0xFFFFFFFF, v23;
	v23 =	vld [tilespmem:$0x1F840]  }
0xcb: {  	v46 =	vsel vm2, v0, v46;
	v28 =	vimm.s32 $0x0;
	v8 =	vimm.s32 $0x0  }
0xcc: {  	v1 =	vsel vm1, v1, v43;
	vm1 =	vgt.f32 v0, v43;
	v3 =	vsel vm0, v14, v3  }
0xcd: {  	v14 =	vimm.s32 $0x0;
	[tilespmem:$0x1FFA0] =	vst v5;
	v5 =	vsel vm2, $0xFFFFFFFF, v28;
	v0 =	vsel vm1, v0, v43  }
0xce: {  	v1 =	vsel vm1, v1, v46;
	v43 =	vimm.s32 $0x0;
	v46 =	vimm.s32 $0x0  }
0xcf: {  	[tilespmem:$0x1FFB0] =	vst v5;
	v5 =	vsel vm1, $0xFFFFFFFF, v14;
	vm1 =	vgt.f32 v1, v13;
	vm0 =	vnez.u8 v23  }
0xd0: {  	[tilespmem:$0x1FFC0] =	vst v5;
	v5 =	vsel vm1, $0xFFFFFFFF, v43;
	v28 =	vsel vm0, $0x33, v19;
	vm0 =	vgt.f32 v0, v3  }
0xd1: {  	v1 =	vsel vm1, v1, v13;
	[tilespmem:$0x1FFD0] =	vst v5;
	v23 =	vsel vm13, $0x33, v40;
	v5 =	vsel vm0, $0xFFFFFFFF, v46  }
0xd2: {  	v3 =	vsel vm0, v0, v3;
	vm0 =	vgt.f32 v0, v13;
	v19 =	vsel vm13, v40, v28;
	v28 =	vld [tilespmem:$0x1F850]  }
0xd3: {  	v40 =	vld [tilespmem:$0x1F860];
	[tilespmem:$0x1FFF0] =	vst v5;
	v5 =	vsel vm0, $0xFFFFFFFF, v8;
	v8 =	vsel vm0, v0, v13;
	v13 =	vsel vm0, v1, v3  }
0xd4: {  	v14 =	vsub.f32 v8, v13  }
0xd5: {  	v43 =	vld [tilespmem:$0x1F870]  }
0xd6: {  	v46 =	vmul.f32 $1.442695020e+00, v14  }
0xd7: {  	v1 =	vsel vm12, $0x34, v23;
	vm13 =	vnez.u8 v28  }
0xd8: {  	v28 =	vld [tilespmem:$0x1F880];
	v0 =	vsel vm13, $0x34, v19;
	vm13 =	vnez.u8 v40;
	(erf) = vpow2.f32 v46  }
0xd9: {  	v19 =	vsub.f32 v6, v8;
	v3 =	vsel vm13, $0x2A, v4;
	v0 =	vsel vm12, v23, v0  }
0xda: {  	v40 =	vld [tilespmem:$0x1F890];
	v4 =	vsub.f32 v24, v8;
	vm13 =	vnez.u8 v43;
	v24 =	vand.u32 $0x7FFFFFFF, v24  }
0xdb: {  	v46 =	vld [tilespmem:$0x1F8B0];
	v0 =	vsel vm13, $0x35, v0;
	v3 =	vsel vm8, v2, v3;
	v2 =	vsel vm8, $0x2A, v2  }
0xdc: {  	v43 =	vld [tilespmem:$0x1F8A0];
	v0 =	vsel vm11, v1, v0;
	v23 =	vmul.f32 $1.442695020e+00, v4;
	v3 =	vsel vm15, $0x2B, v3  }
0xdd: {  	v1 =	vsel vm11, $0x35, v1;
	vm11 =	vnez.u8 v28;
	v3 =	vsel vm3, v2, v3  }
0xde: {  	v2 =	vsel vm3, $0x2B, v2;
	v0 =	vsel vm11, $0x36, v0;
	(erf) = vpow2.f32 v23  }
0xdf: {  	vm12 =	vnez.u8 v40;
	v3 =	vsel vm14, $0x2C, v3;
	v40 =	vsub.f32 v7, v8  }
0xe0: {  	vm15 =	vnez.u8 v46;
	v46 =	vmax.f32 v24, v8;
	v0 =	vsel vm10, v1, v0  }
0xe1: {  	v28 =	vld [tilespmem:$0x1F8C0];
	v1 =	vsel vm10, $0x36, v1;
	vm13 =	vnez.u8 v43;
	v0 =	vsel vm12, $0x37, v0  }
0xe2: {  	v43 =	vmul.f32 $1.442695020e+00, v19;
	v3 =	vsel vm4, v2, v3;
	v0 =	vsel vm9, v1, v0  }
0xe3: {  	v23 =	vmul.f32 $1.442695020e+00, v40;
	v1 =	vsel vm9, $0x37, v1;
	v0 =	vsel vm13, $0x38, v0  }
0xe4: {  	v2 =	vsel vm4, $0x2C, v2;
	(erf) = vpow2.f32 v43;
	v0 =	vsel vm6, v1, v0  }
0xe5: {  	(erf) = vpow2.f32 v23;
	v1 =	vsel vm6, $0x38, v1;
	v0 =	vsel vm15, $0x39, v0  }
0xe6: {  	[tilespmem:$0x1FFE0] =	vst v5;
	v23 =	vmax.f32 v24, v13;
	vm6 =	vnez.u8 v28;
	v0 =	vsel vm5, v1, v0  }
0xe7: {  	[tilespmem:$0x1FE10] =	vst v3;
	v24 =	vsub.f32 v63, v8;
	v1 =	vsel vm5, $0x39, v1;
	v0 =	vsel vm6, $0x3A, v0  }
0xe8: {  	[tilespmem:$0x1FE60] =	vst v2;
	v43 =	vpop (erf);
	v3 =	vmul.f32 $-1.999999960e-02, v23;
	v28 =	vadd.f32 v14, v4;
	v0 =	vsel vm7, v1, v0  }
0xe9: {  	v5 =	vpop (erf);
	v1 =	vsel vm7, $0x3A, v1;
	[tilespmem:$0x1FDF0] =	vst v0;
	v0 =	vmul.f32 $-1.999999960e-02, v46;
	v46 =	vsub.f32 v60, v8  }
0xea: {  	v6 =	vand.u32 $0x7FFFFFFF, v6;
	v2 =	vadd.f32 $0.0e+00, v5;
	[tilespmem:$0x1FE30] =	vst v1;
	v1 =	vmul.f32 $1.442695020e+00, v24  }
0xeb: {  	vm8 =	vlt.f32 v28, v3;
	vm7 =	vlt.f32 v4, v0;
	v5 =	vmul.f32 $1.442695020e+00, v46  }
0xec: {  	v28 =	vsel vm8, $0x0, v2;
	(erf) = vpow2.f32 v1;
	v0 =	vand.u32 $0x7FFFFFFF, v7  }
0xed: {  	v7 =	vmax.f32 v6, v8;
	v1 =	vmax.f32 v6, v13;
	v23 =	vsel vm7, $0x0, v2  }
0xee: {  	[tilespmem:$0x1FE90] =	vst v43;
	v2 =	vmul.f32 $-1.999999960e-02, v7;
	v43 =	vmax.f32 v0, v8;
	v1 =	vmul.f32 $-1.999999960e-02, v1  }
0xef: {  	v3 =	vpop (erf);
	v0 =	vmax.f32 v0, v13;
	v7 =	vadd.f32 v14, v19;
	(erf) = vpow2.f32 v5  }
0xf0: {  	v3 =	vadd.f32 $0.0e+00, v3;
	v4 =	vmul.f32 $-1.999999960e-02, v43;
	v0 =	vmul.f32 $-1.999999960e-02, v0  }
0xf1: {  	v5 =	vsub.f32 v18, v8;
	vm9 =	vlt.f32 v19, v2;
	vm10 =	vlt.f32 v7, v1  }
0xf2: {  	v19 =	vand.u32 $0x7FFFFFFF, v63;
	v2 =	vand.u32 $0x7FFFFFFF, v60;
	vm11 =	vlt.f32 v40, v4  }
0xf3: {  	v43 =	vpop (erf);
	v4 =	vsel vm10, $0x0, v3;
	v1 =	vmax.f32 v19, v13;
	v63 =	vmax.f32 v2, v8  }
0xf4: {  	v6 =	vadd.f32 $0.0e+00, v43;
	v43 =	vadd.f32 v14, v40;
	v40 =	vsel vm9, $0x0, v3  }
0xf5: {  	v3 =	vsub.f32 v59, v8;
	v1 =	vmul.f32 $-1.999999960e-02, v1;
	[tilespmem:$0x1F930] =	vst v40;
	v40 =	vmul.f32 $1.442695020e+00, v5  }
0xf6: {  	[tilespmem:$0x1F950] =	vst v4;
	v7 =	vsel vm11, $0x0, v6;
	vm12 =	vlt.f32 v43, v0;
	v43 =	vmax.f32 v19, v8  }
0xf7: {  	v4 =	vmul.f32 $1.442695020e+00, v3;
	[tilespmem:$0x1F970] =	vst v7;
	v0 =	vsel vm12, $0x0, v6;
	(erf) = vpow2.f32 v40  }
0xf8: {  	v7 =	vadd.f32 v14, v24;
	v40 =	vsub.f32 v11, v8;
	[tilespmem:$0x1F990] =	vst v0;
	v0 =	vmul.f32 $-1.999999960e-02, v43;
	v60 =	vpop (erf)  }
0xf9: {  	(erf) = vpow2.f32 v4;
	v43 =	vadd.f32 $0.0e+00, v60;
	v60 =	vmul.f32 $-1.999999960e-02, v63  }
0xfa: {  	v63 =	vmul.f32 $1.442695020e+00, v40;
	vm14 =	vlt.f32 v7, v1;
	vm13 =	vlt.f32 v24, v0  }
0xfb: {  	v24 =	vmax.f32 v2, v13;
	v2 =	vadd.f32 v14, v46;
	v0 =	vsel vm13, $0x0, v43  }
0xfc: {  	v4 =	vsel vm14, $0x0, v43;
	vm15 =	vlt.f32 v46, v60;
	v43 =	vand.u32 $0x7FFFFFFF, v18  }
0xfd: {  	v1 =	vmul.f32 $-1.999999960e-02, v24;
	v18 =	vand.u32 $0x7FFFFFFF, v59;
	v46 =	vmax.f32 v43, v8  }
0xfe: {  	[tilespmem:$0x1F9E0] =	vst v4;
	v4 =	vmax.f32 v43, v13;
	v59 =	vmax.f32 v18, v8;
	v43 =	vsub.f32 v15, v8  }
0xff: {  	v18 =	vmax.f32 v18, v13;
	v6 =	vmul.f32 $-1.999999960e-02, v46;
	v4 =	vmul.f32 $-1.999999960e-02, v4  }
0x100: {  	[tilespmem:$0x1F9B0] =	vst v0;
	v19 =	vmul.f32 $-1.999999960e-02, v59;
	vm4 =	vlt.f32 v2, v1;
	v46 =	vadd.f32 v14, v40;
	v0 =	vpop (erf)  }
0x101: {  	(erf) = vpow2.f32 v63;
	v63 =	vadd.f32 v14, v5;
	v7 =	vsel vm15, $0x0, v0  }
0x102: {  	v0 =	vsel vm4, $0x0, v0;
	vm5 =	vlt.f32 v5, v6;
	vm7 =	vlt.f32 v3, v19  }
0x103: {  	v19 =	vand.u32 $0x7FFFFFFF, v11;
	v3 =	vadd.f32 v14, v3;
	v5 =	vand.u32 $0x7FFFFFFF, v10  }
0x104: {  	[tilespmem:$0x1F910] =	vst v7;
	v7 =	vsub.f32 v10, v8;
	vm6 =	vlt.f32 v63, v4;
	v24 =	vmax.f32 v19, v8  }
0x105: {  	v59 =	vpop (erf);
	v1 =	vmax.f32 v19, v13;
	v10 =	vmax.f32 v5, v8;
	v19 =	vmax.f32 v5, v13  }
0x106: {  	[tilespmem:$0x1F920] =	vst v0;
	v63 =	vsel vm5, $0x0, v59;
	v0 =	vsel vm6, $0x0, v59;
	v4 =	vmul.f32 $-1.999999960e-02, v24  }
0x107: {  	v2 =	vpop (erf);
	v1 =	vmul.f32 $-1.999999960e-02, v1;
	v10 =	vmul.f32 $-1.999999960e-02, v10;
	v24 =	vsub.f32 v17, v8  }
0x108: {  	v60 =	vmul.f32 $1.442695020e+00, v7;
	[tilespmem:$0x1F960] =	vst v0;
	v6 =	vsel vm7, $0x0, v2;
	v0 =	vmul.f32 $-1.999999960e-02, v18  }
0x109: {  	[tilespmem:$0x1F980] =	vst v6;
	v6 =	vsub.f32 v12, v8;
	vm9 =	vlt.f32 v40, v4;
	v4 =	vmul.f32 $1.442695020e+00, v24  }
0x10a: {  	vm10 =	vlt.f32 v46, v1;
	v40 =	vand.u32 $0x7FFFFFFF, v15;
	v15 =	vsub.f32 v26, v8  }
0x10b: {  	(erf) = vpow2.f32 v60;
	v60 =	vmul.f32 $1.442695020e+00, v43;
	vm8 =	vlt.f32 v3, v0  }
0x10c: {  	v46 =	vmax.f32 v40, v8;
	v59 =	vmul.f32 $1.442695020e+00, v6;
	v0 =	vsel vm8, $0x0, v2  }
0x10d: {  	v2 =	vmax.f32 v40, v13;
	v3 =	vmul.f32 $-1.999999960e-02, v46;
	v46 =	vmul.f32 $1.442695020e+00, v15  }
0x10e: {  	vm11 =	vlt.f32 v7, v10;
	(erf) = vpow2.f32 v60;
	v2 =	vmul.f32 $-1.999999960e-02, v2  }
0x10f: {  	vm13 =	vlt.f32 v43, v3;
	v60 =	vpop (erf);
	(erf) = vpow2.f32 v59;
	v59 =	vadd.f32 v14, v7  }
0x110: {  	[tilespmem:$0x1F940] =	vst v63;
	v7 =	vsub.f32 v62, v8;
	v63 =	vsel vm9, $0x0, v60;
	v1 =	vsel vm10, $0x0, v60  }
0x111: {  	(erf) = vpow2.f32 v4;
	v4 =	vsub.f32 v16, v8;
	v60 =	vand.u32 $0x7FFFFFFF, v12;
	[tilespmem:$0x1F9C0] =	vst v63  }
0x112: {  	[tilespmem:$0x1F9F0] =	vst v1;
	v1 =	vmul.f32 $-1.999999960e-02, v19;
	v63 =	vadd.f32 v14, v43;
	v12 =	vmax.f32 v60, v8  }
0x113: {  	v60 =	vmax.f32 v60, v13;
	v43 =	vand.u32 $0x7FFFFFFF, v16;
	v19 =	vmul.f32 $-1.999999960e-02, v12  }
0x114: {  	v12 =	vsub.f32 v9, v8;
	vm12 =	vlt.f32 v59, v1;
	vm14 =	vlt.f32 v63, v2  }
0x115: {  	[tilespmem:$0x1F9A0] =	vst v0;
	v63 =	vadd.f32 v14, v6;
	v0 =	vpop (erf);
	vm15 =	vlt.f32 v6, v19;
	v19 =	vand.u32 $0x7FFFFFFF, v17  }
0x116: {  	v11 =	vmul.f32 $1.442695020e+00, v12;
	v18 =	vsel vm11, $0x0, v0;
	v3 =	vmax.f32 v19, v13  }
0x117: {  	v6 =	vsub.f32 v25, v8;
	[tilespmem:$0x1FA00] =	vst v18;
	v18 =	vmul.f32 $1.442695020e+00, v4;
	v40 =	vpop (erf);
	v3 =	vmul.f32 $-1.999999960e-02, v3  }
0x118: {  	v59 =	vsel vm13, $0x0, v40;
	v1 =	vsel vm14, $0x0, v40;
	v40 =	vmax.f32 v19, v8  }
0x119: {  	v0 =	vsel vm12, $0x0, v0;
	(erf) = vpow2.f32 v18;
	v5 =	vmul.f32 $-1.999999960e-02, v40  }
0x11a: {  	[tilespmem:$0x1FA20] =	vst v59;
	v59 =	vmul.f32 $1.442695020e+00, v6;
	(erf) = vpow2.f32 v46;
	v46 =	vmax.f32 v43, v8  }
0x11b: {  	v19 =	vmax.f32 v43, v13;
	[tilespmem:$0x1FA30] =	vst v1;
	v43 =	vand.u32 $0x7FFFFFFF, v25;
	v1 =	vpop (erf);
	v10 =	vmul.f32 $-1.999999960e-02, v46  }
0x11c: {  	[tilespmem:$0x1FA10] =	vst v0;
	(erf) = vpow2.f32 v59;
	vm5 =	vlt.f32 v24, v5;
	v0 =	vsel vm15, $0x0, v1  }
0x11d: {  	v46 =	vmax.f32 v43, v8;
	v59 =	vadd.f32 v14, v15;
	[tilespmem:$0x1FA40] =	vst v0;
	v0 =	vmul.f32 $-1.999999960e-02, v60  }
0x11e: {  	v60 =	vadd.f32 v14, v24;
	vm7 =	vlt.f32 v4, v10;
	v24 =	vand.u32 $0x7FFFFFFF, v26  }
0x11f: {  	v26 =	vadd.f32 v14, v4;
	v10 =	vmul.f32 $-1.999999960e-02, v46;
	v46 =	vadd.f32 v14, v6  }
0x120: {  	v40 =	vmax.f32 v24, v8;
	vm4 =	vlt.f32 v63, v0;
	v63 =	vpop (erf);
	(erf) = vpow2.f32 v11  }
0x121: {  	vm6 =	vlt.f32 v60, v3;
	v4 =	vmul.f32 $-1.999999960e-02, v40;
	v60 =	vmul.f32 $1.442695020e+00, v7  }
0x122: {  	vm11 =	vlt.f32 v6, v10;
	v40 =	vand.u32 $0x7FFFFFFF, v9;
	v6 =	vsub.f32 v58, v8  }
0x123: {  	v0 =	vsel vm4, $0x0, v1;
	v17 =	vsel vm5, $0x0, v63;
	v1 =	vmax.f32 v24, v13  }
0x124: {  	v24 =	vmax.f32 v43, v13;
	v43 =	vmax.f32 v40, v8;
	[tilespmem:$0x1FA50] =	vst v0;
	v0 =	vsel vm6, $0x0, v63  }
0x125: {  	v1 =	vmul.f32 $-1.999999960e-02, v1;
	vm9 =	vlt.f32 v15, v4;
	v4 =	vsub.f32 v61, v8  }
0x126: {  	v3 =	vmul.f32 $-1.999999960e-02, v43;
	v15 =	vsub.f32 v56, v8;
	v43 =	vadd.f32 v14, v7;
	v2 =	vpop (erf)  }
0x127: {  	[tilespmem:$0x1FA80] =	vst v0;
	v0 =	vmul.f32 $-1.999999960e-02, v19;
	v18 =	vsel vm7, $0x0, v2;
	v63 =	vpop (erf);
	(erf) = vpow2.f32 v60  }
0x128: {  	vm10 =	vlt.f32 v59, v1;
	v59 =	vand.u32 $0x7FFFFFFF, v62;
	v60 =	vadd.f32 v14, v12  }
0x129: {  	[tilespmem:$0x1FA60] =	vst v17;
	v62 =	vmul.f32 $1.442695020e+00, v4;
	v17 =	vmul.f32 $1.442695020e+00, v15;
	vm13 =	vlt.f32 v12, v3  }
0x12a: {  	[tilespmem:$0x1FA90] =	vst v18;
	v18 =	vsub.f32 v57, v8;
	vm8 =	vlt.f32 v26, v0;
	v25 =	vsel vm9, $0x0, v63  }
0x12b: {  	v1 =	vsel vm10, $0x0, v63;
	v63 =	vmax.f32 v59, v8;
	v26 =	vsel vm8, $0x0, v2  }
0x12c: {  	[tilespmem:$0x1FAA0] =	vst v1;
	v1 =	vmul.f32 $-1.999999960e-02, v24;
	v2 =	vmax.f32 v40, v13;
	v11 =	vmul.f32 $-1.999999960e-02, v63  }
0x12d: {  	v40 =	vmax.f32 v59, v13;
	v59 =	vand.u32 $0x7FFFFFFF, v61;
	v61 =	vmul.f32 $1.442695020e+00, v6;
	v0 =	vpop (erf)  }
0x12e: {  	v16 =	vmul.f32 $1.442695020e+00, v18;
	v2 =	vmul.f32 $-1.999999960e-02, v2;
	v19 =	vsel vm11, $0x0, v0  }
0x12f: {  	vm12 =	vlt.f32 v46, v1;
	vm15 =	vlt.f32 v7, v11;
	v46 =	vand.u32 $0x7FFFFFFF, v57  }
0x130: {  	v11 =	vsub.f32 v54, v8;
	v7 =	vsub.f32 v55, v8;
	(erf) = vpow2.f32 v16  }
0x131: {  	v0 =	vsel vm12, $0x0, v0;
	vm14 =	vlt.f32 v60, v2;
	v57 =	vmax.f32 v46, v8  }
0x132: {  	v3 =	vmax.f32 v46, v13;
	v60 =	vmax.f32 v59, v8;
	v46 =	vand.u32 $0x7FFFFFFF, v56  }
0x133: {  	v56 =	vadd.f32 v14, v4;
	(erf) = vpow2.f32 v62;
	v5 =	vmul.f32 $-1.999999960e-02, v57  }
0x134: {  	v3 =	vmul.f32 $-1.999999960e-02, v3;
	v9 =	vmul.f32 $-1.999999960e-02, v60;
	v62 =	vadd.f32 v14, v18;
	v16 =	vpop (erf)  }
0x135: {  	[tilespmem:$0x1FAB0] =	vst v19;
	v10 =	vmul.f32 $1.442695020e+00, v11;
	v57 =	vmax.f32 v46, v8;
	v19 =	vsel vm13, $0x0, v16  }
0x136: {  	v1 =	vsel vm14, $0x0, v16;
	vm5 =	vlt.f32 v18, v5;
	vm6 =	vlt.f32 v62, v3  }
0x137: {  	vm7 =	vlt.f32 v4, v9;
	v4 =	vmul.f32 $-1.999999960e-02, v57;
	v62 =	vmul.f32 $1.442695020e+00, v7  }
0x138: {  	v57 =	vand.u32 $0x7FFFFFFF, v54;
	v54 =	vadd.f32 v14, v7;
	v24 =	vpop (erf);
	(erf) = vpow2.f32 v17  }
0x139: {  	[tilespmem:$0x1FAF0] =	vst v1;
	v1 =	vmax.f32 v46, v13;
	v17 =	vsub.f32 v52, v8;
	v2 =	vmax.f32 v57, v13  }
0x13a: {  	[tilespmem:$0x1FAC0] =	vst v0;
	v0 =	vsel vm15, $0x0, v24;
	(erf) = vpow2.f32 v61;
	v1 =	vmul.f32 $-1.999999960e-02, v1  }
0x13b: {  	v61 =	vadd.f32 v14, v15;
	vm9 =	vlt.f32 v15, v4;
	[tilespmem:$0x1FB00] =	vst v0;
	v0 =	vmul.f32 $-1.999999960e-02, v40  }
0x13c: {  	v4 =	vsub.f32 v53, v8;
	v2 =	vmul.f32 $-1.999999960e-02, v2;
	v15 =	vsub.f32 v50, v8  }
0x13d: {  	vm10 =	vlt.f32 v61, v1;
	v61 =	vadd.f32 v14, v11;
	vm4 =	vlt.f32 v43, v0  }
0x13e: {  	v43 =	vmax.f32 v59, v13;
	v59 =	vand.u32 $0x7FFFFFFF, v58;
	v58 =	vmax.f32 v57, v8  }
0x13f: {  	v57 =	vand.u32 $0x7FFFFFFF, v53;
	v53 =	vsub.f32 v49, v8;
	v0 =	vsel vm4, $0x0, v24  }
0x140: {  	v63 =	vpop (erf);
	(erf) = vpow2.f32 v10;
	v60 =	vmax.f32 v59, v8;
	v3 =	vmul.f32 $-1.999999960e-02, v58  }
0x141: {  	vm14 =	vlt.f32 v61, v2;
	v58 =	vmax.f32 v57, v8;
	v18 =	vsel vm5, $0x0, v63  }
0x142: {  	[tilespmem:$0x1FB10] =	vst v0;
	v24 =	vpop (erf);
	v0 =	vsel vm6, $0x0, v63;
	v9 =	vmul.f32 $-1.999999960e-02, v60;
	v60 =	vand.u32 $0x7FFFFFFF, v55  }
0x143: {  	v55 =	vand.u32 $0x7FFFFFFF, v52;
	v52 =	vand.u32 $0x7FFFFFFF, v51;
	v40 =	vsel vm7, $0x0, v24  }
0x144: {  	[tilespmem:$0x1FB20] =	vst v0;
	v0 =	vmul.f32 $-1.999999960e-02, v43;
	v43 =	vmul.f32 $1.442695020e+00, v17;
	vm13 =	vlt.f32 v11, v3  }
0x145: {  	v3 =	vmax.f32 v55, v13;
	v11 =	vsub.f32 v48, v8;
	vm11 =	vlt.f32 v6, v9  }
0x146: {  	v3 =	vmul.f32 $-1.999999960e-02, v3;
	v9 =	vmul.f32 $-1.999999960e-02, v58;
	v58 =	vsub.f32 v44, v8  }
0x147: {  	v63 =	vpop (erf);
	vm8 =	vlt.f32 v56, v0;
	(erf) = vpow2.f32 v62;
	v56 =	vmax.f32 v59, v13  }
0x148: {  	v59 =	vadd.f32 v14, v6;
	v62 =	vmul.f32 $1.442695020e+00, v4;
	v6 =	vsub.f32 v51, v8  }
0x149: {  	v0 =	vsel vm8, $0x0, v24;
	v24 =	vsel vm9, $0x0, v63;
	v1 =	vsel vm10, $0x0, v63  }
0x14a: {  	[tilespmem:$0x1FB30] =	vst v40;
	v40 =	vpop (erf);
	(erf) = vpow2.f32 v43;
	v63 =	vmax.f32 v60, v8;
	vm7 =	vlt.f32 v4, v9  }
0x14b: {  	[tilespmem:$0x1FB70] =	vst v1;
	v46 =	vsel vm11, $0x0, v40;
	v1 =	vmul.f32 $-1.999999960e-02, v56;
	(erf) = vpow2.f32 v62  }
0x14c: {  	[tilespmem:$0x1FB50] =	vst v24;
	v16 =	vmul.f32 $-1.999999960e-02, v63;
	v24 =	vmul.f32 $1.442695020e+00, v15;
	v56 =	vmax.f32 v55, v8  }
0x14d: {  	v62 =	vmul.f32 $1.442695020e+00, v11;
	v55 =	vadd.f32 v14, v15;
	[tilespmem:$0x1FB80] =	vst v46;
	v46 =	vmax.f32 v60, v13  }
0x14e: {  	v5 =	vmul.f32 $-1.999999960e-02, v56;
	v60 =	vadd.f32 v14, v17;
	v56 =	vmul.f32 $1.442695020e+00, v53  }
0x14f: {  	vm12 =	vlt.f32 v59, v1;
	vm15 =	vlt.f32 v7, v16;
	v59 =	vmul.f32 $1.442695020e+00, v6  }
0x150: {  	[tilespmem:$0x1FB40] =	vst v0;
	v16 =	vand.u32 $0x7FFFFFFF, v48;
	v7 =	vsub.f32 v20, v8;
	v0 =	vsel vm12, $0x0, v40  }
0x151: {  	[tilespmem:$0x1FAD0] =	vst v19;
	v19 =	vpop (erf);
	vm5 =	vlt.f32 v17, v5;
	vm6 =	vlt.f32 v60, v3;
	v2 =	vmax.f32 v16, v13  }
0x152: {  	v17 =	vsub.f32 v32, v8;
	[tilespmem:$0x1FB90] =	vst v0;
	v40 =	vsel vm13, $0x0, v19;
	v1 =	vsel vm14, $0x0, v19;
	v43 =	vpop (erf)  }
0x153: {  	v2 =	vmul.f32 $-1.999999960e-02, v2;
	[tilespmem:$0x1FBA0] =	vst v40;
	(erf) = vpow2.f32 v24;
	v0 =	vsel vm15, $0x0, v43  }
0x154: {  	v40 =	vmax.f32 v57, v13;
	(erf) = vpow2.f32 v59;
	v61 =	vpop (erf);
	[tilespmem:$0x1FBC0] =	vst v0;
	v0 =	vmul.f32 $-1.999999960e-02, v46  }
0x155: {  	v63 =	vpop (erf);
	v19 =	vsel vm5, $0x0, v61;
	(erf) = vpow2.f32 v62;
	v46 =	vadd.f32 v14, v4  }
0x156: {  	[tilespmem:$0x1FBE0] =	vst v19;
	v24 =	vsel vm7, $0x0, v63;
	v19 =	vmax.f32 v16, v8;
	v16 =	vadd.f32 v14, v53  }
0x157: {  	vm4 =	vlt.f32 v54, v0;
	[tilespmem:$0x1FC10] =	vst v24;
	v54 =	vmax.f32 v52, v8;
	v24 =	vadd.f32 v14, v6  }
0x158: {  	v3 =	vmul.f32 $-1.999999960e-02, v19;
	v19 =	vand.u32 $0x7FFFFFFF, v44;
	v0 =	vsel vm4, $0x0, v43  }
0x159: {  	v43 =	vand.u32 $0x7FFFFFFF, v50;
	v9 =	vmul.f32 $-1.999999960e-02, v54;
	[tilespmem:$0x1FBD0] =	vst v0;
	v0 =	vsel vm6, $0x0, v61  }
0x15a: {  	[tilespmem:$0x1FBB0] =	vst v1;
	v50 =	vmax.f32 v43, v8;
	v1 =	vmax.f32 v43, v13;
	v43 =	vadd.f32 v14, v11  }
0x15b: {  	vm13 =	vlt.f32 v11, v3;
	v3 =	vmax.f32 v19, v13;
	[tilespmem:$0x1FC00] =	vst v0;
	v0 =	vmul.f32 $-1.999999960e-02, v40  }
0x15c: {  	v11 =	vsub.f32 v36, v8;
	v4 =	vmul.f32 $-1.999999960e-02, v50;
	v1 =	vmul.f32 $-1.999999960e-02, v1  }
0x15d: {  	vm11 =	vlt.f32 v6, v9;
	v40 =	vand.u32 $0x7FFFFFFF, v49;
	v49 =	vsub.f32 v41, v8  }
0x15e: {  	v3 =	vmul.f32 $-1.999999960e-02, v3;
	v50 =	vand.u32 $0x7FFFFFFF, v47;
	v6 =	vsub.f32 v45, v8  }
0x15f: {  	v48 =	vmax.f32 v40, v8;
	vm14 =	vlt.f32 v43, v2;
	v51 =	vmax.f32 v50, v8  }
0x160: {  	v57 =	vpop (erf);
	vm8 =	vlt.f32 v46, v0;
	vm9 =	vlt.f32 v15, v4;
	(erf) = vpow2.f32 v56  }
0x161: {  	v4 =	vmul.f32 $1.442695020e+00, v58;
	vm10 =	vlt.f32 v55, v1;
	v59 =	vmul.f32 $-1.999999960e-02, v48  }
0x162: {  	v15 =	vmax.f32 v52, v13;
	v61 =	vmul.f32 $1.442695020e+00, v49;
	v9 =	vmul.f32 $-1.999999960e-02, v51  }
0x163: {  	v55 =	vmul.f32 $1.442695020e+00, v11;
	v43 =	vadd.f32 v14, v49;
	v0 =	vsel vm8, $0x0, v63;
	v63 =	vpop (erf)  }
0x164: {  	v62 =	vsel vm9, $0x0, v57;
	v1 =	vsel vm10, $0x0, v57;
	v12 =	vsel vm11, $0x0, v63  }
0x165: {  	[tilespmem:$0x1FC40] =	vst v1;
	(erf) = vpow2.f32 v4;
	v1 =	vmul.f32 $-1.999999960e-02, v15;
	v4 =	vsub.f32 v47, v8  }
0x166: {  	[tilespmem:$0x1FC30] =	vst v62;
	v60 =	vpop (erf);
	vm15 =	vlt.f32 v53, v59;
	v53 =	vadd.f32 v14, v58;
	v59 =	vmax.f32 v50, v13  }
0x167: {  	[tilespmem:$0x1FC50] =	vst v12;
	v62 =	vsel vm13, $0x0, v60;
	v12 =	vmax.f32 v40, v13;
	v40 =	vsub.f32 v39, v8  }
0x168: {  	v46 =	vmul.f32 $1.442695020e+00, v4;
	vm12 =	vlt.f32 v24, v1;
	v1 =	vsel vm14, $0x0, v60  }
0x169: {  	v24 =	vmax.f32 v19, v8;
	vm6 =	vlt.f32 v53, v3;
	vm7 =	vlt.f32 v4, v9  }
0x16a: {  	[tilespmem:$0x1FC20] =	vst v0;
	v60 =	vand.u32 $0x7FFFFFFF, v41;
	v19 =	vadd.f32 v14, v17;
	v0 =	vsel vm12, $0x0, v63  }
0x16b: {  	[tilespmem:$0x1FC90] =	vst v1;
	v5 =	vmul.f32 $-1.999999960e-02, v24;
	v1 =	vmax.f32 v60, v13;
	v24 =	vsub.f32 v37, v8  }
0x16c: {  	[tilespmem:$0x1FC70] =	vst v62;
	v52 =	vmul.f32 $1.442695020e+00, v40;
	v62 =	vmax.f32 v60, v8;
	v1 =	vmul.f32 $-1.999999960e-02, v1  }
0x16d: {  	(erf) = vpow2.f32 v46;
	vm5 =	vlt.f32 v58, v5;
	v44 =	vmul.f32 $1.442695020e+00, v24  }
0x16e: {  	vm10 =	vlt.f32 v43, v1;
	v63 =	vpop (erf);
	(erf) = vpow2.f32 v61;
	v61 =	vadd.f32 v14, v4  }
0x16f: {  	[tilespmem:$0x1FC60] =	vst v0;
	v4 =	vmul.f32 $-1.999999960e-02, v62;
	v0 =	vsel vm15, $0x0, v63;
	(erf) = vpow2.f32 v52  }
0x170: {  	v52 =	vand.u32 $0x7FFFFFFF, v36;
	[tilespmem:$0x1FCA0] =	vst v0;
	v0 =	vmul.f32 $-1.999999960e-02, v12;
	v54 =	vpop (erf);
	(erf) = vpow2.f32 v55  }
0x171: {  	vm9 =	vlt.f32 v49, v4;
	v49 =	vmul.f32 $1.442695020e+00, v17;
	v53 =	vmax.f32 v52, v8  }
0x172: {  	v2 =	vmax.f32 v52, v13;
	v4 =	vsub.f32 v34, v8;
	v55 =	vand.u32 $0x7FFFFFFF, v37  }
0x173: {  	v52 =	vand.u32 $0x7FFFFFFF, v32;
	v57 =	vsel vm5, $0x0, v54;
	v3 =	vmul.f32 $-1.999999960e-02, v53  }
0x174: {  	v2 =	vmul.f32 $-1.999999960e-02, v2;
	v53 =	vmax.f32 v52, v8;
	vm4 =	vlt.f32 v16, v0  }
0x175: {  	[tilespmem:$0x1FCC0] =	vst v57;
	v57 =	vmul.f32 $1.442695020e+00, v4;
	v5 =	vmul.f32 $-1.999999960e-02, v53;
	v0 =	vsel vm4, $0x0, v63  }
0x176: {  	v63 =	vand.u32 $0x7FFFFFFF, v39;
	vm13 =	vlt.f32 v11, v3;
	v3 =	vmax.f32 v52, v13  }
0x177: {  	[tilespmem:$0x1FCB0] =	vst v0;
	v0 =	vsel vm6, $0x0, v54;
	v41 =	vmax.f32 v63, v8;
	v51 =	vmax.f32 v63, v13  }
0x178: {  	v54 =	vadd.f32 v14, v40;
	v3 =	vmul.f32 $-1.999999960e-02, v3;
	vm5 =	vlt.f32 v17, v5  }
0x179: {  	v56 =	vpop (erf);
	v17 =	vsub.f32 v22, v8;
	v22 =	vand.u32 $0x7FFFFFFF, v22;
	[tilespmem:$0x1FCD0] =	vst v0;
	v0 =	vmul.f32 $-1.999999960e-02, v59  }
0x17a: {  	v58 =	vsel vm7, $0x0, v56;
	v9 =	vmul.f32 $-1.999999960e-02, v41;
	v59 =	vsub.f32 v30, v8  }
0x17b: {  	[tilespmem:$0x1FCE0] =	vst v58;
	v58 =	vmax.f32 v55, v8;
	vm6 =	vlt.f32 v19, v3;
	vm8 =	vlt.f32 v61, v0  }
0x17c: {  	v46 =	vpop (erf);
	(erf) = vpow2.f32 v44;
	vm11 =	vlt.f32 v40, v9;
	v39 =	vmul.f32 $-1.999999960e-02, v58  }
0x17d: {  	v41 =	vmul.f32 $1.442695020e+00, v59;
	v0 =	vsel vm8, $0x0, v56;
	v47 =	vsel vm9, $0x0, v46  }
0x17e: {  	v48 =	vpop (erf);
	v1 =	vsel vm10, $0x0, v46;
	(erf) = vpow2.f32 v49;
	v56 =	vadd.f32 v14, v11  }
0x17f: {  	v46 =	vmax.f32 v55, v13;
	v11 =	vsub.f32 v21, v8;
	v50 =	vsel vm11, $0x0, v48  }
0x180: {  	[tilespmem:$0x1FD20] =	vst v1;
	v1 =	vmul.f32 $-1.999999960e-02, v51;
	(erf) = vpow2.f32 v57;
	vm15 =	vlt.f32 v24, v39  }
0x181: {  	[tilespmem:$0x1FD00] =	vst v47;
	v40 =	vpop (erf);
	v47 =	vadd.f32 v14, v24;
	v51 =	vsub.f32 v29, v8;
	v39 =	vand.u32 $0x7FFFFFFF, v30  }
0x182: {  	vm14 =	vlt.f32 v56, v2;
	v43 =	vsel vm13, $0x0, v40;
	vm12 =	vlt.f32 v54, v1  }
0x183: {  	v1 =	vsel vm14, $0x0, v40;
	v54 =	vsub.f32 v31, v8;
	v32 =	vmul.f32 $1.442695020e+00, v51  }
0x184: {  	[tilespmem:$0x1FCF0] =	vst v0;
	v40 =	vadd.f32 v14, v4;
	v0 =	vsel vm12, $0x0, v48;
	v48 =	vand.u32 $0x7FFFFFFF, v34  }
0x185: {  	[tilespmem:$0x1FD50] =	vst v43;
	v43 =	vand.u32 $0x7FFFFFFF, v31;
	v31 =	vand.u32 $0x7FFFFFFF, v35;
	v49 =	vmax.f32 v48, v8  }
0x186: {  	[tilespmem:$0x1FD60] =	vst v1;
	v1 =	vmax.f32 v39, v13;
	v19 =	vmax.f32 v43, v13;
	v9 =	vmul.f32 $-1.999999960e-02, v49  }
0x187: {  	[tilespmem:$0x1FD30] =	vst v50;
	v50 =	vmul.f32 $1.442695020e+00, v54;
	v37 =	vmax.f32 v48, v13;
	v1 =	vmul.f32 $-1.999999960e-02, v1  }
0x188: {  	v30 =	vadd.f32 v14, v54;
	v44 =	vpop (erf);
	(erf) = vpow2.f32 v41;
	vm7 =	vlt.f32 v4, v9  }
0x189: {  	[tilespmem:$0x1FD40] =	vst v0;
	v41 =	vmax.f32 v39, v8;
	v0 =	vsel vm15, $0x0, v44;
	(erf) = vpow2.f32 v50  }
0x18a: {  	v24 =	vpop (erf);
	v4 =	vmul.f32 $-1.999999960e-02, v41;
	v50 =	vsub.f32 v33, v8;
	v41 =	vmax.f32 v31, v13  }
0x18b: {  	[tilespmem:$0x1FD70] =	vst v0;
	v0 =	vmul.f32 $-1.999999960e-02, v46;
	v34 =	vpop (erf);
	v61 =	vsel vm5, $0x0, v24;
	(erf) = vpow2.f32 v32  }
0x18c: {  	v46 =	vmax.f32 v43, v8;
	v32 =	vadd.f32 v14, v51;
	v36 =	vsel vm7, $0x0, v34  }
0x18d: {  	v9 =	vmul.f32 $-1.999999960e-02, v46;
	vm9 =	vlt.f32 v59, v4;
	v15 =	vmul.f32 $1.442695020e+00, v50  }
0x18e: {  	v4 =	vsub.f32 v38, v8;
	vm4 =	vlt.f32 v47, v0;
	v0 =	vsel vm6, $0x0, v24  }
0x18f: {  	v47 =	vadd.f32 v14, v59;
	v24 =	vand.u32 $0x7FFFFFFF, v29;
	v63 =	vsel vm4, $0x0, v44  }
0x190: {  	[tilespmem:$0x1FD90] =	vst v0;
	v0 =	vmul.f32 $-1.999999960e-02, v37;
	v44 =	vsub.f32 v35, v8;
	vm11 =	vlt.f32 v54, v9  }
0x191: {  	v29 =	vmax.f32 v24, v8;
	v2 =	vmax.f32 v24, v13;
	v35 =	vmax.f32 v31, v8  }
0x192: {  	vm10 =	vlt.f32 v47, v1;
	v1 =	vmul.f32 $-1.999999960e-02, v19;
	v3 =	vmul.f32 $-1.999999960e-02, v29  }
0x193: {  	[tilespmem:$0x1FDA0] =	vst v36;
	v24 =	vadd.f32 v14, v50;
	v2 =	vmul.f32 $-1.999999960e-02, v2;
	v36 =	vmul.f32 $-1.999999960e-02, v35  }
0x194: {  	v47 =	vand.u32 $0x7FFFFFFF, v38;
	v19 =	vmul.f32 $1.442695020e+00, v6;
	v48 =	vmul.f32 $1.442695020e+00, v44  }
0x195: {  	vm8 =	vlt.f32 v40, v0;
	v43 =	vadd.f32 v14, v44;
	v0 =	vmul.f32 $-1.999999960e-02, v41  }
0x196: {  	v16 =	vmax.f32 v47, v8;
	v57 =	vsel vm8, $0x0, v34;
	v34 =	vmul.f32 $1.442695020e+00, v4  }
0x197: {  	vm12 =	vlt.f32 v30, v1;
	vm13 =	vlt.f32 v51, v3;
	vm14 =	vlt.f32 v32, v2  }
0x198: {  	vm15 =	vlt.f32 v44, v36;
	v44 =	vand.u32 $0x7FFFFFFF, v33;
	v9 =	vmul.f32 $-1.999999960e-02, v16  }
0x199: {  	v30 =	vmul.f32 $1.442695020e+00, v11;
	v32 =	vmax.f32 v47, v13;
	v33 =	vand.u32 $0x7FFFFFFF, v42  }
0x19a: {  	v36 =	vand.u32 $0x7FFFFFFF, v45;
	v47 =	vadd.f32 v14, v7;
	v49 =	vpop (erf);
	(erf) = vpow2.f32 v48  }
0x19b: {  	v46 =	vmax.f32 v44, v8;
	v3 =	vmax.f32 v44, v13;
	vm4 =	vlt.f32 v43, v0  }
0x19c: {  	v0 =	vmul.f32 $-1.999999960e-02, v32;
	v35 =	vmax.f32 v33, v8;
	v1 =	vmax.f32 v33, v13  }
0x19d: {  	v32 =	vand.u32 $0x7FFFFFFF, v20;
	v33 =	vadd.f32 v14, v11;
	v62 =	vsel vm9, $0x0, v49  }
0x19e: {  	v55 =	vpop (erf);
	v60 =	vsel vm10, $0x0, v49;
	(erf) = vpow2.f32 v15;
	v15 =	vsub.f32 v42, v8  }
0x19f: {  	v5 =	vmul.f32 $-1.999999960e-02, v46;
	v3 =	vmul.f32 $-1.999999960e-02, v3;
	vm7 =	vlt.f32 v4, v9  }
0x1a0: {  	v1 =	vmul.f32 $-1.999999960e-02, v1;
	v59 =	vsel vm11, $0x0, v55;
	v55 =	vsel vm12, $0x0, v55  }
0x1a1: {  	(erf) = vpow2.f32 v34;
	v37 =	vpop (erf);
	v34 =	vadd.f32 v14, v4;
	v4 =	vmul.f32 $-1.999999960e-02, v35  }
0x1a2: {  	v35 =	vmax.f32 v32, v8;
	v39 =	vmul.f32 $1.442695020e+00, v15;
	v53 =	vsel vm13, $0x0, v37  }
0x1a3: {  	v54 =	vsel vm14, $0x0, v37;
	vm6 =	vlt.f32 v24, v3;
	v24 =	vand.u32 $0x7FFFFFFF, v21  }
0x1a4: {  	vm5 =	vlt.f32 v50, v5;
	v37 =	vmax.f32 v36, v8;
	v2 =	vmax.f32 v24, v13  }
0x1a5: {  	v38 =	vadd.f32 v14, v15;
	v9 =	vmul.f32 $-1.999999960e-02, v37;
	v2 =	vmul.f32 $-1.999999960e-02, v2  }
0x1a6: {  	vm8 =	vlt.f32 v34, v0;
	vm9 =	vlt.f32 v15, v4;
	v15 =	vmul.f32 $1.442695020e+00, v17  }
0x1a7: {  	vm10 =	vlt.f32 v38, v1;
	vm11 =	vlt.f32 v6, v9;
	vm14 =	vlt.f32 v33, v2;
	v40 =	vpop (erf)  }
0x1a8: {  	(erf) = vpow2.f32 v39;
	v39 =	vmul.f32 $1.442695020e+00, v7;
	v58 =	vsel vm15, $0x0, v40  }
0x1a9: {  	v10 =	vld [tilespmem:$0x1F8F0];
	(erf) = vpow2.f32 v19;
	v29 =	vpop (erf);
	v19 =	vmax.f32 v36, v13;
	v36 =	vmul.f32 $-1.999999960e-02, v35  }
0x1aa: {  	v56 =	vsel vm5, $0x0, v29;
	v50 =	vsel vm6, $0x0, v29;
	(erf) = vpow2.f32 v30  }
0x1ab: {  	v31 =	vpop (erf);
	v1 =	vmul.f32 $-1.999999960e-02, v19;
	v29 =	vmax.f32 v24, v8;
	v30 =	vld [tilespmem:$0x1F8D0];
	v24 =	vmax.f32 v22, v8  }
0x1ac: {  	v51 =	vsel vm7, $0x0, v31;
	v48 =	vsel vm8, $0x0, v31;
	v31 =	vadd.f32 v14, v6  }
0x1ad: {  	v52 =	vsel vm4, $0x0, v40;
	v3 =	vmul.f32 $-1.999999960e-02, v29;
	v5 =	vmul.f32 $-1.999999960e-02, v24  }
0x1ae: {  	v19 =	vsub.f32 v10, v8;
	vm15 =	vlt.f32 v7, v36;
	vm12 =	vlt.f32 v31, v1  }
0x1af: {  	vm13 =	vlt.f32 v11, v3;
	v3 =	vmax.f32 v22, v13;
	v11 =	vld [tilespmem:$0x1F8E0];
	vm5 =	vlt.f32 v17, v5  }
0x1b0: {  	v3 =	vmul.f32 $-1.999999960e-02, v3;
	v4 =	vsub.f32 v30, v8;
	v29 =	vand.u32 $0x7FFFFFFF, v30  }
0x1b1: {  	v30 =	vmax.f32 v29, v8;
	v36 =	vmax.f32 v29, v13;
	v40 =	vpop (erf);
	(erf) = vpow2.f32 v39  }
0x1b2: {  	v34 =	vmul.f32 $1.442695020e+00, v4;
	v7 =	vmul.f32 $-1.999999960e-02, v30;
	v9 =	vadd.f32 v14, v4  }
0x1b3: {  	v49 =	vsel vm9, $0x0, v40;
	v41 =	vpop (erf);
	v44 =	vsel vm10, $0x0, v40;
	(erf) = vpow2.f32 v15  }
0x1b4: {  	v15 =	vsub.f32 v27, v8;
	v40 =	vmax.f32 v32, v13;
	v12 =	vsub.f32 v11, v8  }
0x1b5: {  	v32 =	vadd.f32 v14, v17;
	v45 =	vsel vm11, $0x0, v41;
	(erf) = vpow2.f32 v34  }
0x1b6: {  	v16 =	vld [tilespmem:$0x1F970];
	v46 =	vsel vm12, $0x0, v41;
	v0 =	vmul.f32 $-1.999999960e-02, v40;
	v34 =	vmul.f32 $1.442695020e+00, v19  }
0x1b7: {  	v20 =	vld [tilespmem:$0x1F980];
	v37 =	vpop (erf);
	vm7 =	vlt.f32 v4, v7;
	v40 =	vand.u32 $0x7FFFFFFF, v27;
	v27 =	vand.u32 $0x7FFFFFFF, v11  }
0x1b8: {  	v21 =	vld [tilespmem:$0x1F990];
	v38 =	vmul.f32 $1.442695020e+00, v15;
	v41 =	vsel vm13, $0x0, v37;
	v1 =	vmax.f32 v40, v13  }
0x1b9: {  	v7 =	vld [tilespmem:$0x1F930];
	v31 =	vmul.f32 $1.442695020e+00, v12;
	v29 =	vadd.f32 v14, v15;
	v1 =	vmul.f32 $-1.999999960e-02, v1  }
0x1ba: {  	v30 =	vmax.f32 v27, v8;
	v22 =	vmax.f32 v27, v13;
	v27 =	vld [tilespmem:$0x1F910];
	v39 =	vpop (erf);
	(erf) = vpow2.f32 v38  }
0x1bb: {  	vm6 =	vlt.f32 v32, v3;
	vm10 =	vlt.f32 v29, v1;
	v1 =	vld [tilespmem:$0x1F900];
	(erf) = vpow2.f32 v31  }
0x1bc: {  	v24 =	vmax.f32 v40, v8;
	v11 =	vadd.f32 v14, v12;
	v3 =	vmul.f32 $-1.999999960e-02, v22;
	v22 =	vld [tilespmem:$0x1F9A0]  }
0x1bd: {  	vm4 =	vlt.f32 v47, v0;
	v0 =	vmul.f32 $-1.999999960e-02, v36;
	v4 =	vmul.f32 $-1.999999960e-02, v24;
	v29 =	vld [tilespmem:$0x1F920]  }
0x1be: {  	vm12 =	vlt.f32 v11, v3;
	v11 =	vld [tilespmem:$0x1F960];
	v33 =	vpop (erf);
	v31 =	vmul.f32 $-1.999999960e-02, v30;
	(erf) = vpow2.f32 v34  }
0x1bf: {  	vm9 =	vlt.f32 v15, v4;
	v3 =	vadd.f32 v16, v20;
	v16 =	vld [tilespmem:$0x1FA40];
	v15 =	vadd.f32 v23, v27  }
0x1c0: {  	v23 =	vld [tilespmem:$0x1F9B0];
	v5 =	vsub.f32 v1, v8;
	vm11 =	vlt.f32 v12, v31;
	v12 =	vand.u32 $0x7FFFFFFF, v10  }
0x1c1: {  	v42 =	vsel vm14, $0x0, v37;
	vm8 =	vlt.f32 v9, v0;
	v27 =	vld [tilespmem:$0x1F9E0];
	v30 =	vmax.f32 v12, v8  }
0x1c2: {  	v35 =	vpop (erf);
	v17 =	vadd.f32 v29, v28;
	v28 =	vld [tilespmem:$0x1F9F0];
	v24 =	vmul.f32 $1.442695020e+00, v5;
	v31 =	vmul.f32 $-1.999999960e-02, v30  }
0x1c3: {  	v37 =	vsel vm5, $0x0, v33;
	v38 =	vsel vm6, $0x0, v33;
	v12 =	vmax.f32 v12, v13;
	v30 =	vld [tilespmem:$0x1FA00];
	v40 =	vpop (erf)  }
0x1c4: {  	v12 =	vmul.f32 $-1.999999960e-02, v12;
	vm13 =	vlt.f32 v19, v31;
	(erf) = vpow2.f32 v24;
	v24 =	vld [tilespmem:$0x1F9C0];
	v9 =	vpop (erf)  }
0x1c5: {  	v19 =	vadd.f32 v14, v19;
	v34 =	vsel vm11, $0x0, v9;
	v33 =	vsel vm12, $0x0, v9;
	v9 =	vld [tilespmem:$0x1F940]  }
0x1c6: {  	v10 =	vld [tilespmem:$0x1F950]  }
0x1c7: {  	v20 =	vadd.f32 v22, v21;
	v31 =	vld [tilespmem:$0x1FA10];
	vm14 =	vlt.f32 v19, v12;
	v21 =	vpop (erf)  }
0x1c8: {  	v15 =	vadd.f32 v15, v30;
	v32 =	vsel vm13, $0x0, v21;
	v30 =	vsel vm14, $0x0, v21;
	v21 =	vld [tilespmem:$0x1FA60]  }
0x1c9: {  	v22 =	vadd.f32 v23, v24;
	v23 =	vadd.f32 v28, v27;
	v27 =	vld [tilespmem:$0x1FA80]  }
0x1ca: {  	v1 =	vand.u32 $0x7FFFFFFF, v1;
	v6 =	vadd.f32 v7, v9;
	v9 =	vld [tilespmem:$0x1F9D0]  }
0x1cb: {  	v12 =	vld [tilespmem:$0x1FA30];
	v7 =	vmax.f32 v1, v8  }
0x1cc: {  	v2 =	vadd.f32 v11, v10;
	v4 =	vadd.f32 v17, v31;
	v17 =	vld [tilespmem:$0x1FA50];
	v10 =	vmul.f32 $-1.999999960e-02, v7  }
0x1cd: {  	v43 =	vsel vm15, $0x0, v39;
	v11 =	vld [tilespmem:$0x1FA20]  }
0x1ce: {  	v19 =	vadd.f32 v3, v16;
	v3 =	vadd.f32 v22, v21;
	vm15 =	vlt.f32 v5, v10;
	v10 =	vld [tilespmem:$0x1FA70]  }
0x1cf: {  	v22 =	vadd.f32 v23, v27;
	v24 =	vsub.f32 v9, v8;
	v23 =	vand.u32 $0x7FFFFFFF, v9;
	v9 =	vld [tilespmem:$0x1FA90]  }
0x1d0: {  	v39 =	vsel vm4, $0x0, v39;
	v1 =	vmax.f32 v1, v13;
	v7 =	vadd.f32 v2, v12  }
0x1d1: {  	v16 =	vld [tilespmem:$0x1FAA0];
	v20 =	vadd.f32 v20, v17;
	v28 =	vmul.f32 $-1.999999960e-02, v1;
	v5 =	vadd.f32 v14, v5  }
0x1d2: {  	v17 =	vld [tilespmem:$0x1FAB0];
	v6 =	vadd.f32 v6, v11;
	v11 =	vmax.f32 v23, v8;
	v29 =	vmul.f32 $1.442695020e+00, v24  }
0x1d3: {  	vm4 =	vlt.f32 v5, v28;
	v0 =	vmul.f32 $-1.999999960e-02, v11;
	v11 =	vld [tilespmem:$0x1FAE0];
	v21 =	vsub.f32 v10, v8  }
0x1d4: {  	v12 =	vpop (erf);
	(erf) = vpow2.f32 v29;
	v15 =	vadd.f32 v15, v9;
	v9 =	vadd.f32 v6, v25;
	v25 =	vld [tilespmem:$0x1FAD0]  }
0x1d5: {  	v28 =	vsel vm4, $0x0, v12  }
0x1d6: {  	v23 =	vmax.f32 v23, v13;
	v29 =	vsel vm15, $0x0, v12;
	v12 =	vld [tilespmem:$0x1FB00];
	v31 =	vmul.f32 $1.442695020e+00, v21  }
0x1d7: {  	v4 =	vadd.f32 v4, v26;
	v26 =	vld [tilespmem:$0x1FAF0];
	v2 =	vadd.f32 v7, v16;
	v23 =	vmul.f32 $-1.999999960e-02, v23  }
0x1d8: {  	v6 =	vadd.f32 v19, v17;
	v19 =	vld [tilespmem:$0x1FAC0];
	(erf) = vpow2.f32 v31;
	v31 =	vadd.f32 v14, v24  }
0x1d9: {  	v16 =	vld [tilespmem:$0x1FB10];
	v5 =	vadd.f32 v3, v25;
	v3 =	vsub.f32 v11, v8  }
0x1da: {  	vm5 =	vlt.f32 v24, v0;
	v24 =	vand.u32 $0x7FFFFFFF, v10;
	vm6 =	vlt.f32 v31, v23;
	v23 =	vld [tilespmem:$0x1FB50]  }
0x1db: {  	v17 =	vmax.f32 v24, v8;
	v15 =	vadd.f32 v15, v12;
	v12 =	vld [tilespmem:$0x1FB60];
	v10 =	vmul.f32 $1.442695020e+00, v3  }
0x1dc: {  	v0 =	vmul.f32 $-1.999999960e-02, v17;
	v17 =	vld [tilespmem:$0x1FB80]  }
0x1dd: {  	v7 =	vadd.f32 v20, v19;
	v19 =	vpop (erf);
	(erf) = vpow2.f32 v10;
	v10 =	vadd.f32 v9, v18;
	v18 =	vld [tilespmem:$0x1FB20]  }
0x1de: {  	v20 =	vadd.f32 v22, v26;
	v27 =	vsel vm5, $0x0, v19;
	v26 =	vsel vm6, $0x0, v19;
	v19 =	vld [tilespmem:$0x1FB30]  }
0x1df: {  	v4 =	vadd.f32 v4, v16;
	v16 =	vld [tilespmem:$0x1FBC0]  }
0x1e0: {  	v47 =	vsel vm7, $0x0, v35;
	v1 =	vmax.f32 v24, v13;
	v31 =	vld [tilespmem:$0x1FB70]  }
0x1e1: {  	v22 =	vld [tilespmem:$0x1FB40];
	vm7 =	vlt.f32 v21, v0;
	v21 =	vadd.f32 v14, v21;
	v15 =	vadd.f32 v15, v17  }
0x1e2: {  	v17 =	vld [tilespmem:$0x1FBD0];
	v9 =	vadd.f32 v2, v18;
	v2 =	vadd.f32 v5, v23;
	v23 =	vmul.f32 $-1.999999960e-02, v1  }
0x1e3: {  	v6 =	vadd.f32 v6, v19;
	v5 =	vsub.f32 v12, v8;
	v18 =	vld [tilespmem:$0x1FB90]  }
0x1e4: {  	v35 =	vsel vm8, $0x0, v35;
	vm8 =	vlt.f32 v21, v23;
	v23 =	vld [tilespmem:$0x1FBA0]  }
0x1e5: {  	v24 =	vand.u32 $0x7FFFFFFF, v11;
	v11 =	vmul.f32 $1.442695020e+00, v5;
	v6 =	vadd.f32 v6, v16;
	v16 =	vld [tilespmem:$0x1FBF0]  }
0x1e6: {  	v21 =	vld [tilespmem:$0x1FC00]  }
0x1e7: {  	v19 =	vpop (erf);
	(erf) = vpow2.f32 v11;
	v11 =	vld [tilespmem:$0x1FBB0]  }
0x1e8: {  	v7 =	vadd.f32 v7, v22;
	v22 =	vmax.f32 v24, v8;
	v4 =	vadd.f32 v4, v18;
	v18 =	vld [tilespmem:$0x1FBE0]  }
0x1e9: {  	v0 =	vmul.f32 $-1.999999960e-02, v22  }
0x1ea: {  	v36 =	vsel vm9, $0x0, v40;
	v20 =	vadd.f32 v20, v31  }
0x1eb: {  	vm9 =	vlt.f32 v3, v0;
	v10 =	vadd.f32 v10, v23;
	v23 =	vsub.f32 v16, v8  }
0x1ec: {  	v7 =	vadd.f32 v7, v17;
	v17 =	vmax.f32 v24, v13;
	v20 =	vadd.f32 v20, v21;
	v21 =	vld [tilespmem:$0x1FC10]  }
0x1ed: {  	v9 =	vadd.f32 v9, v11;
	v11 =	vadd.f32 v2, v18;
	v18 =	vmul.f32 $1.442695020e+00, v23  }
0x1ee: {  	v24 =	vand.u32 $0x7FFFFFFF, v12;
	v12 =	vld [tilespmem:$0x1FC20];
	v2 =	vadd.f32 v14, v3;
	v3 =	vmul.f32 $-1.999999960e-02, v17  }
0x1ef: {  	v25 =	vsel vm7, $0x0, v19;
	v31 =	vsel vm8, $0x0, v19;
	v19 =	vpop (erf);
	(erf) = vpow2.f32 v18;
	v18 =	vld [tilespmem:$0x1FC30]  }
0x1f0: {  	v40 =	vsel vm10, $0x0, v40;
	vm10 =	vlt.f32 v2, v3  }
0x1f1: {  	v22 =	vsel vm9, $0x0, v19;
	v15 =	vadd.f32 v15, v21;
	v21 =	vsel vm10, $0x0, v19;
	v19 =	vld [tilespmem:$0x1FC40];
	_ =	sdelay $0x1  }
0x1f2: {  	v1 =	vld [tilespmem:$0x1FC80]  }
0x1f3: {  	v4 =	vadd.f32 v4, v12;
	v12 =	vadd.f32 v10, v18;
	v10 =	vld [tilespmem:$0x1FC50]  }
0x1f4: {  	v18 =	vld [tilespmem:$0x1FC70]  }
0x1f5: {  	v2 =	vadd.f32 v9, v19;
	v19 =	vld [tilespmem:$0x1FC90]  }
0x1f6: {  	v17 =	vmax.f32 v24, v8;
	v3 =	vmax.f32 v24, v13;
	v24 =	vand.u32 $0x7FFFFFFF, v16;
	v16 =	vld [tilespmem:$0x1FCA0]  }
0x1f7: {  	v0 =	vmul.f32 $-1.999999960e-02, v17;
	v17 =	vld [tilespmem:$0x1FC60];
	_ =	sdelay $0x1  }
0x1f8: {  	vm11 =	vlt.f32 v5, v0;
	v6 =	vadd.f32 v6, v10;
	v10 =	vadd.f32 v11, v18;
	v18 =	vld [tilespmem:$0x1FCB0]  }
0x1f9: {  	v5 =	vadd.f32 v14, v5;
	v20 =	vadd.f32 v20, v19;
	v19 =	vmul.f32 $-1.999999960e-02, v3  }
0x1fa: {  	v11 =	vsub.f32 v1, v8;
	v3 =	vadd.f32 v15, v16;
	v16 =	vld [tilespmem:$0x1FCC0]  }
0x1fb: {  	v7 =	vadd.f32 v7, v17;
	v9 =	vpop (erf);
	vm12 =	vlt.f32 v5, v19;
	v5 =	vld [tilespmem:$0x1FCE0]  }
0x1fc: {  	v17 =	vsel vm11, $0x0, v9;
	v0 =	vmul.f32 $1.442695020e+00, v11;
	v19 =	vsel vm12, $0x0, v9;
	v9 =	vld [tilespmem:$0x1FD00]  }
0x1fd: {  	v4 =	vadd.f32 v4, v18;
	v18 =	vmax.f32 v24, v8  }
0x1fe: {  	(erf) = vpow2.f32 v0;
	v0 =	vmul.f32 $-1.999999960e-02, v18;
	v18 =	vld [tilespmem:$0x1FCD0];
	_ =	sdelay $0x1  }
0x1ff: {  	v5 =	vadd.f32 v6, v5;
	v6 =	vld [tilespmem:$0x1FCF0]  }
0x200: {  	v15 =	vadd.f32 v12, v16;
	v12 =	vadd.f32 v10, v9;
	v10 =	vld [tilespmem:$0x1FD20];
	_ =	sdelay $0x1  }
0x201: {  	v16 =	vadd.f32 v2, v18;
	v2 =	vld [tilespmem:$0x1FD10];
	v12 =	vadd.f32 v12, v61  }
0x202: {  	vm13 =	vlt.f32 v23, v0;
	v61 =	vld [tilespmem:$0x1FD90]  }
0x203: {  	v0 =	vmax.f32 v24, v13;
	v6 =	vadd.f32 v7, v6;
	v12 =	vadd.f32 v12, v53  }
0x204: {  	v10 =	vadd.f32 v20, v10;
	v20 =	vadd.f32 v14, v23;
	v23 =	vmul.f32 $-1.999999960e-02, v0;
	v0 =	vld [tilespmem:$0x1FD30]  }
0x205: {  	v6 =	vadd.f32 v6, v63;
	v63 =	vld [tilespmem:$0x1FD80]  }
0x206: {  	v12 =	vadd.f32 v12, v49;
	v9 =	vsub.f32 v2, v8;
	vm14 =	vlt.f32 v20, v23;
	v23 =	vld [tilespmem:$0x1FD50]  }
0x207: {  	v24 =	vand.u32 $0x7FFFFFFF, v1;
	v20 =	vld [tilespmem:$0x1FD60];
	v10 =	vadd.f32 v10, v61  }
0x208: {  	v7 =	vpop (erf);
	v6 =	vadd.f32 v6, v55;
	v12 =	vadd.f32 v12, v37;
	v1 =	vmul.f32 $1.442695020e+00, v9  }
0x209: {  	v18 =	vsel vm13, $0x0, v7;
	v10 =	vadd.f32 v10, v54;
	v3 =	vadd.f32 v3, v0  }
0x20a: {  	v6 =	vadd.f32 v6, v48;
	v12 =	vadd.f32 v12, v32;
	(erf) = vpow2.f32 v1  }
0x20b: {  	v0 =	vld [tilespmem:$0x1FD40];
	v1 =	vsel vm14, $0x0, v7;
	v10 =	vadd.f32 v10, v44;
	v7 =	vadd.f32 v15, v23  }
0x20c: {  	v16 =	vadd.f32 v16, v20;
	v20 =	vsub.f32 v63, v8  }
0x20d: {  	v23 =	vld [tilespmem:$0x1FD70];
	v6 =	vadd.f32 v6, v39;
	v12 =	vadd.f32 v12, v22  }
0x20e: {  	v61 =	vmax.f32 v24, v13;
	v10 =	vadd.f32 v10, v38;
	v7 =	vadd.f32 v7, v62  }
0x20f: {  	v63 =	vand.u32 $0x7FFFFFFF, v63;
	v60 =	vadd.f32 v16, v60;
	v6 =	vadd.f32 v6, v33  }
0x210: {  	v62 =	vld [tilespmem:$0x1FDB0];
	v4 =	vadd.f32 v4, v0;
	v0 =	vmax.f32 v24, v8;
	v24 =	vand.u32 $0x7FFFFFFF, v2  }
0x211: {  	v2 =	vld [tilespmem:$0x1FDA0];
	v10 =	vadd.f32 v10, v30;
	v0 =	vmul.f32 $-1.999999960e-02, v0;
	v7 =	vadd.f32 v7, v56  }
0x212: {  	v6 =	vadd.f32 v6, v31;
	v5 =	vadd.f32 v5, v23;
	v23 =	vmul.f32 $-1.999999960e-02, v61  }
0x213: {  	v61 =	vmul.f32 $1.442695020e+00, v20;
	v4 =	vadd.f32 v4, v57;
	v10 =	vadd.f32 v10, v21  }
0x214: {  	v15 =	vpop (erf);
	vm15 =	vlt.f32 v11, v0;
	v11 =	vadd.f32 v14, v11;
	v7 =	vadd.f32 v7, v41  }
0x215: {  	v0 =	vsel vm15, $0x0, v15;
	v5 =	vadd.f32 v5, v59;
	v53 =	vsub.f32 v62, v8  }
0x216: {  	(erf) = vpow2.f32 v61;
	v4 =	vadd.f32 v4, v52;
	v3 =	vadd.f32 v3, v2  }
0x217: {  	v2 =	vmax.f32 v24, v8;
	vm4 =	vlt.f32 v11, v23;
	v24 =	vmax.f32 v24, v13  }
0x218: {  	v7 =	vadd.f32 v7, v36;
	v57 =	vmul.f32 $-1.999999960e-02, v2;
	v11 =	vsel vm4, $0x0, v15  }
0x219: {  	v24 =	vmul.f32 $-1.999999960e-02, v24;
	v16 =	vmul.f32 $1.442695020e+00, v53;
	v2 =	vadd.f32 v60, v50  }
0x21a: {  	v5 =	vadd.f32 v5, v51;
	v4 =	vadd.f32 v4, v46;
	v60 =	vmax.f32 v63, v13  }
0x21b: {  	v56 =	vadd.f32 v14, v53;
	v3 =	vadd.f32 v3, v58;
	v58 =	vmax.f32 v63, v8  }
0x21c: {  	v44 =	vmul.f32 $-1.999999960e-02, v60;
	v7 =	vadd.f32 v7, v27;
	vm5 =	vlt.f32 v9, v57  }
0x21d: {  	v31 =	vld [tilespmem:$0x1FE40];
	v61 =	vpop (erf);
	v9 =	vadd.f32 v14, v9;
	(erf) = vpow2.f32 v16;
	v2 =	vadd.f32 v2, v42  }
0x21e: {  	v51 =	vld [tilespmem:$0x1FDD0];
	v52 =	vmul.f32 $-1.999999960e-02, v58;
	v5 =	vadd.f32 v5, v43;
	v4 =	vadd.f32 v4, v35  }
0x21f: {  	v63 =	vld [tilespmem:$0x1FDC0];
	v23 =	vsel vm5, $0x0, v61;
	v3 =	vadd.f32 v3, v45;
	v7 =	vadd.f32 v7, v18  }
0x220: {  	vm7 =	vlt.f32 v20, v52;
	v20 =	vadd.f32 v14, v20;
	v2 =	vadd.f32 v2, v40  }
0x221: {  	vm6 =	vlt.f32 v9, v24;
	v5 =	vadd.f32 v5, v34;
	v4 =	vadd.f32 v4, v28  }
0x222: {  	v21 =	vadd.f32 v12, v23;
	v9 =	vsel vm6, $0x0, v61;
	v61 =	vand.u32 $0x7FFFFFFF, v62  }
0x223: {  	v52 =	vsub.f32 v51, v8;
	v3 =	vadd.f32 v3, v47;
	v60 =	vand.u32 $0x7FFFFFFF, v51  }
0x224: {  	v32 =	vld [tilespmem:$0x1FE50];
	vm6 =	vnez.u8 v31;
	v62 =	vmax.f32 v61, v8;
	v48 =	vsub.f32 v63, v8  }
0x225: {  	v39 =	vld [tilespmem:$0x1FEB0];
	vm8 =	vlt.f32 v20, v44;
	v54 =	vmax.f32 v61, v13;
	v2 =	vadd.f32 v2, v26  }
0x226: {  	v38 =	vld [tilespmem:$0x1FEA0];
	v57 =	vand.u32 $0x7FFFFFFF, v63;
	v5 =	vadd.f32 v5, v25;
	v4 =	vadd.f32 v4, v19  }
0x227: {  	v33 =	vld [tilespmem:$0x1FE60];
	v19 =	vadd.f32 v6, v11;
	v9 =	vadd.f32 v10, v9;
	v41 =	vmul.f32 $-1.999999960e-02, v62  }
0x228: {  	v36 =	vld [tilespmem:$0x1FE80];
	v55 =	vmul.f32 $1.442695020e+00, v52;
	v37 =	vmul.f32 $-1.999999960e-02, v54;
	v3 =	vadd.f32 v3, v29  }
0x229: {  	v46 =	vld [tilespmem:$0x1FF00];
	v59 =	vpop (erf);
	v58 =	vmax.f32 v57, v13;
	v13 =	vmax.f32 v60, v13;
	v18 =	vmax.f32 v57, v8  }
0x22a: {  	v35 =	vld [tilespmem:$0x1FE70];
	v8 =	vmax.f32 v60, v8;
	v24 =	vsel vm7, $0x0, v59;
	v15 =	vsel vm8, $0x0, v59  }
0x22b: {  	v23 =	vld [tilespmem:$0x1FDE0];
	v50 =	vmul.f32 $1.442695020e+00, v48;
	v59 =	vadd.f32 v14, v48;
	v27 =	vmul.f32 $-1.999999960e-02, v58  }
0x22c: {  	v28 =	vld [tilespmem:$0x1FE20];
	v14 =	vadd.f32 v14, v52;
	v13 =	vmul.f32 $-1.999999960e-02, v13;
	v1 =	vadd.f32 v2, v1  }
0x22d: {  	v42 =	vld [tilespmem:$0x1FED0];
	v0 =	vadd.f32 v5, v0;
	v2 =	vmul.f32 $-1.999999960e-02, v18;
	(erf) = vpow2.f32 v50  }
0x22e: {  	v45 =	vld [tilespmem:$0x1FEF0];
	v8 =	vmul.f32 $-1.999999960e-02, v8;
	vm7 =	vnez.u8 v32;
	v49 =	vpop (erf);
	(erf) = vpow2.f32 v55  }
0x22f: {  	v26 =	vld [tilespmem:$0x1FE00];
	vm8 =	vnez.u8 v35;
	vm9 =	vlt.f32 v53, v41;
	vm10 =	vlt.f32 v56, v37  }
0x230: {  	v29 =	vld [tilespmem:$0x1FE30];
	v3 =	vadd.f32 v3, v17;
	v4 =	vadd.f32 v4, v15;
	vm15 =	vnez.u8 v23  }
0x231: {  	vm5 =	vnez.u8 v28;
	v34 =	vsel vm7, $0x2D, v33;
	vm11 =	vlt.f32 v59, v27;
	v27 =	vld [tilespmem:$0x1FE10]  }
0x232: {  	v47 =	vld [tilespmem:$0x1FF10];
	vm12 =	vlt.f32 v14, v13;
	vm13 =	vlt.f32 v48, v2;
	vm14 =	vlt.f32 v52, v8  }
0x233: {  	v51 =	vld [tilespmem:$0x1FF50];
	v3 =	vadd.f32 v3, v24;
	v41 =	vsel vm9, $0x0, v49;
	v20 =	vsel vm10, $0x0, v49  }
0x234: {  	v44 =	vld [tilespmem:$0x1FEE0];
	vm4 =	vnez.u8 v26;
	v1 =	vadd.f32 v1, v20;
	v7 =	vadd.f32 v7, v41  }
0x235: {  	v30 =	vsel vm5, $0x3B, v29;
	vm9 =	vnez.u8 v36;
	vm10 =	vnez.u8 v38;
	v41 =	vld [tilespmem:$0x1FEC0]  }
0x236: {  	v54 =	vld [tilespmem:$0x1FF80];
	v1 =	vadd.f32 v1, v4;
	v6 =	vsel vm4, $0x2D, v27;
	v3 =	vadd.f32 v7, v3;
	v61 =	vpop (erf)  }
0x237: {  	v24 =	vld [tilespmem:$0x1FDF0];
	vm4 =	vnez.u8 v46;
	v62 =	vsel vm11, $0x0, v61;
	v63 =	vpop (erf);
	v2 =	vsel vm13, $0x0, v61  }
0x238: {  	v57 =	vld [tilespmem:$0x1FFB0];
	vm11 =	vnez.u8 v39;
	vm13 =	vnez.u8 v42;
	v13 =	vsel vm12, $0x0, v63  }
0x239: {  	v37 =	vld [tilespmem:$0x1FE90];
	v5 =	vadd.f32 v19, v62;
	v8 =	vsel vm14, $0x0, v63;
	v9 =	vadd.f32 v9, v13  }
0x23a: {  	v48 =	vld [tilespmem:$0x1FF20];
	v0 =	vadd.f32 v0, v2;
	vm12 =	vnez.u8 v41;
	v25 =	vadd.f32 v21, v8  }
0x23b: {  	v53 =	vld [tilespmem:$0x1FF70];
	v43 =	vsel vm13, $0x2E, v34;
	vm14 =	vnez.u8 v44;
	v22 =	vadd.f32 v9, v5  }
0x23c: {  	v56 =	vld [tilespmem:$0x1FFA0];
	v5 =	vsel vm15, $0x3B, v24;
	v0 =	vadd.f32 v25, v0;
	vm15 =	vnez.u8 v45  }
0x23d: {  	v52 =	vld [tilespmem:$0x1FF60];
	v4 =	vsel vm5, v29, v5;
	vm5 =	vnez.u8 v47;
	v1 =	vadd.f32 v22, v1  }
0x23e: {  	v55 =	vld [tilespmem:$0x1FF90];
	v2 =	vsel vm6, $0x3C, v4;
	v4 =	vsel vm7, v33, v6;
	v0 =	vadd.f32 v0, v3  }
0x23f: {  	v49 =	vld [tilespmem:$0x1FF30];
	v3 =	vsel vm8, $0x3C, v30;
	vm6 =	vnez.u8 v48;
	vm7 =	vnez.u8 v51  }
0x240: {  	v60 =	vld [tilespmem:$0x1FFE0];
	v2 =	vsel vm8, v30, v2;
	v4 =	vsel vm10, $0x2E, v4;
	v40 =	vsel vm11, $0x3D, v3  }
0x241: {  	v58 =	vld [tilespmem:$0x1FFC0];
	vm8 =	vnez.u8 v54;
	vm10 =	vnez.u8 v56;
	v1 =	vadd.f32 $-1.000000000e+00, v1  }
0x242: {  	v50 =	vld [tilespmem:$0x1FF40];
	v2 =	vsel vm9, $0x3D, v2;
	(erf) = vrcp.f32 v0;
	v5 =	vsel vm8, v53, v52  }
0x243: {  	v59 =	vld [tilespmem:$0x1FFD0];
	vm9 =	vnez.u8 v55;
	v0 =	vsel vm11, v3, v2;
	v1 =	vmul.f32 v1, v37  }
0x244: {  	v2 =	vsel vm14, $0x3E, v40;
	v3 =	vsel vm5, $0x2F, v43;
	v6 =	vsel vm9, v53, v49  }
0x245: {  	vm11 =	vnez.u8 v57;
	v0 =	vsel vm12, $0x3E, v0;
	(erf) = vrcp.f32 v1  }
0x246: {  	v61 =	vld [tilespmem:$0x1FFF0];
	vm12 =	vnez.u8 v58;
	v0 =	vsel vm14, v40, v0;
	vm14 =	vnez.u8 v60  }
0x247: {  	v1 =	vsel vm13, v34, v4;
	v0 =	vsel vm4, $0x3F, v0;
	v4 =	vsel vm7, v50, v49  }
0x248: {  	vm13 =	vnez.u8 v59;
	v1 =	vsel vm15, $0x2F, v1;
	v0 =	vsel vm6, v2, v0  }
0x249: {  	v2 =	vsel vm6, $0x3F, v2;
	v4 =	vsel vm9, v4, v5;
	v1 =	vsel vm5, v43, v1  }
0x24a: {  	s31 =	sand.u32 $0x300, s17;
	p1 =	sne.s32 s17, $0x3E0;
	v0 =	vsel vm10, v0, v3;
	v1 =	vsel vm11, v2, v1;
	v2 =	vsel vm12, v2, v3  }
.Ltmp0:
0x24b: {  	s18 =	sor.u32 s18, s31;
	vm15 =	vnez.u8 v61;
	v0 =	vsel vm12, v0, v1;
	v1 =	vsel vm14, v2, v6;
	(pc) =	sbr.rel @p1 .LBB2_3-.Ltmp0, $4  }
0x24c: {  	v2 =	vsel vm15, v2, v4;
	v0 =	vsel vm13, v0, v6;
	[tilespmem:s18+$0x8000] =	vst v1;
	v62 =	vpop (erf)  }
0x24d: {  	v0 =	vsel vm14, v0, v2;
	[tilespmem:s18+$0x8400] =	vst v62  }
0x24e: {  	[tilespmem:s18+$0x8080] =	vst v0;
	v63 =	vpop (erf)  }
0x24f: {  	s16 =	sadd.s32 $0x80, s16;
	s15 =	sadd.s32 $0x10, s15;
	s17 =	sadd.s32 $0x20, s17;
	[tilespmem:s18+$0x8480] =	vst v63  }
0x250: {  	s14 =	sshll.u32 s14, $0x7  }
0x251: {  	s15 =	sor.u32 s6, s14  }
0x252: {  	s14 =	sadd.s32 s2, s15  }
0x253: {  	[hbm4b:s14+s4] =	stream.linear.scatter [tilespmem:s11], [sflag:$0x1], $0x400, $0x38;
	[tilespmem:$0x8800] =	vst v63  }
0x254: {  	s14 =	simm.s32 $0x1  }
0x255: {  	_ =	swait.ge [sflag:s14], $0x400  }
0x256: {  	[sflag:s14] =	ssyncset.done $0x0  }
.Ltmp1:
0x257: {  	s15 =	sadd.s32 s3, s15;
	[sflag:s14] =	ssyncadd.s32 $0xFFFFFC00;
	(pc) =	sbr.rel @p0 .LBB2_2-.Ltmp1, $4  }
0x258: {  	[hbm4b:s15+s4] =	stream.linear.scatter [tilespmem:s12], [sflag:$0x1], $0x400, $0x38;
	[tilespmem:$0x8800] =	vst v63  }
0x259: {  	_ =	swait.ge [sflag:s14], $0x400  }
0x25a: {  	[sflag:s14] =	ssyncset.done $0x0  }
0x25b: {  	p1 =	por $0x0, $0x0;
	[sflag:s14] =	ssyncadd.s32 $0xFFFFFC00  }
0x25c: {  	s13 =	sadd.s32 $0x1, s13  }
0x25d: {  	p0 =	sne.s32 s13, s7  }
.Ltmp2:
0x25e: {  	_ = 	snop;
	(pc) =	sbr.rel @p0 .LBB2_1-.Ltmp2, $1  }
0x25f: {  	_ =	sdelay $0x3  }
0x260: {  	_ =	sfence.sel $0x180000  }
0x261: {  	[bflag:$0x0] =	sbarrier.arrive $0xFFFF  }
0x262: {  	p0 =	sne.s32 s1, $0x0;
	_ =	strace $0x90000047  }
0x263: {  	s0 =	sadd.s32 @!p0 $0x100000, s0;
	[bflag:$0x2] =	sbarrier.arrive $0xFFFF  }
0x264: {  	[sflag:s0] =	ssyncadd.tile.s32 @!p0 $0x1;
	_ =	shalt  }
.Lfunc_end2:
_tile_overlayer_lowered:
.L_overlay_start_2:
0x265: {  	(tag) =	ssettag $0x2  }
0x266: {  	s0 =	rddreg [dreg:$0x0];
	s2 =	stileid.u32  }
0x267: {  	s1 =	rddreg [dreg:$0x1];
	p0 =	sne.s32 s2, $0x0  }
0x268: {  	s3 =	rddreg [dreg:$0x2];
	[bflag:$0x3] =	sbarrier.arrive $0xFFFF;
	s2 =	simm.s32 @!p0 $0x1C01  }
0x269: {  	[timem:s3], [sflag:s2] =	dma.local @!p0 [hbm:s0], s1  }
0x26a: {  	s0 =	simm.s32 @!p0 $0x1  }
0x26b: {  	_ =	swait.ge @!p0 [sflag:s0], s1  }
0x26c: {  	s1 =	ssub.s32 @!p0 $0x0, s1;
	[sflag:s0] =	ssyncset.done @!p0 $0x0  }
0x26d: {  	[sflag:s0] =	ssyncadd.s32 @!p0 s1  }
0x26e: {  	[bflag:$0x3] =	sbarrier.arrive $0xFFFF  }
0x26f: {  	_ =	shalt  }

</sc_bundles>
